<compile_context>
chip_gen: v7x
topology: tpu7x:2x2x1
jax: 0.10.2.dev20260603
libtpu: 0.0.44.dev20260713+nightly
codegen_flags: <defaults>
</compile_context>

<pallas_src>
import jax
import jax.numpy as jnp
from jax import lax
from jax.experimental import pallas as pl
from jax.experimental.pallas import tpu as pltpu
from jax.experimental.pallas import tpu_sc as plsc

N = 10000
E = 320000
D_IN = 128
D_HID = 16
D_OUT = 128

NC = 2
NS = 16
NW = NC * NS
B = 128
GTOT = E // B
K = 79
KB = K * B
NPAD = 10240
RPC = NPAD // NS
DEPTH = 4
GD = 8

_sc_mesh = plsc.VectorSubcoreMesh(
    core_axis_name="c", subcore_axis_name="s", num_cores=NC, num_subcores=NS)
_sc_params = pltpu.CompilerParams(use_tc_tiling_on_sc=False)

_f32 = jnp.float32


def _worker_span(c, s):
  wid = s * NC + c
  gbase = jnp.minimum(wid * K, GTOT - K)
  j0 = wid * K - gbase
  return gbase, j0


def _fill_rows(buf, n, val):
  def st(i, carry):
    buf[i] = jnp.full((D_HID,), val, _f32)
    return carry
  lax.fori_loop(0, n, st, 0)


def _fill_flat(buf, n, val):
  def st(i, carry):
    buf[pl.ds(i * D_HID, D_HID)] = jnp.full((D_HID,), val, _f32)
    return carry
  lax.fori_loop(0, n // D_HID, st, 0)


def _deg_body(ei_hbm, out_hbm, acc_sh, dst_1d, ones_v, zbuf, sem0, sem1):
  c = lax.axis_index("c")
  s = lax.axis_index("s")
  gbase, j0 = _worker_span(c, s)
  rows = pl.ds(s * RPC, RPC)
  pltpu.async_copy(ei_hbm.at[1, pl.ds(gbase * B, KB)], dst_1d, sem1)
  _fill_flat(zbuf, RPC, 0.0)
  _fill_flat(ones_v, B, 1.0)
  pltpu.sync_copy(zbuf, acc_sh.at[rows])
  pltpu.make_async_copy(ei_hbm.at[1, pl.ds(0, KB)], dst_1d, sem1).wait()
  plsc.subcore_barrier()

  def issue(j):
    pltpu.async_copy(ones_v, acc_sh.at[dst_1d.at[pl.ds(j * B, B)]], sem0,
                     add=True)

  def wait_one():
    pltpu.make_async_copy(ones_v, acc_sh.at[dst_1d.at[pl.ds(0, B)]],
                          sem0).wait()

  def prime(j, carry):
    issue(j0 + j)
    return carry
  lax.fori_loop(0, DEPTH, prime, 0)

  def step(j, carry):
    wait_one()
    issue(j)
    return carry
  lax.fori_loop(j0 + DEPTH, K, step, 0)

  def drain(j, carry):
    wait_one()
    return carry
  lax.fori_loop(0, DEPTH, drain, 0)

  plsc.subcore_barrier()
  pltpu.sync_copy(acc_sh.at[rows], zbuf)
  pltpu.sync_copy(zbuf, out_hbm.at[c, rows])


_deg_sc = pl.kernel(
    _deg_body,
    out_type=jax.ShapeDtypeStruct((NC, NPAD), _f32),
    mesh=_sc_mesh,
    compiler_params=_sc_params,
    scratch_types=[
        pltpu.VMEM_SHARED((NPAD,), _f32),
        pltpu.VMEM((KB,), jnp.int32),
        pltpu.VMEM((B,), _f32),
        pltpu.VMEM((RPC,), _f32),
        pltpu.SemaphoreType.DMA,
        pltpu.SemaphoreType.DMA,
    ],
)


def _edge_loop(j0, src_1d, dst_1d, hs_sh, acc_sh, mbig, sg, st):

  def row(j):
    return lax.rem(j - j0, 2 * GD)

  def g_issue(j):
    pltpu.async_copy(hs_sh.at[src_1d.at[pl.ds(j * B, B)]], mbig.at[row(j)],
                     sg)

  def g_wait():
    pltpu.make_async_copy(hs_sh.at[src_1d.at[pl.ds(0, B)]], mbig.at[0],
                          sg).wait()

  def s_issue(j):
    pltpu.async_copy(mbig.at[row(j)],
                     acc_sh.at[dst_1d.at[pl.ds(j * B, B)]], st, add=True)

  def s_wait():
    pltpu.make_async_copy(mbig.at[0], acc_sh.at[dst_1d.at[pl.ds(0, B)]],
                          st).wait()

  def pro(i, carry):
    g_issue(j0 + i)
    return carry
  lax.fori_loop(0, GD, pro, 0)

  def l1(j, carry):
    g_wait()
    s_issue(j)
    g_issue(j + GD)
    return carry
  lax.fori_loop(j0, j0 + GD, l1, 0)

  def l2(j, carry):
    g_wait()
    s_issue(j)
    s_wait()
    g_issue(j + GD)
    return carry
  lax.fori_loop(j0 + GD, K - GD, l2, 0)

  def l3(j, carry):
    g_wait()
    s_issue(j)
    s_wait()
    return carry
  lax.fori_loop(K - GD, K, l3, 0)

  def l4(i, carry):
    s_wait()
    return carry
  lax.fori_loop(0, GD, l4, 0)


def _agg1_body(hs_hbm, ei_hbm, out_hbm,
               acc_sh, hs_sh, src_1d, dst_1d, mbig, zbuf, s0, s1, sg, st):
  c = lax.axis_index("c")
  s = lax.axis_index("s")
  gbase, j0 = _worker_span(c, s)
  rows = pl.ds(s * RPC, RPC)
  pltpu.async_copy(hs_hbm.at[rows, pl.ds(0, D_HID)], hs_sh.at[rows], s0)
  pltpu.async_copy(ei_hbm.at[0, pl.ds(gbase * B, KB)], src_1d, s1)
  pltpu.async_copy(ei_hbm.at[1, pl.ds(gbase * B, KB)], dst_1d, s1)
  _fill_rows(zbuf, RPC, 0.0)
  pltpu.sync_copy(zbuf, acc_sh.at[rows])
  pltpu.make_async_copy(hs_hbm.at[rows, pl.ds(0, D_HID)], hs_sh.at[rows],
                        s0).wait()
  pltpu.make_async_copy(ei_hbm.at[0, pl.ds(0, KB)], src_1d, s1).wait()
  pltpu.make_async_copy(ei_hbm.at[0, pl.ds(0, KB)], dst_1d, s1).wait()
  plsc.subcore_barrier()
  _edge_loop(j0, src_1d, dst_1d, hs_sh, acc_sh, mbig, sg, st)
  plsc.subcore_barrier()
  pltpu.sync_copy(acc_sh.at[rows], zbuf)
  pltpu.sync_copy(zbuf, out_hbm.at[c, rows])


_agg1_sc = pl.kernel(
    _agg1_body,
    out_type=jax.ShapeDtypeStruct((NC, NPAD, D_HID), _f32),
    mesh=_sc_mesh,
    compiler_params=_sc_params,
    scratch_types=[
        pltpu.VMEM_SHARED((NPAD, D_HID), _f32),
        pltpu.VMEM_SHARED((NPAD, D_HID), _f32),
        pltpu.VMEM((KB,), jnp.int32),
        pltpu.VMEM((KB,), jnp.int32),
        pltpu.VMEM((2 * GD, B, D_HID), _f32),
        pltpu.VMEM((RPC, D_HID), _f32),
        pltpu.SemaphoreType.DMA,
        pltpu.SemaphoreType.DMA,
        pltpu.SemaphoreType.DMA,
        pltpu.SemaphoreType.DMA,
    ],
)


def _agg2_body(aggp_hbm, hs1_hbm, dis_hbm, ei_hbm, out_hbm, hs2_hbm,
               acc_sh, hs_sh, src_1d, dst_1d, mbig,
               p0b, p1b, h1b, disb1, zbuf, zbufz, s0, s1, sg, st):
  c = lax.axis_index("c")
  s = lax.axis_index("s")
  gbase, j0 = _worker_span(c, s)
  rows = pl.ds(s * RPC, RPC)
  pltpu.async_copy(aggp_hbm.at[0, rows], p0b, s0)
  pltpu.async_copy(aggp_hbm.at[1, rows], p1b, s0)
  pltpu.async_copy(hs1_hbm.at[rows, pl.ds(0, D_HID)], h1b, s0)
  pltpu.async_copy(dis_hbm.at[rows], disb1.at[pl.ds(0, RPC)], s0)
  pltpu.async_copy(ei_hbm.at[0, pl.ds(gbase * B, KB)], src_1d, s1)
  pltpu.async_copy(ei_hbm.at[1, pl.ds(gbase * B, KB)], dst_1d, s1)
  _fill_rows(zbufz, RPC, 0.0)
  pltpu.sync_copy(zbufz, acc_sh.at[rows])
  pltpu.make_async_copy(aggp_hbm.at[0, rows], p0b, s0).wait()
  pltpu.make_async_copy(aggp_hbm.at[1, rows], p1b, s0).wait()
  pltpu.make_async_copy(hs1_hbm.at[rows, pl.ds(0, D_HID)], h1b, s0).wait()
  pltpu.make_async_copy(dis_hbm.at[rows], disb1.at[pl.ds(0, RPC)], s0).wait()

  def ew(i, carry):
    a = p0b[i] + p1b[i] + h1b[i]
    d = disb1[pl.ds(i, D_HID)][0]
    zbuf[i] = jnp.maximum(a * d, 0.0) * d
    return carry
  lax.fori_loop(0, RPC, ew, 0)

  pltpu.async_copy(zbuf, hs_sh.at[rows], sg)

  @pl.when(c == 0)
  def _():
    pltpu.async_copy(zbuf, hs2_hbm.at[rows], s0)

  pltpu.make_async_copy(ei_hbm.at[0, pl.ds(0, KB)], src_1d, s1).wait()
  pltpu.make_async_copy(ei_hbm.at[0, pl.ds(0, KB)], dst_1d, s1).wait()
  pltpu.make_async_copy(zbuf, hs_sh.at[rows], sg).wait()
  plsc.subcore_barrier()
  _edge_loop(j0, src_1d, dst_1d, hs_sh, acc_sh, mbig, sg, st)

  @pl.when(c == 0)
  def _():
    pltpu.make_async_copy(zbuf, hs2_hbm.at[rows], s0).wait()

  plsc.subcore_barrier()
  pltpu.sync_copy(acc_sh.at[rows], zbuf)
  pltpu.sync_copy(zbuf, out_hbm.at[c, rows])


_agg2_sc = pl.kernel(
    _agg2_body,
    out_type=(jax.ShapeDtypeStruct((NC, NPAD, D_HID), _f32),
              jax.ShapeDtypeStruct((NPAD, D_HID), _f32)),
    mesh=_sc_mesh,
    compiler_params=_sc_params,
    scratch_types=[
        pltpu.VMEM_SHARED((NPAD, D_HID), _f32),
        pltpu.VMEM_SHARED((NPAD, D_HID), _f32),
        pltpu.VMEM((KB,), jnp.int32),
        pltpu.VMEM((KB,), jnp.int32),
        pltpu.VMEM((2 * GD, B, D_HID), _f32),
        pltpu.VMEM((RPC, D_HID), _f32),
        pltpu.VMEM((RPC, D_HID), _f32),
        pltpu.VMEM((RPC, D_HID), _f32),
        pltpu.VMEM((RPC + D_HID,), _f32),
        pltpu.VMEM((RPC, D_HID), _f32),
        pltpu.VMEM((RPC, D_HID), _f32),
        pltpu.SemaphoreType.DMA,
        pltpu.SemaphoreType.DMA,
        pltpu.SemaphoreType.DMA,
        pltpu.SemaphoreType.DMA,
    ],
)


def _mm_body(x_ref, w1_ref, xw_ref):
  xw_ref[...] = jnp.dot(x_ref[...], w1_ref[...], preferred_element_type=_f32)


def _scale_body(xw_ref, degp_ref, hs1_ref, dis_ref):
  degp = degp_ref[...]
  deg = degp[0] + degp[1] + 1.0
  dis = lax.rsqrt(deg)
  dis_ref[...] = dis
  hs1_ref[:N, :D_HID] = xw_ref[...] * dis[:N, None]


def _fin_body(aggp_ref, hs2_ref, dis_ref, w2_ref, out_ref):
  aggp = aggp_ref[...]
  dis = dis_ref[...]
  a = (aggp[0, :N, :] + aggp[1, :N, :] + hs2_ref[:N, :]) * dis[:N, None]
  out_ref[...] = jnp.dot(a, w2_ref[...], preferred_element_type=_f32)


def kernel(x, edge_index, W1, W2):
  xw = pl.pallas_call(
      _mm_body,
      out_shape=jax.ShapeDtypeStruct((N, D_HID), _f32),
  )(x, W1)

  degp = _deg_sc(edge_index)

  hs1, dis = pl.pallas_call(
      _scale_body,
      out_shape=(jax.ShapeDtypeStruct((NPAD, D_IN), _f32),
                 jax.ShapeDtypeStruct((NPAD,), _f32)),
  )(xw, degp)

  agg1 = _agg1_sc(hs1, edge_index)
  agg2, hs2 = _agg2_sc(agg1, hs1, dis, edge_index)

  out = pl.pallas_call(
      _fin_body,
      out_shape=jax.ShapeDtypeStruct((N, D_OUT), _f32),
  )(agg2, hs2, dis, W2)

  return out

# --- scband reference (transcript-rebuilt; emitter-appended) ---
"""Pipeline reference for scband-sat-9466107920386 (READ-ONLY COPY).

The authoritative reference and input builder live on the scoring server;
editing this copy changes nothing except your own understanding.
"""

import jax, jax.numpy as jnp
import numpy as np

N = 10000
E = 320000
D_IN = 128
D_HID = 16
D_OUT = 128


def _gcn_conv(x, W, src, dst, n):
    # SATConv (GCN-style, normalize=True, bias=False): linear then symmetric-normalized aggregation
    h = x @ W
    w = jnp.ones(src.shape[0], dtype=h.dtype)
    deg = jnp.zeros(n, dtype=h.dtype).at[dst].add(w)
    deg_inv_sqrt = jnp.where(deg > 0, jax.lax.rsqrt(jnp.where(deg > 0, deg, 1.0)), 0.0)
    norm = deg_inv_sqrt[src] * deg_inv_sqrt[dst]
    msg = h[src] * norm[:, None]
    out = jnp.zeros((n, h.shape[1]), dtype=h.dtype).at[dst].add(msg)
    return out


def setup_inputs(seed: int = 0) -> dict:
    key = jax.random.key(seed)
    k1, k2, k3, k4 = jax.random.split(key, 4)
    x = jax.random.normal(k1, (N, D_IN), dtype=jnp.float32)
    edge_index = jax.random.randint(k2, (2, E), 0, N, dtype=jnp.int32)
    W1 = jax.random.normal(k3, (D_IN, D_HID), dtype=jnp.float32) * (1.0 / np.sqrt(D_IN))
    W2 = jax.random.normal(k4, (D_HID, D_OUT), dtype=jnp.float32) * (1.0 / np.sqrt(D_HID))
    return {"x": x, "edge_index": edge_index, "W1": W1, "W2": W2}


def reference(x, edge_index, W1, W2):
    # gcn_norm with add_self_loops=True
    loop = jnp.arange(N, dtype=edge_index.dtype)
    src = jnp.concatenate([edge_index[0], loop])
    dst = jnp.concatenate([edge_index[1], loop])
    # layer 1: SATConv(128 -> 16) + ReLU (dropout is identity in eval mode)
    h = _gcn_conv(x, W1, src, dst, N)
    h = jax.nn.relu(h)
    # layer 2: SATConv(16 -> 128)
    out = _gcn_conv(h, W2, src, dst, N)
    return out

if __name__ == "__main__":
    import jax
    _d = setup_inputs()
    print(jax.jit(kernel)(*tuple(_d.values())))

</pallas_src>

<mosaic_0001>
#map = affine_map<(d0, d1) -> (0, 0)>
#map1 = affine_map<(d0, d1) -> (0, 0, 0)>
module attributes {stable_mosaic.version = 14 : i64} {
  func.func @_agg1_body(%arg0: i32, %arg1: i32, %arg2: memref<10240x128xf32, #tpu.memory_space<hbm>>, %arg3: memref<2x320000xi32, #tpu.memory_space<hbm>>, %arg4: memref<2x10240x16xf32, #tpu.memory_space<hbm>>, %arg5: memref<10240x16xf32, #tpu.memory_space<vmem_shared>>, %arg6: memref<10240x16xf32, #tpu.memory_space<vmem_shared>>, %arg7: memref<10112xi32, #tpu.memory_space<vmem>>, %arg8: memref<10112xi32, #tpu.memory_space<vmem>>, %arg9: memref<16x128x16xf32, #tpu.memory_space<vmem>>, %arg10: memref<640x16xf32, #tpu.memory_space<vmem>>, %arg11: memref<!tpu.dma_semaphore, #tpu.memory_space<semaphore_mem>>, %arg12: memref<!tpu.dma_semaphore, #tpu.memory_space<semaphore_mem>>, %arg13: memref<!tpu.dma_semaphore, #tpu.memory_space<semaphore_mem>>, %arg14: memref<!tpu.dma_semaphore, #tpu.memory_space<semaphore_mem>>) attributes {dimension_semantics = [#tpu.dimension_semantics<core_parallel>, #tpu.dimension_semantics<subcore_parallel>], iteration_bounds = array<i64: 2, 16>, scalar_prefetch = 0 : i64, scratch_operands = 10 : i64, tpu.core_type = #tpu.core_type<sc_vector_subcore>, window_params = [{transform_indices = #map}, {transform_indices = #map}, {transform_indices = #map1}]} {
    %mul3A = arith.constant 2 : i32
    %mul3A_0 = arith.muli %arg1, %mul3A : i32
    %add3A = arith.addi %mul3A_0, %arg0 : i32
    %mul3A_1 = arith.constant 79 : i32
    %mul3A_2 = arith.muli %add3A, %mul3A_1 : i32
    %min3A = arith.constant 2421 : i32
    %min3A_3 = arith.minsi %mul3A_2, %min3A : i32
    %mul3A_4 = arith.constant 79 : i32
    %mul3A_5 = arith.muli %add3A, %mul3A_4 : i32
    %sub3A = arith.subi %mul3A_5, %min3A_3 : i32
    %mul3A_6 = arith.constant 640 : i32
    %mul3A_7 = arith.muli %arg1, %mul3A_6 : i32
    %dma_start3A = arith.constant 0 : i32
    %dma_start3A_8 = tpu.memref_slice %arg6[%mul3A_7, %dma_start3A] : memref<10240x16xf32, #tpu.memory_space<vmem_shared>> -> memref<640x16xf32, #tpu.memory_space<vmem_shared>>
    %dma_start3A_9 = arith.constant 0 : i32
    %dma_start3A_10 = tpu.memref_slice %arg2[%mul3A_7, %dma_start3A_9] : memref<10240x128xf32, #tpu.memory_space<hbm>> -> memref<640x16xf32, #tpu.memory_space<hbm>>
    tpu.enqueue_dma source(%dma_start3A_10 : memref<640x16xf32, #tpu.memory_space<hbm>>) target(%dma_start3A_8 : memref<640x16xf32, #tpu.memory_space<vmem_shared>>) target_semaphore(%arg11 : memref<!tpu.dma_semaphore, #tpu.memory_space<semaphore_mem>>)
    %mul3A_11 = arith.constant 128 : i32
    %mul3A_12 = arith.muli %min3A_3, %mul3A_11 : i32
    %dma_start3A_13 = arith.constant 0 : i32
    %dma_start3A_14 = tpu.memref_slice %arg3[%dma_start3A_13, %mul3A_12] : memref<2x320000xi32, #tpu.memory_space<hbm>> -> memref<1x10112xi32, #tpu.memory_space<hbm>>
    %dma_start3A_15 = tpu.memref_squeeze %dma_start3A_14 : memref<1x10112xi32, #tpu.memory_space<hbm>> -> memref<10112xi32, #tpu.memory_space<hbm>>
    %dma_start3A_16 = tpu.memref_slice %arg3[%dma_start3A_13, %mul3A_12] : memref<2x320000xi32, #tpu.memory_space<hbm>> -> memref<1x10112xi32, #tpu.memory_space<hbm>>
    %dma_start3A_17 = tpu.memref_squeeze %dma_start3A_16 : memref<1x10112xi32, #tpu.memory_space<hbm>> -> memref<10112xi32, #tpu.memory_space<hbm>>
    tpu.enqueue_dma source(%dma_start3A_17 : memref<10112xi32, #tpu.memory_space<hbm>>) target(%arg7 : memref<10112xi32, #tpu.memory_space<vmem>>) target_semaphore(%arg12 : memref<!tpu.dma_semaphore, #tpu.memory_space<semaphore_mem>>)
    %mul3A_18 = arith.constant 128 : i32
    %mul3A_19 = arith.muli %min3A_3, %mul3A_18 : i32
    %dma_start3A_20 = arith.constant 1 : i32
    %dma_start3A_21 = tpu.memref_slice %arg3[%dma_start3A_20, %mul3A_19] : memref<2x320000xi32, #tpu.memory_space<hbm>> -> memref<1x10112xi32, #tpu.memory_space<hbm>>
    %dma_start3A_22 = tpu.memref_squeeze %dma_start3A_21 : memref<1x10112xi32, #tpu.memory_space<hbm>> -> memref<10112xi32, #tpu.memory_space<hbm>>
    %dma_start3A_23 = tpu.memref_slice %arg3[%dma_start3A_20, %mul3A_19] : memref<2x320000xi32, #tpu.memory_space<hbm>> -> memref<1x10112xi32, #tpu.memory_space<hbm>>
    %dma_start3A_24 = tpu.memref_squeeze %dma_start3A_23 : memref<1x10112xi32, #tpu.memory_space<hbm>> -> memref<10112xi32, #tpu.memory_space<hbm>>
    tpu.enqueue_dma source(%dma_start3A_24 : memref<10112xi32, #tpu.memory_space<hbm>>) target(%arg8 : memref<10112xi32, #tpu.memory_space<vmem>>) target_semaphore(%arg12 : memref<!tpu.dma_semaphore, #tpu.memory_space<semaphore_mem>>)
    %scan3A = arith.constant 0 : i32
    %scan3A_25 = arith.constant 0 : i32
    %scan3A_26 = arith.constant 640 : i32
    %scan3A_27 = arith.addi %scan3A_25, %scan3A_26 : i32
    %scan3A_28 = arith.constant 1 : i32
    scf.for %scan3A_88 = %scan3A_25 to %scan3A_27 step %scan3A_28  : i32 {
      %broadcast_in_dim3A = arith.constant 0.000000e+00 : f32
      %broadcast_in_dim3A_89 = vector.broadcast %broadcast_in_dim3A : f32 to vector<16xf32>
      %swap3A = arith.index_cast %scan3A_88 : i32 to index
      %swap3A_90 = arith.constant 0 : index
      %swap3A_91 = tpu.vector_load %arg10[%swap3A, %swap3A_90] {strides = array<i32>} : memref<640x16xf32, #tpu.memory_space<vmem>>, vector<1x16xf32>,
      %swap3A_92 = vector.shape_cast %swap3A_91 : vector<1x16xf32> to vector<16xf32>
      %swap3A_93 = vector.shape_cast %broadcast_in_dim3A_89 : vector<16xf32> to vector<1x16xf32>
      tpu.vector_store %arg10[%swap3A, %swap3A_90], %swap3A_93 {strides = array<i32>} : memref<640x16xf32, #tpu.memory_space<vmem>>, vector<1x16xf32>,
    }
    %scan3A_29 = arith.constant 640 : i32
    "tpu.region"() ({
      %run_scoped3A = tpu.sem_alloc : memref<!tpu.dma_semaphore, #tpu.memory_space<semaphore_mem>>
      %dma_start3A_88 = arith.constant 0 : i32
      %dma_start3A_89 = tpu.memref_slice %arg5[%mul3A_7, %dma_start3A_88] : memref<10240x16xf32, #tpu.memory_space<vmem_shared>> -> memref<640x16xf32, #tpu.memory_space<vmem_shared>>
      %dma_start3A_90 = arith.constant 0 : i32
      %dma_start3A_91 = tpu.memref_slice %arg5[%mul3A_7, %dma_start3A_90] : memref<10240x16xf32, #tpu.memory_space<vmem_shared>> -> memref<640x16xf32, #tpu.memory_space<vmem_shared>>
      tpu.enqueue_dma source(%arg10 : memref<640x16xf32, #tpu.memory_space<vmem>>) target(%dma_start3A_91 : memref<640x16xf32, #tpu.memory_space<vmem_shared>>) target_semaphore(%run_scoped3A : memref<!tpu.dma_semaphore, #tpu.memory_space<semaphore_mem>>)
      %dma_wait3A_92 = arith.constant 0 : i32
      %dma_wait3A_93 = tpu.memref_slice %arg5[%mul3A_7, %dma_wait3A_92] : memref<10240x16xf32, #tpu.memory_space<vmem_shared>> -> memref<640x16xf32, #tpu.memory_space<vmem_shared>>
      %dma_wait3A_94 = arith.constant 0 : i32
      %dma_wait3A_95 = tpu.memref_slice %arg5[%mul3A_7, %dma_wait3A_94] : memref<10240x16xf32, #tpu.memory_space<vmem_shared>> -> memref<640x16xf32, #tpu.memory_space<vmem_shared>>
      tpu.wait_dma2 semaphore(%run_scoped3A : memref<!tpu.dma_semaphore, #tpu.memory_space<semaphore_mem>>) src(%arg10 : memref<640x16xf32, #tpu.memory_space<vmem>>) dst(%dma_wait3A_95 : memref<640x16xf32, #tpu.memory_space<vmem_shared>>)
      tpu.yield
    }) : () -> ()
    %dma_wait3A = arith.constant 0 : i32
    %dma_wait3A_30 = tpu.memref_slice %arg6[%mul3A_7, %dma_wait3A] : memref<10240x16xf32, #tpu.memory_space<vmem_shared>> -> memref<640x16xf32, #tpu.memory_space<vmem_shared>>
    %dma_wait3A_31 = arith.constant 0 : i32
    %dma_wait3A_32 = tpu.memref_slice %arg2[%mul3A_7, %dma_wait3A_31] : memref<10240x128xf32, #tpu.memory_space<hbm>> -> memref<640x16xf32, #tpu.memory_space<hbm>>
    tpu.wait_dma2 semaphore(%arg11 : memref<!tpu.dma_semaphore, #tpu.memory_space<semaphore_mem>>) src(%dma_wait3A_32 : memref<640x16xf32, #tpu.memory_space<hbm>>) dst(%dma_wait3A_30 : memref<640x16xf32, #tpu.memory_space<vmem_shared>>)
    %dma_wait3A_33 = arith.constant 0 : i32
    %dma_wait3A_34 = arith.constant 0 : i32
    %dma_wait3A_35 = tpu.memref_slice %arg3[%dma_wait3A_33, %dma_wait3A_34] : memref<2x320000xi32, #tpu.memory_space<hbm>> -> memref<1x10112xi32, #tpu.memory_space<hbm>>
    %dma_wait3A_36 = tpu.memref_squeeze %dma_wait3A_35 : memref<1x10112xi32, #tpu.memory_space<hbm>> -> memref<10112xi32, #tpu.memory_space<hbm>>
    %dma_wait3A_37 = arith.constant 0 : i32
    %dma_wait3A_38 = tpu.memref_slice %arg3[%dma_wait3A_33, %dma_wait3A_37] : memref<2x320000xi32, #tpu.memory_space<hbm>> -> memref<1x10112xi32, #tpu.memory_space<hbm>>
    %dma_wait3A_39 = tpu.memref_squeeze %dma_wait3A_38 : memref<1x10112xi32, #tpu.memory_space<hbm>> -> memref<10112xi32, #tpu.memory_space<hbm>>
    tpu.wait_dma2 semaphore(%arg12 : memref<!tpu.dma_semaphore, #tpu.memory_space<semaphore_mem>>) src(%dma_wait3A_39 : memref<10112xi32, #tpu.memory_space<hbm>>) dst(%arg7 : memref<10112xi32, #tpu.memory_space<vmem>>)
    %dma_wait3A_40 = arith.constant 0 : i32
    %dma_wait3A_41 = arith.constant 0 : i32
    %dma_wait3A_42 = tpu.memref_slice %arg3[%dma_wait3A_40, %dma_wait3A_41] : memref<2x320000xi32, #tpu.memory_space<hbm>> -> memref<1x10112xi32, #tpu.memory_space<hbm>>
    %dma_wait3A_43 = tpu.memref_squeeze %dma_wait3A_42 : memref<1x10112xi32, #tpu.memory_space<hbm>> -> memref<10112xi32, #tpu.memory_space<hbm>>
    %dma_wait3A_44 = arith.constant 0 : i32
    %dma_wait3A_45 = tpu.memref_slice %arg3[%dma_wait3A_40, %dma_wait3A_44] : memref<2x320000xi32, #tpu.memory_space<hbm>> -> memref<1x10112xi32, #tpu.memory_space<hbm>>
    %dma_wait3A_46 = tpu.memref_squeeze %dma_wait3A_45 : memref<1x10112xi32, #tpu.memory_space<hbm>> -> memref<10112xi32, #tpu.memory_space<hbm>>
    tpu.wait_dma2 semaphore(%arg12 : memref<!tpu.dma_semaphore, #tpu.memory_space<semaphore_mem>>) src(%dma_wait3A_46 : memref<10112xi32, #tpu.memory_space<hbm>>) dst(%arg8 : memref<10112xi32, #tpu.memory_space<vmem>>)
    %barrier3A = arith.constant 0 : index
    tpu.barrier barrier_id(%barrier3A)
    %scan3A_47 = arith.constant 0 : i32
    %scan3A_48 = arith.constant 0 : i32
    %scan3A_49 = arith.constant 8 : i32
    %scan3A_50 = arith.addi %scan3A_48, %scan3A_49 : i32
    %scan3A_51 = arith.constant 1 : i32
    scf.for %scan3A_88 = %scan3A_48 to %scan3A_50 step %scan3A_51  : i32 {
      %add3A_89 = arith.addi %sub3A, %scan3A_88 : i32
      %mul3A_90 = arith.constant 128 : i32
      %mul3A_91 = arith.muli %add3A_89, %mul3A_90 : i32
      %sub3A_92 = arith.subi %add3A_89, %sub3A : i32
      %rem3A = arith.constant 16 : i32
      %rem3A_93 = arith.remsi %sub3A_92, %rem3A : i32
      %dma_start3A_94 = arith.constant 0 : i32
      %dma_start3A_95 = arith.constant 0 : i32
      %dma_start3A_96 = tpu.memref_slice %arg9[%rem3A_93, %dma_start3A_94, %dma_start3A_95] : memref<16x128x16xf32, #tpu.memory_space<vmem>> -> memref<1x128x16xf32, #tpu.memory_space<vmem>>
      %dma_start3A_97 = tpu.memref_squeeze %dma_start3A_96 : memref<1x128x16xf32, #tpu.memory_space<vmem>> -> memref<128x16xf32, #tpu.memory_space<vmem>>
      %dma_start3A_98 = tpu.memref_slice %arg7[%mul3A_91] : memref<10112xi32, #tpu.memory_space<vmem>> -> memref<128xi32, #tpu.memory_space<vmem>>
      %dma_start3A_99 = arith.constant 0 : i32
      %dma_start3A_100 = arith.constant 0 : i32
      %dma_start3A_101 = tpu.memref_slice %arg6[%dma_start3A_99, %dma_start3A_100] : memref<10240x16xf32, #tpu.memory_space<vmem_shared>> -> memref<10240x16xf32, #tpu.memory_space<vmem_shared>>
      tpu.enqueue_indirect_dma source(%dma_start3A_101 : memref<10240x16xf32, #tpu.memory_space<vmem_shared>>) target(%dma_start3A_97 : memref<128x16xf32, #tpu.memory_space<vmem>>) offsets(%dma_start3A_98 : memref<128xi32, #tpu.memory_space<vmem>>) semaphore(%arg13 : memref<!tpu.dma_semaphore, #tpu.memory_space<semaphore_mem>>)
    }
    %scan3A_52 = arith.constant 8 : i32
    %add3A_53 = arith.constant 8 : i32
    %add3A_54 = arith.addi %sub3A, %add3A_53 : i32
    %while3A = arith.constant 0 : i32
    %while3A_55 = arith.subi %add3A_54, %sub3A : i32
    %while3A_56 = arith.addi %sub3A, %while3A_55 : i32
    %while3A_57 = arith.constant 1 : i32
    %while3A_58 = arith.divsi %while3A_55, %while3A_57 : i32
    %while3A_59 = arith.muli %while3A_58, %while3A_57 : i32
    %while3A_60 = arith.addi %sub3A, %while3A_59 : i32
    %while3A_61 = arith.constant 1 : i32
    scf.for %while3A_88 = %sub3A to %while3A_60 step %while3A_61  : i32 {
      %dma_wait3A_89 = arith.constant 0 : i32
      %dma_wait3A_90 = arith.constant 0 : i32
      %dma_wait3A_91 = arith.constant 0 : i32
      %dma_wait3A_92 = tpu.memref_slice %arg9[%dma_wait3A_89, %dma_wait3A_90, %dma_wait3A_91] : memref<16x128x16xf32, #tpu.memory_space<vmem>> -> memref<1x128x16xf32, #tpu.memory_space<vmem>>
      %dma_wait3A_93 = tpu.memref_squeeze %dma_wait3A_92 : memref<1x128x16xf32, #tpu.memory_space<vmem>> -> memref<128x16xf32, #tpu.memory_space<vmem>>
      %dma_wait3A_94 = arith.constant 0 : i32
      %dma_wait3A_95 = tpu.memref_slice %arg7[%dma_wait3A_94] : memref<10112xi32, #tpu.memory_space<vmem>> -> memref<128xi32, #tpu.memory_space<vmem>>
      %dma_wait3A_96 = arith.constant 0 : i32
      %dma_wait3A_97 = arith.constant 0 : i32
      %dma_wait3A_98 = tpu.memref_slice %arg6[%dma_wait3A_96, %dma_wait3A_97] : memref<10240x16xf32, #tpu.memory_space<vmem_shared>> -> memref<10240x16xf32, #tpu.memory_space<vmem_shared>>
      tpu.wait_indirect_dma semaphore(%arg13 : memref<!tpu.dma_semaphore, #tpu.memory_space<semaphore_mem>>) src(%dma_wait3A_98 : memref<10240x16xf32, #tpu.memory_space<vmem_shared>>) dst(%dma_wait3A_93 : memref<128x16xf32, #tpu.memory_space<vmem>>)
      %sub3A_99 = arith.subi %while3A_88, %sub3A : i32
      %rem3A = arith.constant 16 : i32
      %rem3A_100 = arith.remsi %sub3A_99, %rem3A : i32
      %mul3A_101 = arith.constant 128 : i32
      %mul3A_102 = arith.muli %while3A_88, %mul3A_101 : i32
      %dma_start3A_103 = arith.constant 0 : i32
      %dma_start3A_104 = arith.constant 0 : i32
      %dma_start3A_105 = tpu.memref_slice %arg9[%rem3A_100, %dma_start3A_103, %dma_start3A_104] : memref<16x128x16xf32, #tpu.memory_space<vmem>> -> memref<1x128x16xf32, #tpu.memory_space<vmem>>
      %dma_start3A_106 = tpu.memref_squeeze %dma_start3A_105 : memref<1x128x16xf32, #tpu.memory_space<vmem>> -> memref<128x16xf32, #tpu.memory_space<vmem>>
      %dma_start3A_107 = tpu.memref_slice %arg8[%mul3A_102] : memref<10112xi32, #tpu.memory_space<vmem>> -> memref<128xi32, #tpu.memory_space<vmem>>
      %dma_start3A_108 = arith.constant 0 : i32
      %dma_start3A_109 = arith.constant 0 : i32
      %dma_start3A_110 = tpu.memref_slice %arg5[%dma_start3A_108, %dma_start3A_109] : memref<10240x16xf32, #tpu.memory_space<vmem_shared>> -> memref<10240x16xf32, #tpu.memory_space<vmem_shared>>
      tpu.enqueue_indirect_dma source(%dma_start3A_106 : memref<128x16xf32, #tpu.memory_space<vmem>>) target(%dma_start3A_110 : memref<10240x16xf32, #tpu.memory_space<vmem_shared>>) offsets(%dma_start3A_107 : memref<128xi32, #tpu.memory_space<vmem>>) semaphore(%arg14 : memref<!tpu.dma_semaphore, #tpu.memory_space<semaphore_mem>>) {add = true}
      %add3A_111 = arith.constant 8 : i32
      %add3A_112 = arith.addi %while3A_88, %add3A_111 : i32
      %mul3A_113 = arith.constant 128 : i32
      %mul3A_114 = arith.muli %add3A_112, %mul3A_113 : i32
      %sub3A_115 = arith.subi %add3A_112, %sub3A : i32
      %rem3A_116 = arith.constant 16 : i32
      %rem3A_117 = arith.remsi %sub3A_115, %rem3A_116 : i32
      %dma_start3A_118 = arith.constant 0 : i32
      %dma_start3A_119 = arith.constant 0 : i32
      %dma_start3A_120 = tpu.memref_slice %arg9[%rem3A_117, %dma_start3A_118, %dma_start3A_119] : memref<16x128x16xf32, #tpu.memory_space<vmem>> -> memref<1x128x16xf32, #tpu.memory_space<vmem>>
      %dma_start3A_121 = tpu.memref_squeeze %dma_start3A_120 : memref<1x128x16xf32, #tpu.memory_space<vmem>> -> memref<128x16xf32, #tpu.memory_space<vmem>>
      %dma_start3A_122 = tpu.memref_slice %arg7[%mul3A_114] : memref<10112xi32, #tpu.memory_space<vmem>> -> memref<128xi32, #tpu.memory_space<vmem>>
      %dma_start3A_123 = arith.constant 0 : i32
      %dma_start3A_124 = arith.constant 0 : i32
      %dma_start3A_125 = tpu.memref_slice %arg6[%dma_start3A_123, %dma_start3A_124] : memref<10240x16xf32, #tpu.memory_space<vmem_shared>> -> memref<10240x16xf32, #tpu.memory_space<vmem_shared>>
      tpu.enqueue_indirect_dma source(%dma_start3A_125 : memref<10240x16xf32, #tpu.memory_space<vmem_shared>>) target(%dma_start3A_121 : memref<128x16xf32, #tpu.memory_space<vmem>>) offsets(%dma_start3A_122 : memref<128xi32, #tpu.memory_space<vmem>>) semaphore(%arg13 : memref<!tpu.dma_semaphore, #tpu.memory_space<semaphore_mem>>)
    }
    %while3A_62 = arith.constant 1 : i32
    scf.for %while3A_88 = %while3A_60 to %while3A_56 step %while3A_62  : i32 {
      %dma_wait3A_89 = arith.constant 0 : i32
      %dma_wait3A_90 = arith.constant 0 : i32
      %dma_wait3A_91 = arith.constant 0 : i32
      %dma_wait3A_92 = tpu.memref_slice %arg9[%dma_wait3A_89, %dma_wait3A_90, %dma_wait3A_91] : memref<16x128x16xf32, #tpu.memory_space<vmem>> -> memref<1x128x16xf32, #tpu.memory_space<vmem>>
      %dma_wait3A_93 = tpu.memref_squeeze %dma_wait3A_92 : memref<1x128x16xf32, #tpu.memory_space<vmem>> -> memref<128x16xf32, #tpu.memory_space<vmem>>
      %dma_wait3A_94 = arith.constant 0 : i32
      %dma_wait3A_95 = tpu.memref_slice %arg7[%dma_wait3A_94] : memref<10112xi32, #tpu.memory_space<vmem>> -> memref<128xi32, #tpu.memory_space<vmem>>
      %dma_wait3A_96 = arith.constant 0 : i32
      %dma_wait3A_97 = arith.constant 0 : i32
      %dma_wait3A_98 = tpu.memref_slice %arg6[%dma_wait3A_96, %dma_wait3A_97] : memref<10240x16xf32, #tpu.memory_space<vmem_shared>> -> memref<10240x16xf32, #tpu.memory_space<vmem_shared>>
      tpu.wait_indirect_dma semaphore(%arg13 : memref<!tpu.dma_semaphore, #tpu.memory_space<semaphore_mem>>) src(%dma_wait3A_98 : memref<10240x16xf32, #tpu.memory_space<vmem_shared>>) dst(%dma_wait3A_93 : memref<128x16xf32, #tpu.memory_space<vmem>>)
      %sub3A_99 = arith.subi %while3A_88, %sub3A : i32
      %rem3A = arith.constant 16 : i32
      %rem3A_100 = arith.remsi %sub3A_99, %rem3A : i32
      %mul3A_101 = arith.constant 128 : i32
      %mul3A_102 = arith.muli %while3A_88, %mul3A_101 : i32
      %dma_start3A_103 = arith.constant 0 : i32
      %dma_start3A_104 = arith.constant 0 : i32
      %dma_start3A_105 = tpu.memref_slice %arg9[%rem3A_100, %dma_start3A_103, %dma_start3A_104] : memref<16x128x16xf32, #tpu.memory_space<vmem>> -> memref<1x128x16xf32, #tpu.memory_space<vmem>>
      %dma_start3A_106 = tpu.memref_squeeze %dma_start3A_105 : memref<1x128x16xf32, #tpu.memory_space<vmem>> -> memref<128x16xf32, #tpu.memory_space<vmem>>
      %dma_start3A_107 = tpu.memref_slice %arg8[%mul3A_102] : memref<10112xi32, #tpu.memory_space<vmem>> -> memref<128xi32, #tpu.memory_space<vmem>>
      %dma_start3A_108 = arith.constant 0 : i32
      %dma_start3A_109 = arith.constant 0 : i32
      %dma_start3A_110 = tpu.memref_slice %arg5[%dma_start3A_108, %dma_start3A_109] : memref<10240x16xf32, #tpu.memory_space<vmem_shared>> -> memref<10240x16xf32, #tpu.memory_space<vmem_shared>>
      tpu.enqueue_indirect_dma source(%dma_start3A_106 : memref<128x16xf32, #tpu.memory_space<vmem>>) target(%dma_start3A_110 : memref<10240x16xf32, #tpu.memory_space<vmem_shared>>) offsets(%dma_start3A_107 : memref<128xi32, #tpu.memory_space<vmem>>) semaphore(%arg14 : memref<!tpu.dma_semaphore, #tpu.memory_space<semaphore_mem>>) {add = true}
      %add3A_111 = arith.constant 8 : i32
      %add3A_112 = arith.addi %while3A_88, %add3A_111 : i32
      %mul3A_113 = arith.constant 128 : i32
      %mul3A_114 = arith.muli %add3A_112, %mul3A_113 : i32
      %sub3A_115 = arith.subi %add3A_112, %sub3A : i32
      %rem3A_116 = arith.constant 16 : i32
      %rem3A_117 = arith.remsi %sub3A_115, %rem3A_116 : i32
      %dma_start3A_118 = arith.constant 0 : i32
      %dma_start3A_119 = arith.constant 0 : i32
      %dma_start3A_120 = tpu.memref_slice %arg9[%rem3A_117, %dma_start3A_118, %dma_start3A_119] : memref<16x128x16xf32, #tpu.memory_space<vmem>> -> memref<1x128x16xf32, #tpu.memory_space<vmem>>
      %dma_start3A_121 = tpu.memref_squeeze %dma_start3A_120 : memref<1x128x16xf32, #tpu.memory_space<vmem>> -> memref<128x16xf32, #tpu.memory_space<vmem>>
      %dma_start3A_122 = tpu.memref_slice %arg7[%mul3A_114] : memref<10112xi32, #tpu.memory_space<vmem>> -> memref<128xi32, #tpu.memory_space<vmem>>
      %dma_start3A_123 = arith.constant 0 : i32
      %dma_start3A_124 = arith.constant 0 : i32
      %dma_start3A_125 = tpu.memref_slice %arg6[%dma_start3A_123, %dma_start3A_124] : memref<10240x16xf32, #tpu.memory_space<vmem_shared>> -> memref<10240x16xf32, #tpu.memory_space<vmem_shared>>
      tpu.enqueue_indirect_dma source(%dma_start3A_125 : memref<10240x16xf32, #tpu.memory_space<vmem_shared>>) target(%dma_start3A_121 : memref<128x16xf32, #tpu.memory_space<vmem>>) offsets(%dma_start3A_122 : memref<128xi32, #tpu.memory_space<vmem>>) semaphore(%arg13 : memref<!tpu.dma_semaphore, #tpu.memory_space<semaphore_mem>>)
    }
    %add3A_63 = arith.constant 8 : i32
    %add3A_64 = arith.addi %sub3A, %add3A_63 : i32
    %while3A_65 = arith.constant 0 : i32
    %while3A_66 = arith.constant 71 : i32
    %while3A_67 = arith.subi %while3A_66, %add3A_64 : i32
    %while3A_68 = arith.addi %add3A_64, %while3A_67 : i32
    %while3A_69 = arith.constant 1 : i32
    %while3A_70 = arith.divsi %while3A_67, %while3A_69 : i32
    %while3A_71 = arith.muli %while3A_70, %while3A_69 : i32
    %while3A_72 = arith.addi %add3A_64, %while3A_71 : i32
    %while3A_73 = arith.constant 1 : i32
    scf.for %while3A_88 = %add3A_64 to %while3A_72 step %while3A_73  : i32 {
      %dma_wait3A_89 = arith.constant 0 : i32
      %dma_wait3A_90 = arith.constant 0 : i32
      %dma_wait3A_91 = arith.constant 0 : i32
      %dma_wait3A_92 = tpu.memref_slice %arg9[%dma_wait3A_89, %dma_wait3A_90, %dma_wait3A_91] : memref<16x128x16xf32, #tpu.memory_space<vmem>> -> memref<1x128x16xf32, #tpu.memory_space<vmem>>
      %dma_wait3A_93 = tpu.memref_squeeze %dma_wait3A_92 : memref<1x128x16xf32, #tpu.memory_space<vmem>> -> memref<128x16xf32, #tpu.memory_space<vmem>>
      %dma_wait3A_94 = arith.constant 0 : i32
      %dma_wait3A_95 = tpu.memref_slice %arg7[%dma_wait3A_94] : memref<10112xi32, #tpu.memory_space<vmem>> -> memref<128xi32, #tpu.memory_space<vmem>>
      %dma_wait3A_96 = arith.constant 0 : i32
      %dma_wait3A_97 = arith.constant 0 : i32
      %dma_wait3A_98 = tpu.memref_slice %arg6[%dma_wait3A_96, %dma_wait3A_97] : memref<10240x16xf32, #tpu.memory_space<vmem_shared>> -> memref<10240x16xf32, #tpu.memory_space<vmem_shared>>
      tpu.wait_indirect_dma semaphore(%arg13 : memref<!tpu.dma_semaphore, #tpu.memory_space<semaphore_mem>>) src(%dma_wait3A_98 : memref<10240x16xf32, #tpu.memory_space<vmem_shared>>) dst(%dma_wait3A_93 : memref<128x16xf32, #tpu.memory_space<vmem>>)
      %sub3A_99 = arith.subi %while3A_88, %sub3A : i32
      %rem3A = arith.constant 16 : i32
      %rem3A_100 = arith.remsi %sub3A_99, %rem3A : i32
      %mul3A_101 = arith.constant 128 : i32
      %mul3A_102 = arith.muli %while3A_88, %mul3A_101 : i32
      %dma_start3A_103 = arith.constant 0 : i32
      %dma_start3A_104 = arith.constant 0 : i32
      %dma_start3A_105 = tpu.memref_slice %arg9[%rem3A_100, %dma_start3A_103, %dma_start3A_104] : memref<16x128x16xf32, #tpu.memory_space<vmem>> -> memref<1x128x16xf32, #tpu.memory_space<vmem>>
      %dma_start3A_106 = tpu.memref_squeeze %dma_start3A_105 : memref<1x128x16xf32, #tpu.memory_space<vmem>> -> memref<128x16xf32, #tpu.memory_space<vmem>>
      %dma_start3A_107 = tpu.memref_slice %arg8[%mul3A_102] : memref<10112xi32, #tpu.memory_space<vmem>> -> memref<128xi32, #tpu.memory_space<vmem>>
      %dma_start3A_108 = arith.constant 0 : i32
      %dma_start3A_109 = arith.constant 0 : i32
      %dma_start3A_110 = tpu.memref_slice %arg5[%dma_start3A_108, %dma_start3A_109] : memref<10240x16xf32, #tpu.memory_space<vmem_shared>> -> memref<10240x16xf32, #tpu.memory_space<vmem_shared>>
      tpu.enqueue_indirect_dma source(%dma_start3A_106 : memref<128x16xf32, #tpu.memory_space<vmem>>) target(%dma_start3A_110 : memref<10240x16xf32, #tpu.memory_space<vmem_shared>>) offsets(%dma_start3A_107 : memref<128xi32, #tpu.memory_space<vmem>>) semaphore(%arg14 : memref<!tpu.dma_semaphore, #tpu.memory_space<semaphore_mem>>) {add = true}
      %dma_wait3A_111 = arith.constant 0 : i32
      %dma_wait3A_112 = arith.constant 0 : i32
      %dma_wait3A_113 = arith.constant 0 : i32
      %dma_wait3A_114 = tpu.memref_slice %arg9[%dma_wait3A_111, %dma_wait3A_112, %dma_wait3A_113] : memref<16x128x16xf32, #tpu.memory_space<vmem>> -> memref<1x128x16xf32, #tpu.memory_space<vmem>>
      %dma_wait3A_115 = tpu.memref_squeeze %dma_wait3A_114 : memref<1x128x16xf32, #tpu.memory_space<vmem>> -> memref<128x16xf32, #tpu.memory_space<vmem>>
      %dma_wait3A_116 = arith.constant 0 : i32
      %dma_wait3A_117 = tpu.memref_slice %arg8[%dma_wait3A_116] : memref<10112xi32, #tpu.memory_space<vmem>> -> memref<128xi32, #tpu.memory_space<vmem>>
      %dma_wait3A_118 = arith.constant 0 : i32
      %dma_wait3A_119 = arith.constant 0 : i32
      %dma_wait3A_120 = tpu.memref_slice %arg5[%dma_wait3A_118, %dma_wait3A_119] : memref<10240x16xf32, #tpu.memory_space<vmem_shared>> -> memref<10240x16xf32, #tpu.memory_space<vmem_shared>>
      tpu.wait_indirect_dma semaphore(%arg14 : memref<!tpu.dma_semaphore, #tpu.memory_space<semaphore_mem>>) src(%dma_wait3A_115 : memref<128x16xf32, #tpu.memory_space<vmem>>) dst(%dma_wait3A_120 : memref<10240x16xf32, #tpu.memory_space<vmem_shared>>)
      %add3A_121 = arith.constant 8 : i32
      %add3A_122 = arith.addi %while3A_88, %add3A_121 : i32
      %mul3A_123 = arith.constant 128 : i32
      %mul3A_124 = arith.muli %add3A_122, %mul3A_123 : i32
      %sub3A_125 = arith.subi %add3A_122, %sub3A : i32
      %rem3A_126 = arith.constant 16 : i32
      %rem3A_127 = arith.remsi %sub3A_125, %rem3A_126 : i32
      %dma_start3A_128 = arith.constant 0 : i32
      %dma_start3A_129 = arith.constant 0 : i32
      %dma_start3A_130 = tpu.memref_slice %arg9[%rem3A_127, %dma_start3A_128, %dma_start3A_129] : memref<16x128x16xf32, #tpu.memory_space<vmem>> -> memref<1x128x16xf32, #tpu.memory_space<vmem>>
      %dma_start3A_131 = tpu.memref_squeeze %dma_start3A_130 : memref<1x128x16xf32, #tpu.memory_space<vmem>> -> memref<128x16xf32, #tpu.memory_space<vmem>>
      %dma_start3A_132 = tpu.memref_slice %arg7[%mul3A_124] : memref<10112xi32, #tpu.memory_space<vmem>> -> memref<128xi32, #tpu.memory_space<vmem>>
      %dma_start3A_133 = arith.constant 0 : i32
      %dma_start3A_134 = arith.constant 0 : i32
      %dma_start3A_135 = tpu.memref_slice %arg6[%dma_start3A_133, %dma_start3A_134] : memref<10240x16xf32, #tpu.memory_space<vmem_shared>> -> memref<10240x16xf32, #tpu.memory_space<vmem_shared>>
      tpu.enqueue_indirect_dma source(%dma_start3A_135 : memref<10240x16xf32, #tpu.memory_space<vmem_shared>>) target(%dma_start3A_131 : memref<128x16xf32, #tpu.memory_space<vmem>>) offsets(%dma_start3A_132 : memref<128xi32, #tpu.memory_space<vmem>>) semaphore(%arg13 : memref<!tpu.dma_semaphore, #tpu.memory_space<semaphore_mem>>)
    }
    %while3A_74 = arith.constant 1 : i32
    scf.for %while3A_88 = %while3A_72 to %while3A_68 step %while3A_74  : i32 {
      %dma_wait3A_89 = arith.constant 0 : i32
      %dma_wait3A_90 = arith.constant 0 : i32
      %dma_wait3A_91 = arith.constant 0 : i32
      %dma_wait3A_92 = tpu.memref_slice %arg9[%dma_wait3A_89, %dma_wait3A_90, %dma_wait3A_91] : memref<16x128x16xf32, #tpu.memory_space<vmem>> -> memref<1x128x16xf32, #tpu.memory_space<vmem>>
      %dma_wait3A_93 = tpu.memref_squeeze %dma_wait3A_92 : memref<1x128x16xf32, #tpu.memory_space<vmem>> -> memref<128x16xf32, #tpu.memory_space<vmem>>
      %dma_wait3A_94 = arith.constant 0 : i32
      %dma_wait3A_95 = tpu.memref_slice %arg7[%dma_wait3A_94] : memref<10112xi32, #tpu.memory_space<vmem>> -> memref<128xi32, #tpu.memory_space<vmem>>
      %dma_wait3A_96 = arith.constant 0 : i32
      %dma_wait3A_97 = arith.constant 0 : i32
      %dma_wait3A_98 = tpu.memref_slice %arg6[%dma_wait3A_96, %dma_wait3A_97] : memref<10240x16xf32, #tpu.memory_space<vmem_shared>> -> memref<10240x16xf32, #tpu.memory_space<vmem_shared>>
      tpu.wait_indirect_dma semaphore(%arg13 : memref<!tpu.dma_semaphore, #tpu.memory_space<semaphore_mem>>) src(%dma_wait3A_98 : memref<10240x16xf32, #tpu.memory_space<vmem_shared>>) dst(%dma_wait3A_93 : memref<128x16xf32, #tpu.memory_space<vmem>>)
      %sub3A_99 = arith.subi %while3A_88, %sub3A : i32
      %rem3A = arith.constant 16 : i32
      %rem3A_100 = arith.remsi %sub3A_99, %rem3A : i32
      %mul3A_101 = arith.constant 128 : i32
      %mul3A_102 = arith.muli %while3A_88, %mul3A_101 : i32
      %dma_start3A_103 = arith.constant 0 : i32
      %dma_start3A_104 = arith.constant 0 : i32
      %dma_start3A_105 = tpu.memref_slice %arg9[%rem3A_100, %dma_start3A_103, %dma_start3A_104] : memref<16x128x16xf32, #tpu.memory_space<vmem>> -> memref<1x128x16xf32, #tpu.memory_space<vmem>>
      %dma_start3A_106 = tpu.memref_squeeze %dma_start3A_105 : memref<1x128x16xf32, #tpu.memory_space<vmem>> -> memref<128x16xf32, #tpu.memory_space<vmem>>
      %dma_start3A_107 = tpu.memref_slice %arg8[%mul3A_102] : memref<10112xi32, #tpu.memory_space<vmem>> -> memref<128xi32, #tpu.memory_space<vmem>>
      %dma_start3A_108 = arith.constant 0 : i32
      %dma_start3A_109 = arith.constant 0 : i32
      %dma_start3A_110 = tpu.memref_slice %arg5[%dma_start3A_108, %dma_start3A_109] : memref<10240x16xf32, #tpu.memory_space<vmem_shared>> -> memref<10240x16xf32, #tpu.memory_space<vmem_shared>>
      tpu.enqueue_indirect_dma source(%dma_start3A_106 : memref<128x16xf32, #tpu.memory_space<vmem>>) target(%dma_start3A_110 : memref<10240x16xf32, #tpu.memory_space<vmem_shared>>) offsets(%dma_start3A_107 : memref<128xi32, #tpu.memory_space<vmem>>) semaphore(%arg14 : memref<!tpu.dma_semaphore, #tpu.memory_space<semaphore_mem>>) {add = true}
      %dma_wait3A_111 = arith.constant 0 : i32
      %dma_wait3A_112 = arith.constant 0 : i32
      %dma_wait3A_113 = arith.constant 0 : i32
      %dma_wait3A_114 = tpu.memref_slice %arg9[%dma_wait3A_111, %dma_wait3A_112, %dma_wait3A_113] : memref<16x128x16xf32, #tpu.memory_space<vmem>> -> memref<1x128x16xf32, #tpu.memory_space<vmem>>
      %dma_wait3A_115 = tpu.memref_squeeze %dma_wait3A_114 : memref<1x128x16xf32, #tpu.memory_space<vmem>> -> memref<128x16xf32, #tpu.memory_space<vmem>>
      %dma_wait3A_116 = arith.constant 0 : i32
      %dma_wait3A_117 = tpu.memref_slice %arg8[%dma_wait3A_116] : memref<10112xi32, #tpu.memory_space<vmem>> -> memref<128xi32, #tpu.memory_space<vmem>>
      %dma_wait3A_118 = arith.constant 0 : i32
      %dma_wait3A_119 = arith.constant 0 : i32
      %dma_wait3A_120 = tpu.memref_slice %arg5[%dma_wait3A_118, %dma_wait3A_119] : memref<10240x16xf32, #tpu.memory_space<vmem_shared>> -> memref<10240x16xf32, #tpu.memory_space<vmem_shared>>
      tpu.wait_indirect_dma semaphore(%arg14 : memref<!tpu.dma_semaphore, #tpu.memory_space<semaphore_mem>>) src(%dma_wait3A_115 : memref<128x16xf32, #tpu.memory_space<vmem>>) dst(%dma_wait3A_120 : memref<10240x16xf32, #tpu.memory_space<vmem_shared>>)
      %add3A_121 = arith.constant 8 : i32
      %add3A_122 = arith.addi %while3A_88, %add3A_121 : i32
      %mul3A_123 = arith.constant 128 : i32
      %mul3A_124 = arith.muli %add3A_122, %mul3A_123 : i32
      %sub3A_125 = arith.subi %add3A_122, %sub3A : i32
      %rem3A_126 = arith.constant 16 : i32
      %rem3A_127 = arith.remsi %sub3A_125, %rem3A_126 : i32
      %dma_start3A_128 = arith.constant 0 : i32
      %dma_start3A_129 = arith.constant 0 : i32
      %dma_start3A_130 = tpu.memref_slice %arg9[%rem3A_127, %dma_start3A_128, %dma_start3A_129] : memref<16x128x16xf32, #tpu.memory_space<vmem>> -> memref<1x128x16xf32, #tpu.memory_space<vmem>>
      %dma_start3A_131 = tpu.memref_squeeze %dma_start3A_130 : memref<1x128x16xf32, #tpu.memory_space<vmem>> -> memref<128x16xf32, #tpu.memory_space<vmem>>
      %dma_start3A_132 = tpu.memref_slice %arg7[%mul3A_124] : memref<10112xi32, #tpu.memory_space<vmem>> -> memref<128xi32, #tpu.memory_space<vmem>>
      %dma_start3A_133 = arith.constant 0 : i32
      %dma_start3A_134 = arith.constant 0 : i32
      %dma_start3A_135 = tpu.memref_slice %arg6[%dma_start3A_133, %dma_start3A_134] : memref<10240x16xf32, #tpu.memory_space<vmem_shared>> -> memref<10240x16xf32, #tpu.memory_space<vmem_shared>>
      tpu.enqueue_indirect_dma source(%dma_start3A_135 : memref<10240x16xf32, #tpu.memory_space<vmem_shared>>) target(%dma_start3A_131 : memref<128x16xf32, #tpu.memory_space<vmem>>) offsets(%dma_start3A_132 : memref<128xi32, #tpu.memory_space<vmem>>) semaphore(%arg13 : memref<!tpu.dma_semaphore, #tpu.memory_space<semaphore_mem>>)
    }
    %scan3A_75 = arith.constant 0 : i32
    %scan3A_76 = arith.constant 71 : i32
    %scan3A_77 = arith.constant 8 : i32
    %scan3A_78 = arith.addi %scan3A_76, %scan3A_77 : i32
    %scan3A_79 = arith.constant 1 : i32
    scf.for %scan3A_88 = %scan3A_76 to %scan3A_78 step %scan3A_79  : i32 {
      %dma_wait3A_89 = arith.constant 0 : i32
      %dma_wait3A_90 = arith.constant 0 : i32
      %dma_wait3A_91 = arith.constant 0 : i32
      %dma_wait3A_92 = tpu.memref_slice %arg9[%dma_wait3A_89, %dma_wait3A_90, %dma_wait3A_91] : memref<16x128x16xf32, #tpu.memory_space<vmem>> -> memref<1x128x16xf32, #tpu.memory_space<vmem>>
      %dma_wait3A_93 = tpu.memref_squeeze %dma_wait3A_92 : memref<1x128x16xf32, #tpu.memory_space<vmem>> -> memref<128x16xf32, #tpu.memory_space<vmem>>
      %dma_wait3A_94 = arith.constant 0 : i32
      %dma_wait3A_95 = tpu.memref_slice %arg7[%dma_wait3A_94] : memref<10112xi32, #tpu.memory_space<vmem>> -> memref<128xi32, #tpu.memory_space<vmem>>
      %dma_wait3A_96 = arith.constant 0 : i32
      %dma_wait3A_97 = arith.constant 0 : i32
      %dma_wait3A_98 = tpu.memref_slice %arg6[%dma_wait3A_96, %dma_wait3A_97] : memref<10240x16xf32, #tpu.memory_space<vmem_shared>> -> memref<10240x16xf32, #tpu.memory_space<vmem_shared>>
      tpu.wait_indirect_dma semaphore(%arg13 : memref<!tpu.dma_semaphore, #tpu.memory_space<semaphore_mem>>) src(%dma_wait3A_98 : memref<10240x16xf32, #tpu.memory_space<vmem_shared>>) dst(%dma_wait3A_93 : memref<128x16xf32, #tpu.memory_space<vmem>>)
      %sub3A_99 = arith.subi %scan3A_88, %sub3A : i32
      %rem3A = arith.constant 16 : i32
      %rem3A_100 = arith.remsi %sub3A_99, %rem3A : i32
      %mul3A_101 = arith.constant 128 : i32
      %mul3A_102 = arith.muli %scan3A_88, %mul3A_101 : i32
      %dma_start3A_103 = arith.constant 0 : i32
      %dma_start3A_104 = arith.constant 0 : i32
      %dma_start3A_105 = tpu.memref_slice %arg9[%rem3A_100, %dma_start3A_103, %dma_start3A_104] : memref<16x128x16xf32, #tpu.memory_space<vmem>> -> memref<1x128x16xf32, #tpu.memory_space<vmem>>
      %dma_start3A_106 = tpu.memref_squeeze %dma_start3A_105 : memref<1x128x16xf32, #tpu.memory_space<vmem>> -> memref<128x16xf32, #tpu.memory_space<vmem>>
      %dma_start3A_107 = tpu.memref_slice %arg8[%mul3A_102] : memref<10112xi32, #tpu.memory_space<vmem>> -> memref<128xi32, #tpu.memory_space<vmem>>
      %dma_start3A_108 = arith.constant 0 : i32
      %dma_start3A_109 = arith.constant 0 : i32
      %dma_start3A_110 = tpu.memref_slice %arg5[%dma_start3A_108, %dma_start3A_109] : memref<10240x16xf32, #tpu.memory_space<vmem_shared>> -> memref<10240x16xf32, #tpu.memory_space<vmem_shared>>
      tpu.enqueue_indirect_dma source(%dma_start3A_106 : memref<128x16xf32, #tpu.memory_space<vmem>>) target(%dma_start3A_110 : memref<10240x16xf32, #tpu.memory_space<vmem_shared>>) offsets(%dma_start3A_107 : memref<128xi32, #tpu.memory_space<vmem>>) semaphore(%arg14 : memref<!tpu.dma_semaphore, #tpu.memory_space<semaphore_mem>>) {add = true}
      %dma_wait3A_111 = arith.constant 0 : i32
      %dma_wait3A_112 = arith.constant 0 : i32
      %dma_wait3A_113 = arith.constant 0 : i32
      %dma_wait3A_114 = tpu.memref_slice %arg9[%dma_wait3A_111, %dma_wait3A_112, %dma_wait3A_113] : memref<16x128x16xf32, #tpu.memory_space<vmem>> -> memref<1x128x16xf32, #tpu.memory_space<vmem>>
      %dma_wait3A_115 = tpu.memref_squeeze %dma_wait3A_114 : memref<1x128x16xf32, #tpu.memory_space<vmem>> -> memref<128x16xf32, #tpu.memory_space<vmem>>
      %dma_wait3A_116 = arith.constant 0 : i32
      %dma_wait3A_117 = tpu.memref_slice %arg8[%dma_wait3A_116] : memref<10112xi32, #tpu.memory_space<vmem>> -> memref<128xi32, #tpu.memory_space<vmem>>
      %dma_wait3A_118 = arith.constant 0 : i32
      %dma_wait3A_119 = arith.constant 0 : i32
      %dma_wait3A_120 = tpu.memref_slice %arg5[%dma_wait3A_118, %dma_wait3A_119] : memref<10240x16xf32, #tpu.memory_space<vmem_shared>> -> memref<10240x16xf32, #tpu.memory_space<vmem_shared>>
      tpu.wait_indirect_dma semaphore(%arg14 : memref<!tpu.dma_semaphore, #tpu.memory_space<semaphore_mem>>) src(%dma_wait3A_115 : memref<128x16xf32, #tpu.memory_space<vmem>>) dst(%dma_wait3A_120 : memref<10240x16xf32, #tpu.memory_space<vmem_shared>>)
    }
    %scan3A_80 = arith.constant 8 : i32
    %scan3A_81 = arith.constant 0 : i32
    %scan3A_82 = arith.constant 0 : i32
    %scan3A_83 = arith.constant 8 : i32
    %scan3A_84 = arith.addi %scan3A_82, %scan3A_83 : i32
    %scan3A_85 = arith.constant 1 : i32
    scf.for %scan3A_88 = %scan3A_82 to %scan3A_84 step %scan3A_85  : i32 {
      %dma_wait3A_89 = arith.constant 0 : i32
      %dma_wait3A_90 = arith.constant 0 : i32
      %dma_wait3A_91 = arith.constant 0 : i32
      %dma_wait3A_92 = tpu.memref_slice %arg9[%dma_wait3A_89, %dma_wait3A_90, %dma_wait3A_91] : memref<16x128x16xf32, #tpu.memory_space<vmem>> -> memref<1x128x16xf32, #tpu.memory_space<vmem>>
      %dma_wait3A_93 = tpu.memref_squeeze %dma_wait3A_92 : memref<1x128x16xf32, #tpu.memory_space<vmem>> -> memref<128x16xf32, #tpu.memory_space<vmem>>
      %dma_wait3A_94 = arith.constant 0 : i32
      %dma_wait3A_95 = tpu.memref_slice %arg8[%dma_wait3A_94] : memref<10112xi32, #tpu.memory_space<vmem>> -> memref<128xi32, #tpu.memory_space<vmem>>
      %dma_wait3A_96 = arith.constant 0 : i32
      %dma_wait3A_97 = arith.constant 0 : i32
      %dma_wait3A_98 = tpu.memref_slice %arg5[%dma_wait3A_96, %dma_wait3A_97] : memref<10240x16xf32, #tpu.memory_space<vmem_shared>> -> memref<10240x16xf32, #tpu.memory_space<vmem_shared>>
      tpu.wait_indirect_dma semaphore(%arg14 : memref<!tpu.dma_semaphore, #tpu.memory_space<semaphore_mem>>) src(%dma_wait3A_93 : memref<128x16xf32, #tpu.memory_space<vmem>>) dst(%dma_wait3A_98 : memref<10240x16xf32, #tpu.memory_space<vmem_shared>>)
    }
    %scan3A_86 = arith.constant 8 : i32
    %barrier3A_87 = arith.constant 0 : index
    tpu.barrier barrier_id(%barrier3A_87)
    "tpu.region"() ({
      %run_scoped3A = tpu.sem_alloc : memref<!tpu.dma_semaphore, #tpu.memory_space<semaphore_mem>>
      %dma_start3A_88 = arith.constant 0 : i32
      %dma_start3A_89 = tpu.memref_slice %arg5[%mul3A_7, %dma_start3A_88] : memref<10240x16xf32, #tpu.memory_space<vmem_shared>> -> memref<640x16xf32, #tpu.memory_space<vmem_shared>>
      %dma_start3A_90 = arith.constant 0 : i32
      %dma_start3A_91 = tpu.memref_slice %arg5[%mul3A_7, %dma_start3A_90] : memref<10240x16xf32, #tpu.memory_space<vmem_shared>> -> memref<640x16xf32, #tpu.memory_space<vmem_shared>>
      tpu.enqueue_dma source(%dma_start3A_91 : memref<640x16xf32, #tpu.memory_space<vmem_shared>>) target(%arg10 : memref<640x16xf32, #tpu.memory_space<vmem>>) target_semaphore(%run_scoped3A : memref<!tpu.dma_semaphore, #tpu.memory_space<semaphore_mem>>)
      %dma_wait3A_92 = arith.constant 0 : i32
      %dma_wait3A_93 = tpu.memref_slice %arg5[%mul3A_7, %dma_wait3A_92] : memref<10240x16xf32, #tpu.memory_space<vmem_shared>> -> memref<640x16xf32, #tpu.memory_space<vmem_shared>>
      %dma_wait3A_94 = arith.constant 0 : i32
      %dma_wait3A_95 = tpu.memref_slice %arg5[%mul3A_7, %dma_wait3A_94] : memref<10240x16xf32, #tpu.memory_space<vmem_shared>> -> memref<640x16xf32, #tpu.memory_space<vmem_shared>>
      tpu.wait_dma2 semaphore(%run_scoped3A : memref<!tpu.dma_semaphore, #tpu.memory_space<semaphore_mem>>) src(%dma_wait3A_95 : memref<640x16xf32, #tpu.memory_space<vmem_shared>>) dst(%arg10 : memref<640x16xf32, #tpu.memory_space<vmem>>)
      tpu.yield
    }) : () -> ()
    "tpu.region"() ({
      %run_scoped3A = tpu.sem_alloc : memref<!tpu.dma_semaphore, #tpu.memory_space<semaphore_mem>>
      %dma_start3A_88 = arith.constant 0 : i32
      %dma_start3A_89 = tpu.memref_slice %arg4[%arg0, %mul3A_7, %dma_start3A_88] : memref<2x10240x16xf32, #tpu.memory_space<hbm>> -> memref<1x640x16xf32, #tpu.memory_space<hbm>>
      %dma_start3A_90 = tpu.memref_squeeze %dma_start3A_89 : memref<1x640x16xf32, #tpu.memory_space<hbm>> -> memref<640x16xf32, #tpu.memory_space<hbm>>
      %dma_start3A_91 = arith.constant 0 : i32
      %dma_start3A_92 = tpu.memref_slice %arg4[%arg0, %mul3A_7, %dma_start3A_91] : memref<2x10240x16xf32, #tpu.memory_space<hbm>> -> memref<1x640x16xf32, #tpu.memory_space<hbm>>
      %dma_start3A_93 = tpu.memref_squeeze %dma_start3A_92 : memref<1x640x16xf32, #tpu.memory_space<hbm>> -> memref<640x16xf32, #tpu.memory_space<hbm>>
      tpu.enqueue_dma source(%arg10 : memref<640x16xf32, #tpu.memory_space<vmem>>) target(%dma_start3A_93 : memref<640x16xf32, #tpu.memory_space<hbm>>) target_semaphore(%run_scoped3A : memref<!tpu.dma_semaphore, #tpu.memory_space<semaphore_mem>>)
      %dma_wait3A_94 = arith.constant 0 : i32
      %dma_wait3A_95 = tpu.memref_slice %arg4[%arg0, %mul3A_7, %dma_wait3A_94] : memref<2x10240x16xf32, #tpu.memory_space<hbm>> -> memref<1x640x16xf32, #tpu.memory_space<hbm>>
      %dma_wait3A_96 = tpu.memref_squeeze %dma_wait3A_95 : memref<1x640x16xf32, #tpu.memory_space<hbm>> -> memref<640x16xf32, #tpu.memory_space<hbm>>
      %dma_wait3A_97 = arith.constant 0 : i32
      %dma_wait3A_98 = tpu.memref_slice %arg4[%arg0, %mul3A_7, %dma_wait3A_97] : memref<2x10240x16xf32, #tpu.memory_space<hbm>> -> memref<1x640x16xf32, #tpu.memory_space<hbm>>
      %dma_wait3A_99 = tpu.memref_squeeze %dma_wait3A_98 : memref<1x640x16xf32, #tpu.memory_space<hbm>> -> memref<640x16xf32, #tpu.memory_space<hbm>>
      tpu.wait_dma2 semaphore(%run_scoped3A : memref<!tpu.dma_semaphore, #tpu.memory_space<semaphore_mem>>) src(%arg10 : memref<640x16xf32, #tpu.memory_space<vmem>>) dst(%dma_wait3A_99 : memref<640x16xf32, #tpu.memory_space<hbm>>)
      tpu.yield
    }) : () -> ()
    return
  }
}

#map = affine_map<(d0, d1) -> (0, 0, 0)>
#map1 = affine_map<(d0, d1) -> (0, 0)>
#map2 = affine_map<(d0, d1) -> (0)>
module attributes {stable_mosaic.version = 14 : i64} {
  func.func @_agg2_body(%arg0: i32, %arg1: i32, %arg2: memref<2x10240x16xf32, #tpu.memory_space<hbm>>, %arg3: memref<10240x128xf32, #tpu.memory_space<hbm>>, %arg4: memref<10240xf32, #tpu.memory_space<hbm>>, %arg5: memref<2x320000xi32, #tpu.memory_space<hbm>>, %arg6: memref<2x10240x16xf32, #tpu.memory_space<hbm>>, %arg7: memref<10240x16xf32, #tpu.memory_space<hbm>>, %arg8: memref<10240x16xf32, #tpu.memory_space<vmem_shared>>, %arg9: memref<10240x16xf32, #tpu.memory_space<vmem_shared>>, %arg10: memref<10112xi32, #tpu.memory_space<vmem>>, %arg11: memref<10112xi32, #tpu.memory_space<vmem>>, %arg12: memref<16x128x16xf32, #tpu.memory_space<vmem>>, %arg13: memref<640x16xf32, #tpu.memory_space<vmem>>, %arg14: memref<640x16xf32, #tpu.memory_space<vmem>>, %arg15: memref<640x16xf32, #tpu.memory_space<vmem>>, %arg16: memref<656xf32, #tpu.memory_space<vmem>>, %arg17: memref<640x16xf32, #tpu.memory_space<vmem>>, %arg18: memref<640x16xf32, #tpu.memory_space<vmem>>, %arg19: memref<!tpu.dma_semaphore, #tpu.memory_space<semaphore_mem>>, %arg20: memref<!tpu.dma_semaphore, #tpu.memory_space<semaphore_mem>>, %arg21: memref<!tpu.dma_semaphore, #tpu.memory_space<semaphore_mem>>, %arg22: memref<!tpu.dma_semaphore, #tpu.memory_space<semaphore_mem>>) attributes {dimension_semantics = [#tpu.dimension_semantics<core_parallel>, #tpu.dimension_semantics<subcore_parallel>], iteration_bounds = array<i64: 2, 16>, scalar_prefetch = 0 : i64, scratch_operands = 15 : i64, tpu.core_type = #tpu.core_type<sc_vector_subcore>, window_params = [{transform_indices = #map}, {transform_indices = #map1}, {transform_indices = #map2}, {transform_indices = #map1}, {transform_indices = #map}, {transform_indices = #map1}]} {
    %mul3A = arith.constant 2 : i32
    %mul3A_0 = arith.muli %arg1, %mul3A : i32
    %add3A = arith.addi %mul3A_0, %arg0 : i32
    %mul3A_1 = arith.constant 79 : i32
    %mul3A_2 = arith.muli %add3A, %mul3A_1 : i32
    %min3A = arith.constant 2421 : i32
    %min3A_3 = arith.minsi %mul3A_2, %min3A : i32
    %mul3A_4 = arith.constant 79 : i32
    %mul3A_5 = arith.muli %add3A, %mul3A_4 : i32
    %sub3A = arith.subi %mul3A_5, %min3A_3 : i32
    %mul3A_6 = arith.constant 640 : i32
    %mul3A_7 = arith.muli %arg1, %mul3A_6 : i32
    %dma_start3A = arith.constant 0 : i32
    %dma_start3A_8 = arith.constant 0 : i32
    %dma_start3A_9 = tpu.memref_slice %arg2[%dma_start3A, %mul3A_7, %dma_start3A_8] : memref<2x10240x16xf32, #tpu.memory_space<hbm>> -> memref<1x640x16xf32, #tpu.memory_space<hbm>>
    %dma_start3A_10 = tpu.memref_squeeze %dma_start3A_9 : memref<1x640x16xf32, #tpu.memory_space<hbm>> -> memref<640x16xf32, #tpu.memory_space<hbm>>
    %dma_start3A_11 = arith.constant 0 : i32
    %dma_start3A_12 = tpu.memref_slice %arg2[%dma_start3A, %mul3A_7, %dma_start3A_11] : memref<2x10240x16xf32, #tpu.memory_space<hbm>> -> memref<1x640x16xf32, #tpu.memory_space<hbm>>
    %dma_start3A_13 = tpu.memref_squeeze %dma_start3A_12 : memref<1x640x16xf32, #tpu.memory_space<hbm>> -> memref<640x16xf32, #tpu.memory_space<hbm>>
    tpu.enqueue_dma source(%dma_start3A_13 : memref<640x16xf32, #tpu.memory_space<hbm>>) target(%arg13 : memref<640x16xf32, #tpu.memory_space<vmem>>) target_semaphore(%arg19 : memref<!tpu.dma_semaphore, #tpu.memory_space<semaphore_mem>>)
    %dma_start3A_14 = arith.constant 1 : i32
    %dma_start3A_15 = arith.constant 0 : i32
    %dma_start3A_16 = tpu.memref_slice %arg2[%dma_start3A_14, %mul3A_7, %dma_start3A_15] : memref<2x10240x16xf32, #tpu.memory_space<hbm>> -> memref<1x640x16xf32, #tpu.memory_space<hbm>>
    %dma_start3A_17 = tpu.memref_squeeze %dma_start3A_16 : memref<1x640x16xf32, #tpu.memory_space<hbm>> -> memref<640x16xf32, #tpu.memory_space<hbm>>
    %dma_start3A_18 = arith.constant 0 : i32
    %dma_start3A_19 = tpu.memref_slice %arg2[%dma_start3A_14, %mul3A_7, %dma_start3A_18] : memref<2x10240x16xf32, #tpu.memory_space<hbm>> -> memref<1x640x16xf32, #tpu.memory_space<hbm>>
    %dma_start3A_20 = tpu.memref_squeeze %dma_start3A_19 : memref<1x640x16xf32, #tpu.memory_space<hbm>> -> memref<640x16xf32, #tpu.memory_space<hbm>>
    tpu.enqueue_dma source(%dma_start3A_20 : memref<640x16xf32, #tpu.memory_space<hbm>>) target(%arg14 : memref<640x16xf32, #tpu.memory_space<vmem>>) target_semaphore(%arg19 : memref<!tpu.dma_semaphore, #tpu.memory_space<semaphore_mem>>)
    %dma_start3A_21 = arith.constant 0 : i32
    %dma_start3A_22 = tpu.memref_slice %arg3[%mul3A_7, %dma_start3A_21] : memref<10240x128xf32, #tpu.memory_space<hbm>> -> memref<640x16xf32, #tpu.memory_space<hbm>>
    %dma_start3A_23 = arith.constant 0 : i32
    %dma_start3A_24 = tpu.memref_slice %arg3[%mul3A_7, %dma_start3A_23] : memref<10240x128xf32, #tpu.memory_space<hbm>> -> memref<640x16xf32, #tpu.memory_space<hbm>>
    tpu.enqueue_dma source(%dma_start3A_24 : memref<640x16xf32, #tpu.memory_space<hbm>>) target(%arg15 : memref<640x16xf32, #tpu.memory_space<vmem>>) target_semaphore(%arg19 : memref<!tpu.dma_semaphore, #tpu.memory_space<semaphore_mem>>)
    %dma_start3A_25 = arith.constant 0 : i32
    %dma_start3A_26 = tpu.memref_slice %arg16[%dma_start3A_25] : memref<656xf32, #tpu.memory_space<vmem>> -> memref<640xf32, #tpu.memory_space<vmem>>
    %dma_start3A_27 = tpu.memref_slice %arg4[%mul3A_7] : memref<10240xf32, #tpu.memory_space<hbm>> -> memref<640xf32, #tpu.memory_space<hbm>>
    %dma_start3A_28 = arith.constant 0 : i32
    %dma_start3A_29 = tpu.memref_slice %arg16[%dma_start3A_28] : memref<656xf32, #tpu.memory_space<vmem>> -> memref<640xf32, #tpu.memory_space<vmem>>
    %dma_start3A_30 = tpu.memref_slice %arg4[%mul3A_7] : memref<10240xf32, #tpu.memory_space<hbm>> -> memref<640xf32, #tpu.memory_space<hbm>>
    tpu.enqueue_dma source(%dma_start3A_30 : memref<640xf32, #tpu.memory_space<hbm>>) target(%dma_start3A_29 : memref<640xf32, #tpu.memory_space<vmem>>) target_semaphore(%arg19 : memref<!tpu.dma_semaphore, #tpu.memory_space<semaphore_mem>>)
    %mul3A_31 = arith.constant 128 : i32
    %mul3A_32 = arith.muli %min3A_3, %mul3A_31 : i32
    %dma_start3A_33 = arith.constant 0 : i32
    %dma_start3A_34 = tpu.memref_slice %arg5[%dma_start3A_33, %mul3A_32] : memref<2x320000xi32, #tpu.memory_space<hbm>> -> memref<1x10112xi32, #tpu.memory_space<hbm>>
    %dma_start3A_35 = tpu.memref_squeeze %dma_start3A_34 : memref<1x10112xi32, #tpu.memory_space<hbm>> -> memref<10112xi32, #tpu.memory_space<hbm>>
    %dma_start3A_36 = tpu.memref_slice %arg5[%dma_start3A_33, %mul3A_32] : memref<2x320000xi32, #tpu.memory_space<hbm>> -> memref<1x10112xi32, #tpu.memory_space<hbm>>
    %dma_start3A_37 = tpu.memref_squeeze %dma_start3A_36 : memref<1x10112xi32, #tpu.memory_space<hbm>> -> memref<10112xi32, #tpu.memory_space<hbm>>
    tpu.enqueue_dma source(%dma_start3A_37 : memref<10112xi32, #tpu.memory_space<hbm>>) target(%arg10 : memref<10112xi32, #tpu.memory_space<vmem>>) target_semaphore(%arg20 : memref<!tpu.dma_semaphore, #tpu.memory_space<semaphore_mem>>)
    %mul3A_38 = arith.constant 128 : i32
    %mul3A_39 = arith.muli %min3A_3, %mul3A_38 : i32
    %dma_start3A_40 = arith.constant 1 : i32
    %dma_start3A_41 = tpu.memref_slice %arg5[%dma_start3A_40, %mul3A_39] : memref<2x320000xi32, #tpu.memory_space<hbm>> -> memref<1x10112xi32, #tpu.memory_space<hbm>>
    %dma_start3A_42 = tpu.memref_squeeze %dma_start3A_41 : memref<1x10112xi32, #tpu.memory_space<hbm>> -> memref<10112xi32, #tpu.memory_space<hbm>>
    %dma_start3A_43 = tpu.memref_slice %arg5[%dma_start3A_40, %mul3A_39] : memref<2x320000xi32, #tpu.memory_space<hbm>> -> memref<1x10112xi32, #tpu.memory_space<hbm>>
    %dma_start3A_44 = tpu.memref_squeeze %dma_start3A_43 : memref<1x10112xi32, #tpu.memory_space<hbm>> -> memref<10112xi32, #tpu.memory_space<hbm>>
    tpu.enqueue_dma source(%dma_start3A_44 : memref<10112xi32, #tpu.memory_space<hbm>>) target(%arg11 : memref<10112xi32, #tpu.memory_space<vmem>>) target_semaphore(%arg20 : memref<!tpu.dma_semaphore, #tpu.memory_space<semaphore_mem>>)
    %scan3A = arith.constant 0 : i32
    %scan3A_45 = arith.constant 0 : i32
    %scan3A_46 = arith.constant 640 : i32
    %scan3A_47 = arith.addi %scan3A_45, %scan3A_46 : i32
    %scan3A_48 = arith.constant 1 : i32
    scf.for %scan3A_149 = %scan3A_45 to %scan3A_47 step %scan3A_48  : i32 {
      %broadcast_in_dim3A = arith.constant 0.000000e+00 : f32
      %broadcast_in_dim3A_150 = vector.broadcast %broadcast_in_dim3A : f32 to vector<16xf32>
      %swap3A = arith.index_cast %scan3A_149 : i32 to index
      %swap3A_151 = arith.constant 0 : index
      %swap3A_152 = tpu.vector_load %arg18[%swap3A, %swap3A_151] {strides = array<i32>} : memref<640x16xf32, #tpu.memory_space<vmem>>, vector<1x16xf32>,
      %swap3A_153 = vector.shape_cast %swap3A_152 : vector<1x16xf32> to vector<16xf32>
      %swap3A_154 = vector.shape_cast %broadcast_in_dim3A_150 : vector<16xf32> to vector<1x16xf32>
      tpu.vector_store %arg18[%swap3A, %swap3A_151], %swap3A_154 {strides = array<i32>} : memref<640x16xf32, #tpu.memory_space<vmem>>, vector<1x16xf32>,
    }
    %scan3A_49 = arith.constant 640 : i32
    "tpu.region"() ({
      %run_scoped3A = tpu.sem_alloc : memref<!tpu.dma_semaphore, #tpu.memory_space<semaphore_mem>>
      %dma_start3A_149 = arith.constant 0 : i32
      %dma_start3A_150 = tpu.memref_slice %arg8[%mul3A_7, %dma_start3A_149] : memref<10240x16xf32, #tpu.memory_space<vmem_shared>> -> memref<640x16xf32, #tpu.memory_space<vmem_shared>>
      %dma_start3A_151 = arith.constant 0 : i32
      %dma_start3A_152 = tpu.memref_slice %arg8[%mul3A_7, %dma_start3A_151] : memref<10240x16xf32, #tpu.memory_space<vmem_shared>> -> memref<640x16xf32, #tpu.memory_space<vmem_shared>>
      tpu.enqueue_dma source(%arg18 : memref<640x16xf32, #tpu.memory_space<vmem>>) target(%dma_start3A_152 : memref<640x16xf32, #tpu.memory_space<vmem_shared>>) target_semaphore(%run_scoped3A : memref<!tpu.dma_semaphore, #tpu.memory_space<semaphore_mem>>)
      %dma_wait3A_153 = arith.constant 0 : i32
      %dma_wait3A_154 = tpu.memref_slice %arg8[%mul3A_7, %dma_wait3A_153] : memref<10240x16xf32, #tpu.memory_space<vmem_shared>> -> memref<640x16xf32, #tpu.memory_space<vmem_shared>>
      %dma_wait3A_155 = arith.constant 0 : i32
      %dma_wait3A_156 = tpu.memref_slice %arg8[%mul3A_7, %dma_wait3A_155] : memref<10240x16xf32, #tpu.memory_space<vmem_shared>> -> memref<640x16xf32, #tpu.memory_space<vmem_shared>>
      tpu.wait_dma2 semaphore(%run_scoped3A : memref<!tpu.dma_semaphore, #tpu.memory_space<semaphore_mem>>) src(%arg18 : memref<640x16xf32, #tpu.memory_space<vmem>>) dst(%dma_wait3A_156 : memref<640x16xf32, #tpu.memory_space<vmem_shared>>)
      tpu.yield
    }) : () -> ()
    %dma_wait3A = arith.constant 0 : i32
    %dma_wait3A_50 = arith.constant 0 : i32
    %dma_wait3A_51 = tpu.memref_slice %arg2[%dma_wait3A, %mul3A_7, %dma_wait3A_50] : memref<2x10240x16xf32, #tpu.memory_space<hbm>> -> memref<1x640x16xf32, #tpu.memory_space<hbm>>
    %dma_wait3A_52 = tpu.memref_squeeze %dma_wait3A_51 : memref<1x640x16xf32, #tpu.memory_space<hbm>> -> memref<640x16xf32, #tpu.memory_space<hbm>>
    %dma_wait3A_53 = arith.constant 0 : i32
    %dma_wait3A_54 = tpu.memref_slice %arg2[%dma_wait3A, %mul3A_7, %dma_wait3A_53] : memref<2x10240x16xf32, #tpu.memory_space<hbm>> -> memref<1x640x16xf32, #tpu.memory_space<hbm>>
    %dma_wait3A_55 = tpu.memref_squeeze %dma_wait3A_54 : memref<1x640x16xf32, #tpu.memory_space<hbm>> -> memref<640x16xf32, #tpu.memory_space<hbm>>
    tpu.wait_dma2 semaphore(%arg19 : memref<!tpu.dma_semaphore, #tpu.memory_space<semaphore_mem>>) src(%dma_wait3A_55 : memref<640x16xf32, #tpu.memory_space<hbm>>) dst(%arg13 : memref<640x16xf32, #tpu.memory_space<vmem>>)
    %dma_wait3A_56 = arith.constant 1 : i32
    %dma_wait3A_57 = arith.constant 0 : i32
    %dma_wait3A_58 = tpu.memref_slice %arg2[%dma_wait3A_56, %mul3A_7, %dma_wait3A_57] : memref<2x10240x16xf32, #tpu.memory_space<hbm>> -> memref<1x640x16xf32, #tpu.memory_space<hbm>>
    %dma_wait3A_59 = tpu.memref_squeeze %dma_wait3A_58 : memref<1x640x16xf32, #tpu.memory_space<hbm>> -> memref<640x16xf32, #tpu.memory_space<hbm>>
    %dma_wait3A_60 = arith.constant 0 : i32
    %dma_wait3A_61 = tpu.memref_slice %arg2[%dma_wait3A_56, %mul3A_7, %dma_wait3A_60] : memref<2x10240x16xf32, #tpu.memory_space<hbm>> -> memref<1x640x16xf32, #tpu.memory_space<hbm>>
    %dma_wait3A_62 = tpu.memref_squeeze %dma_wait3A_61 : memref<1x640x16xf32, #tpu.memory_space<hbm>> -> memref<640x16xf32, #tpu.memory_space<hbm>>
    tpu.wait_dma2 semaphore(%arg19 : memref<!tpu.dma_semaphore, #tpu.memory_space<semaphore_mem>>) src(%dma_wait3A_62 : memref<640x16xf32, #tpu.memory_space<hbm>>) dst(%arg14 : memref<640x16xf32, #tpu.memory_space<vmem>>)
    %dma_wait3A_63 = arith.constant 0 : i32
    %dma_wait3A_64 = tpu.memref_slice %arg3[%mul3A_7, %dma_wait3A_63] : memref<10240x128xf32, #tpu.memory_space<hbm>> -> memref<640x16xf32, #tpu.memory_space<hbm>>
    %dma_wait3A_65 = arith.constant 0 : i32
    %dma_wait3A_66 = tpu.memref_slice %arg3[%mul3A_7, %dma_wait3A_65] : memref<10240x128xf32, #tpu.memory_space<hbm>> -> memref<640x16xf32, #tpu.memory_space<hbm>>
    tpu.wait_dma2 semaphore(%arg19 : memref<!tpu.dma_semaphore, #tpu.memory_space<semaphore_mem>>) src(%dma_wait3A_66 : memref<640x16xf32, #tpu.memory_space<hbm>>) dst(%arg15 : memref<640x16xf32, #tpu.memory_space<vmem>>)
    %dma_wait3A_67 = arith.constant 0 : i32
    %dma_wait3A_68 = tpu.memref_slice %arg16[%dma_wait3A_67] : memref<656xf32, #tpu.memory_space<vmem>> -> memref<640xf32, #tpu.memory_space<vmem>>
    %dma_wait3A_69 = tpu.memref_slice %arg4[%mul3A_7] : memref<10240xf32, #tpu.memory_space<hbm>> -> memref<640xf32, #tpu.memory_space<hbm>>
    %dma_wait3A_70 = arith.constant 0 : i32
    %dma_wait3A_71 = tpu.memref_slice %arg16[%dma_wait3A_70] : memref<656xf32, #tpu.memory_space<vmem>> -> memref<640xf32, #tpu.memory_space<vmem>>
    %dma_wait3A_72 = tpu.memref_slice %arg4[%mul3A_7] : memref<10240xf32, #tpu.memory_space<hbm>> -> memref<640xf32, #tpu.memory_space<hbm>>
    tpu.wait_dma2 semaphore(%arg19 : memref<!tpu.dma_semaphore, #tpu.memory_space<semaphore_mem>>) src(%dma_wait3A_72 : memref<640xf32, #tpu.memory_space<hbm>>) dst(%dma_wait3A_71 : memref<640xf32, #tpu.memory_space<vmem>>)
    %scan3A_73 = arith.constant 0 : i32
    %scan3A_74 = arith.constant 0 : i32
    %scan3A_75 = arith.constant 640 : i32
    %scan3A_76 = arith.addi %scan3A_74, %scan3A_75 : i32
    %scan3A_77 = arith.constant 1 : i32
    scf.for %scan3A_149 = %scan3A_74 to %scan3A_76 step %scan3A_77  : i32 {
      %get3A = arith.index_cast %scan3A_149 : i32 to index
      %get3A_150 = arith.constant 0 : index
      %get3A_151 = tpu.vector_load %arg13[%get3A, %get3A_150] {strides = array<i32>} : memref<640x16xf32, #tpu.memory_space<vmem>>, vector<1x16xf32>,
      %get3A_152 = vector.shape_cast %get3A_151 : vector<1x16xf32> to vector<16xf32>
      %get3A_153 = arith.index_cast %scan3A_149 : i32 to index
      %get3A_154 = arith.constant 0 : index
      %get3A_155 = tpu.vector_load %arg14[%get3A_153, %get3A_154] {strides = array<i32>} : memref<640x16xf32, #tpu.memory_space<vmem>>, vector<1x16xf32>,
      %get3A_156 = vector.shape_cast %get3A_155 : vector<1x16xf32> to vector<16xf32>
      %add3A_157 = arith.addf %get3A_152, %get3A_156 : vector<16xf32>
      %get3A_158 = arith.index_cast %scan3A_149 : i32 to index
      %get3A_159 = arith.constant 0 : index
      %get3A_160 = tpu.vector_load %arg15[%get3A_158, %get3A_159] {strides = array<i32>} : memref<640x16xf32, #tpu.memory_space<vmem>>, vector<1x16xf32>,
      %get3A_161 = vector.shape_cast %get3A_160 : vector<1x16xf32> to vector<16xf32>
      %add3A_162 = arith.addf %add3A_157, %get3A_161 : vector<16xf32>
      %get3A_163 = arith.index_cast %scan3A_149 : i32 to index
      %get3A_164 = tpu.vector_load %arg16[%get3A_163] {strides = array<i32>} : memref<656xf32, #tpu.memory_space<vmem>>, vector<16xf32>,
      %get3A_165 = vector.shape_cast %get3A_164 : vector<16xf32> to vector<16xf32>
      %slice3A = vector.extract_strided_slice %get3A_165 {offsets = [0], sizes = [1], strides = [1]} : vector<16xf32> to vector<1xf32>
      %squeeze3A = vector.extract %slice3A[0] : f32 from vector<1xf32>
      %mul3A_166 = vector.broadcast %squeeze3A : f32 to vector<16xf32>
      %mul3A_167 = arith.mulf %add3A_162, %mul3A_166 : vector<16xf32>
      %max3A = arith.constant 0.000000e+00 : f32
      %max3A_168 = vector.broadcast %max3A : f32 to vector<16xf32>
      %max3A_169 = arith.maximumf %mul3A_167, %max3A_168 : vector<16xf32>
      %mul3A_170 = vector.broadcast %squeeze3A : f32 to vector<16xf32>
      %mul3A_171 = arith.mulf %max3A_169, %mul3A_170 : vector<16xf32>
      %swap3A = arith.index_cast %scan3A_149 : i32 to index
      %swap3A_172 = arith.constant 0 : index
      %swap3A_173 = tpu.vector_load %arg17[%swap3A, %swap3A_172] {strides = array<i32>} : memref<640x16xf32, #tpu.memory_space<vmem>>, vector<1x16xf32>,
      %swap3A_174 = vector.shape_cast %swap3A_173 : vector<1x16xf32> to vector<16xf32>
      %swap3A_175 = vector.shape_cast %mul3A_171 : vector<16xf32> to vector<1x16xf32>
      tpu.vector_store %arg17[%swap3A, %swap3A_172], %swap3A_175 {strides = array<i32>} : memref<640x16xf32, #tpu.memory_space<vmem>>, vector<1x16xf32>,
    }
    %scan3A_78 = arith.constant 640 : i32
    %dma_start3A_79 = arith.constant 0 : i32
    %dma_start3A_80 = tpu.memref_slice %arg9[%mul3A_7, %dma_start3A_79] : memref<10240x16xf32, #tpu.memory_space<vmem_shared>> -> memref<640x16xf32, #tpu.memory_space<vmem_shared>>
    %dma_start3A_81 = arith.constant 0 : i32
    %dma_start3A_82 = tpu.memref_slice %arg9[%mul3A_7, %dma_start3A_81] : memref<10240x16xf32, #tpu.memory_space<vmem_shared>> -> memref<640x16xf32, #tpu.memory_space<vmem_shared>>
    tpu.enqueue_dma source(%arg17 : memref<640x16xf32, #tpu.memory_space<vmem>>) target(%dma_start3A_82 : memref<640x16xf32, #tpu.memory_space<vmem_shared>>) target_semaphore(%arg21 : memref<!tpu.dma_semaphore, #tpu.memory_space<semaphore_mem>>)
    %eq3A = arith.constant 0 : i32
    %eq3A_83 = arith.cmpi eq, %arg0, %eq3A : i32
    %convert_element_type3A = arith.extui %eq3A_83 : i1 to i32
    %cond3A = arith.constant 0 : i32
    %cond3A_84 = arith.cmpi ne, %convert_element_type3A, %cond3A : i32
    scf.if %cond3A_84 {
      %dma_start3A_149 = arith.constant 0 : i32
      %dma_start3A_150 = tpu.memref_slice %arg7[%mul3A_7, %dma_start3A_149] : memref<10240x16xf32, #tpu.memory_space<hbm>> -> memref<640x16xf32, #tpu.memory_space<hbm>>
      %dma_start3A_151 = arith.constant 0 : i32
      %dma_start3A_152 = tpu.memref_slice %arg7[%mul3A_7, %dma_start3A_151] : memref<10240x16xf32, #tpu.memory_space<hbm>> -> memref<640x16xf32, #tpu.memory_space<hbm>>
      tpu.enqueue_dma source(%arg17 : memref<640x16xf32, #tpu.memory_space<vmem>>) target(%dma_start3A_152 : memref<640x16xf32, #tpu.memory_space<hbm>>) target_semaphore(%arg19 : memref<!tpu.dma_semaphore, #tpu.memory_space<semaphore_mem>>)
    } else {
    }
    %dma_wait3A_85 = arith.constant 0 : i32
    %dma_wait3A_86 = arith.constant 0 : i32
    %dma_wait3A_87 = tpu.memref_slice %arg5[%dma_wait3A_85, %dma_wait3A_86] : memref<2x320000xi32, #tpu.memory_space<hbm>> -> memref<1x10112xi32, #tpu.memory_space<hbm>>
    %dma_wait3A_88 = tpu.memref_squeeze %dma_wait3A_87 : memref<1x10112xi32, #tpu.memory_space<hbm>> -> memref<10112xi32, #tpu.memory_space<hbm>>
    %dma_wait3A_89 = arith.constant 0 : i32
    %dma_wait3A_90 = tpu.memref_slice %arg5[%dma_wait3A_85, %dma_wait3A_89] : memref<2x320000xi32, #tpu.memory_space<hbm>> -> memref<1x10112xi32, #tpu.memory_space<hbm>>
    %dma_wait3A_91 = tpu.memref_squeeze %dma_wait3A_90 : memref<1x10112xi32, #tpu.memory_space<hbm>> -> memref<10112xi32, #tpu.memory_space<hbm>>
    tpu.wait_dma2 semaphore(%arg20 : memref<!tpu.dma_semaphore, #tpu.memory_space<semaphore_mem>>) src(%dma_wait3A_91 : memref<10112xi32, #tpu.memory_space<hbm>>) dst(%arg10 : memref<10112xi32, #tpu.memory_space<vmem>>)
    %dma_wait3A_92 = arith.constant 0 : i32
    %dma_wait3A_93 = arith.constant 0 : i32
    %dma_wait3A_94 = tpu.memref_slice %arg5[%dma_wait3A_92, %dma_wait3A_93] : memref<2x320000xi32, #tpu.memory_space<hbm>> -> memref<1x10112xi32, #tpu.memory_space<hbm>>
    %dma_wait3A_95 = tpu.memref_squeeze %dma_wait3A_94 : memref<1x10112xi32, #tpu.memory_space<hbm>> -> memref<10112xi32, #tpu.memory_space<hbm>>
    %dma_wait3A_96 = arith.constant 0 : i32
    %dma_wait3A_97 = tpu.memref_slice %arg5[%dma_wait3A_92, %dma_wait3A_96] : memref<2x320000xi32, #tpu.memory_space<hbm>> -> memref<1x10112xi32, #tpu.memory_space<hbm>>
    %dma_wait3A_98 = tpu.memref_squeeze %dma_wait3A_97 : memref<1x10112xi32, #tpu.memory_space<hbm>> -> memref<10112xi32, #tpu.memory_space<hbm>>
    tpu.wait_dma2 semaphore(%arg20 : memref<!tpu.dma_semaphore, #tpu.memory_space<semaphore_mem>>) src(%dma_wait3A_98 : memref<10112xi32, #tpu.memory_space<hbm>>) dst(%arg11 : memref<10112xi32, #tpu.memory_space<vmem>>)
    %dma_wait3A_99 = arith.constant 0 : i32
    %dma_wait3A_100 = tpu.memref_slice %arg9[%mul3A_7, %dma_wait3A_99] : memref<10240x16xf32, #tpu.memory_space<vmem_shared>> -> memref<640x16xf32, #tpu.memory_space<vmem_shared>>
    %dma_wait3A_101 = arith.constant 0 : i32
    %dma_wait3A_102 = tpu.memref_slice %arg9[%mul3A_7, %dma_wait3A_101] : memref<10240x16xf32, #tpu.memory_space<vmem_shared>> -> memref<640x16xf32, #tpu.memory_space<vmem_shared>>
    tpu.wait_dma2 semaphore(%arg21 : memref<!tpu.dma_semaphore, #tpu.memory_space<semaphore_mem>>) src(%arg17 : memref<640x16xf32, #tpu.memory_space<vmem>>) dst(%dma_wait3A_102 : memref<640x16xf32, #tpu.memory_space<vmem_shared>>)
    %barrier3A = arith.constant 0 : index
    tpu.barrier barrier_id(%barrier3A)
    %scan3A_103 = arith.constant 0 : i32
    %scan3A_104 = arith.constant 0 : i32
    %scan3A_105 = arith.constant 8 : i32
    %scan3A_106 = arith.addi %scan3A_104, %scan3A_105 : i32
    %scan3A_107 = arith.constant 1 : i32
    scf.for %scan3A_149 = %scan3A_104 to %scan3A_106 step %scan3A_107  : i32 {
      %add3A_150 = arith.addi %sub3A, %scan3A_149 : i32
      %mul3A_151 = arith.constant 128 : i32
      %mul3A_152 = arith.muli %add3A_150, %mul3A_151 : i32
      %sub3A_153 = arith.subi %add3A_150, %sub3A : i32
      %rem3A = arith.constant 16 : i32
      %rem3A_154 = arith.remsi %sub3A_153, %rem3A : i32
      %dma_start3A_155 = arith.constant 0 : i32
      %dma_start3A_156 = arith.constant 0 : i32
      %dma_start3A_157 = tpu.memref_slice %arg12[%rem3A_154, %dma_start3A_155, %dma_start3A_156] : memref<16x128x16xf32, #tpu.memory_space<vmem>> -> memref<1x128x16xf32, #tpu.memory_space<vmem>>
      %dma_start3A_158 = tpu.memref_squeeze %dma_start3A_157 : memref<1x128x16xf32, #tpu.memory_space<vmem>> -> memref<128x16xf32, #tpu.memory_space<vmem>>
      %dma_start3A_159 = tpu.memref_slice %arg10[%mul3A_152] : memref<10112xi32, #tpu.memory_space<vmem>> -> memref<128xi32, #tpu.memory_space<vmem>>
      %dma_start3A_160 = arith.constant 0 : i32
      %dma_start3A_161 = arith.constant 0 : i32
      %dma_start3A_162 = tpu.memref_slice %arg9[%dma_start3A_160, %dma_start3A_161] : memref<10240x16xf32, #tpu.memory_space<vmem_shared>> -> memref<10240x16xf32, #tpu.memory_space<vmem_shared>>
      tpu.enqueue_indirect_dma source(%dma_start3A_162 : memref<10240x16xf32, #tpu.memory_space<vmem_shared>>) target(%dma_start3A_158 : memref<128x16xf32, #tpu.memory_space<vmem>>) offsets(%dma_start3A_159 : memref<128xi32, #tpu.memory_space<vmem>>) semaphore(%arg21 : memref<!tpu.dma_semaphore, #tpu.memory_space<semaphore_mem>>)
    }
    %scan3A_108 = arith.constant 8 : i32
    %add3A_109 = arith.constant 8 : i32
    %add3A_110 = arith.addi %sub3A, %add3A_109 : i32
    %while3A = arith.constant 0 : i32
    %while3A_111 = arith.subi %add3A_110, %sub3A : i32
    %while3A_112 = arith.addi %sub3A, %while3A_111 : i32
    %while3A_113 = arith.constant 1 : i32
    %while3A_114 = arith.divsi %while3A_111, %while3A_113 : i32
    %while3A_115 = arith.muli %while3A_114, %while3A_113 : i32
    %while3A_116 = arith.addi %sub3A, %while3A_115 : i32
    %while3A_117 = arith.constant 1 : i32
    scf.for %while3A_149 = %sub3A to %while3A_116 step %while3A_117  : i32 {
      %dma_wait3A_150 = arith.constant 0 : i32
      %dma_wait3A_151 = arith.constant 0 : i32
      %dma_wait3A_152 = arith.constant 0 : i32
      %dma_wait3A_153 = tpu.memref_slice %arg12[%dma_wait3A_150, %dma_wait3A_151, %dma_wait3A_152] : memref<16x128x16xf32, #tpu.memory_space<vmem>> -> memref<1x128x16xf32, #tpu.memory_space<vmem>>
      %dma_wait3A_154 = tpu.memref_squeeze %dma_wait3A_153 : memref<1x128x16xf32, #tpu.memory_space<vmem>> -> memref<128x16xf32, #tpu.memory_space<vmem>>
      %dma_wait3A_155 = arith.constant 0 : i32
      %dma_wait3A_156 = tpu.memref_slice %arg10[%dma_wait3A_155] : memref<10112xi32, #tpu.memory_space<vmem>> -> memref<128xi32, #tpu.memory_space<vmem>>
      %dma_wait3A_157 = arith.constant 0 : i32
      %dma_wait3A_158 = arith.constant 0 : i32
      %dma_wait3A_159 = tpu.memref_slice %arg9[%dma_wait3A_157, %dma_wait3A_158] : memref<10240x16xf32, #tpu.memory_space<vmem_shared>> -> memref<10240x16xf32, #tpu.memory_space<vmem_shared>>
      tpu.wait_indirect_dma semaphore(%arg21 : memref<!tpu.dma_semaphore, #tpu.memory_space<semaphore_mem>>) src(%dma_wait3A_159 : memref<10240x16xf32, #tpu.memory_space<vmem_shared>>) dst(%dma_wait3A_154 : memref<128x16xf32, #tpu.memory_space<vmem>>)
      %sub3A_160 = arith.subi %while3A_149, %sub3A : i32
      %rem3A = arith.constant 16 : i32
      %rem3A_161 = arith.remsi %sub3A_160, %rem3A : i32
      %mul3A_162 = arith.constant 128 : i32
      %mul3A_163 = arith.muli %while3A_149, %mul3A_162 : i32
      %dma_start3A_164 = arith.constant 0 : i32
      %dma_start3A_165 = arith.constant 0 : i32
      %dma_start3A_166 = tpu.memref_slice %arg12[%rem3A_161, %dma_start3A_164, %dma_start3A_165] : memref<16x128x16xf32, #tpu.memory_space<vmem>> -> memref<1x128x16xf32, #tpu.memory_space<vmem>>
      %dma_start3A_167 = tpu.memref_squeeze %dma_start3A_166 : memref<1x128x16xf32, #tpu.memory_space<vmem>> -> memref<128x16xf32, #tpu.memory_space<vmem>>
      %dma_start3A_168 = tpu.memref_slice %arg11[%mul3A_163] : memref<10112xi32, #tpu.memory_space<vmem>> -> memref<128xi32, #tpu.memory_space<vmem>>
      %dma_start3A_169 = arith.constant 0 : i32
      %dma_start3A_170 = arith.constant 0 : i32
      %dma_start3A_171 = tpu.memref_slice %arg8[%dma_start3A_169, %dma_start3A_170] : memref<10240x16xf32, #tpu.memory_space<vmem_shared>> -> memref<10240x16xf32, #tpu.memory_space<vmem_shared>>
      tpu.enqueue_indirect_dma source(%dma_start3A_167 : memref<128x16xf32, #tpu.memory_space<vmem>>) target(%dma_start3A_171 : memref<10240x16xf32, #tpu.memory_space<vmem_shared>>) offsets(%dma_start3A_168 : memref<128xi32, #tpu.memory_space<vmem>>) semaphore(%arg22 : memref<!tpu.dma_semaphore, #tpu.memory_space<semaphore_mem>>) {add = true}
      %add3A_172 = arith.constant 8 : i32
      %add3A_173 = arith.addi %while3A_149, %add3A_172 : i32
      %mul3A_174 = arith.constant 128 : i32
      %mul3A_175 = arith.muli %add3A_173, %mul3A_174 : i32
      %sub3A_176 = arith.subi %add3A_173, %sub3A : i32
      %rem3A_177 = arith.constant 16 : i32
      %rem3A_178 = arith.remsi %sub3A_176, %rem3A_177 : i32
      %dma_start3A_179 = arith.constant 0 : i32
      %dma_start3A_180 = arith.constant 0 : i32
      %dma_start3A_181 = tpu.memref_slice %arg12[%rem3A_178, %dma_start3A_179, %dma_start3A_180] : memref<16x128x16xf32, #tpu.memory_space<vmem>> -> memref<1x128x16xf32, #tpu.memory_space<vmem>>
      %dma_start3A_182 = tpu.memref_squeeze %dma_start3A_181 : memref<1x128x16xf32, #tpu.memory_space<vmem>> -> memref<128x16xf32, #tpu.memory_space<vmem>>
      %dma_start3A_183 = tpu.memref_slice %arg10[%mul3A_175] : memref<10112xi32, #tpu.memory_space<vmem>> -> memref<128xi32, #tpu.memory_space<vmem>>
      %dma_start3A_184 = arith.constant 0 : i32
      %dma_start3A_185 = arith.constant 0 : i32
      %dma_start3A_186 = tpu.memref_slice %arg9[%dma_start3A_184, %dma_start3A_185] : memref<10240x16xf32, #tpu.memory_space<vmem_shared>> -> memref<10240x16xf32, #tpu.memory_space<vmem_shared>>
      tpu.enqueue_indirect_dma source(%dma_start3A_186 : memref<10240x16xf32, #tpu.memory_space<vmem_shared>>) target(%dma_start3A_182 : memref<128x16xf32, #tpu.memory_space<vmem>>) offsets(%dma_start3A_183 : memref<128xi32, #tpu.memory_space<vmem>>) semaphore(%arg21 : memref<!tpu.dma_semaphore, #tpu.memory_space<semaphore_mem>>)
    }
    %while3A_118 = arith.constant 1 : i32
    scf.for %while3A_149 = %while3A_116 to %while3A_112 step %while3A_118  : i32 {
      %dma_wait3A_150 = arith.constant 0 : i32
      %dma_wait3A_151 = arith.constant 0 : i32
      %dma_wait3A_152 = arith.constant 0 : i32
      %dma_wait3A_153 = tpu.memref_slice %arg12[%dma_wait3A_150, %dma_wait3A_151, %dma_wait3A_152] : memref<16x128x16xf32, #tpu.memory_space<vmem>> -> memref<1x128x16xf32, #tpu.memory_space<vmem>>
      %dma_wait3A_154 = tpu.memref_squeeze %dma_wait3A_153 : memref<1x128x16xf32, #tpu.memory_space<vmem>> -> memref<128x16xf32, #tpu.memory_space<vmem>>
      %dma_wait3A_155 = arith.constant 0 : i32
      %dma_wait3A_156 = tpu.memref_slice %arg10[%dma_wait3A_155] : memref<10112xi32, #tpu.memory_space<vmem>> -> memref<128xi32, #tpu.memory_space<vmem>>
      %dma_wait3A_157 = arith.constant 0 : i32
      %dma_wait3A_158 = arith.constant 0 : i32
      %dma_wait3A_159 = tpu.memref_slice %arg9[%dma_wait3A_157, %dma_wait3A_158] : memref<10240x16xf32, #tpu.memory_space<vmem_shared>> -> memref<10240x16xf32, #tpu.memory_space<vmem_shared>>
      tpu.wait_indirect_dma semaphore(%arg21 : memref<!tpu.dma_semaphore, #tpu.memory_space<semaphore_mem>>) src(%dma_wait3A_159 : memref<10240x16xf32, #tpu.memory_space<vmem_shared>>) dst(%dma_wait3A_154 : memref<128x16xf32, #tpu.memory_space<vmem>>)
      %sub3A_160 = arith.subi %while3A_149, %sub3A : i32
      %rem3A = arith.constant 16 : i32
      %rem3A_161 = arith.remsi %sub3A_160, %rem3A : i32
      %mul3A_162 = arith.constant 128 : i32
      %mul3A_163 = arith.muli %while3A_149, %mul3A_162 : i32
      %dma_start3A_164 = arith.constant 0 : i32
      %dma_start3A_165 = arith.constant 0 : i32
      %dma_start3A_166 = tpu.memref_slice %arg12[%rem3A_161, %dma_start3A_164, %dma_start3A_165] : memref<16x128x16xf32, #tpu.memory_space<vmem>> -> memref<1x128x16xf32, #tpu.memory_space<vmem>>
      %dma_start3A_167 = tpu.memref_squeeze %dma_start3A_166 : memref<1x128x16xf32, #tpu.memory_space<vmem>> -> memref<128x16xf32, #tpu.memory_space<vmem>>
      %dma_start3A_168 = tpu.memref_slice %arg11[%mul3A_163] : memref<10112xi32, #tpu.memory_space<vmem>> -> memref<128xi32, #tpu.memory_space<vmem>>
      %dma_start3A_169 = arith.constant 0 : i32
      %dma_start3A_170 = arith.constant 0 : i32
      %dma_start3A_171 = tpu.memref_slice %arg8[%dma_start3A_169, %dma_start3A_170] : memref<10240x16xf32, #tpu.memory_space<vmem_shared>> -> memref<10240x16xf32, #tpu.memory_space<vmem_shared>>
      tpu.enqueue_indirect_dma source(%dma_start3A_167 : memref<128x16xf32, #tpu.memory_space<vmem>>) target(%dma_start3A_171 : memref<10240x16xf32, #tpu.memory_space<vmem_shared>>) offsets(%dma_start3A_168 : memref<128xi32, #tpu.memory_space<vmem>>) semaphore(%arg22 : memref<!tpu.dma_semaphore, #tpu.memory_space<semaphore_mem>>) {add = true}
      %add3A_172 = arith.constant 8 : i32
      %add3A_173 = arith.addi %while3A_149, %add3A_172 : i32
      %mul3A_174 = arith.constant 128 : i32
      %mul3A_175 = arith.muli %add3A_173, %mul3A_174 : i32
      %sub3A_176 = arith.subi %add3A_173, %sub3A : i32
      %rem3A_177 = arith.constant 16 : i32
      %rem3A_178 = arith.remsi %sub3A_176, %rem3A_177 : i32
      %dma_start3A_179 = arith.constant 0 : i32
      %dma_start3A_180 = arith.constant 0 : i32
      %dma_start3A_181 = tpu.memref_slice %arg12[%rem3A_178, %dma_start3A_179, %dma_start3A_180] : memref<16x128x16xf32, #tpu.memory_space<vmem>> -> memref<1x128x16xf32, #tpu.memory_space<vmem>>
      %dma_start3A_182 = tpu.memref_squeeze %dma_start3A_181 : memref<1x128x16xf32, #tpu.memory_space<vmem>> -> memref<128x16xf32, #tpu.memory_space<vmem>>
      %dma_start3A_183 = tpu.memref_slice %arg10[%mul3A_175] : memref<10112xi32, #tpu.memory_space<vmem>> -> memref<128xi32, #tpu.memory_space<vmem>>
      %dma_start3A_184 = arith.constant 0 : i32
      %dma_start3A_185 = arith.constant 0 : i32
      %dma_start3A_186 = tpu.memref_slice %arg9[%dma_start3A_184, %dma_start3A_185] : memref<10240x16xf32, #tpu.memory_space<vmem_shared>> -> memref<10240x16xf32, #tpu.memory_space<vmem_shared>>
      tpu.enqueue_indirect_dma source(%dma_start3A_186 : memref<10240x16xf32, #tpu.memory_space<vmem_shared>>) target(%dma_start3A_182 : memref<128x16xf32, #tpu.memory_space<vmem>>) offsets(%dma_start3A_183 : memref<128xi32, #tpu.memory_space<vmem>>) semaphore(%arg21 : memref<!tpu.dma_semaphore, #tpu.memory_space<semaphore_mem>>)
    }
    %add3A_119 = arith.constant 8 : i32
    %add3A_120 = arith.addi %sub3A, %add3A_119 : i32
    %while3A_121 = arith.constant 0 : i32
    %while3A_122 = arith.constant 71 : i32
    %while3A_123 = arith.subi %while3A_122, %add3A_120 : i32
    %while3A_124 = arith.addi %add3A_120, %while3A_123 : i32
    %while3A_125 = arith.constant 1 : i32
    %while3A_126 = arith.divsi %while3A_123, %while3A_125 : i32
    %while3A_127 = arith.muli %while3A_126, %while3A_125 : i32
    %while3A_128 = arith.addi %add3A_120, %while3A_127 : i32
    %while3A_129 = arith.constant 1 : i32
    scf.for %while3A_149 = %add3A_120 to %while3A_128 step %while3A_129  : i32 {
      %dma_wait3A_150 = arith.constant 0 : i32
      %dma_wait3A_151 = arith.constant 0 : i32
      %dma_wait3A_152 = arith.constant 0 : i32
      %dma_wait3A_153 = tpu.memref_slice %arg12[%dma_wait3A_150, %dma_wait3A_151, %dma_wait3A_152] : memref<16x128x16xf32, #tpu.memory_space<vmem>> -> memref<1x128x16xf32, #tpu.memory_space<vmem>>
      %dma_wait3A_154 = tpu.memref_squeeze %dma_wait3A_153 : memref<1x128x16xf32, #tpu.memory_space<vmem>> -> memref<128x16xf32, #tpu.memory_space<vmem>>
      %dma_wait3A_155 = arith.constant 0 : i32
      %dma_wait3A_156 = tpu.memref_slice %arg10[%dma_wait3A_155] : memref<10112xi32, #tpu.memory_space<vmem>> -> memref<128xi32, #tpu.memory_space<vmem>>
      %dma_wait3A_157 = arith.constant 0 : i32
      %dma_wait3A_158 = arith.constant 0 : i32
      %dma_wait3A_159 = tpu.memref_slice %arg9[%dma_wait3A_157, %dma_wait3A_158] : memref<10240x16xf32, #tpu.memory_space<vmem_shared>> -> memref<10240x16xf32, #tpu.memory_space<vmem_shared>>
      tpu.wait_indirect_dma semaphore(%arg21 : memref<!tpu.dma_semaphore, #tpu.memory_space<semaphore_mem>>) src(%dma_wait3A_159 : memref<10240x16xf32, #tpu.memory_space<vmem_shared>>) dst(%dma_wait3A_154 : memref<128x16xf32, #tpu.memory_space<vmem>>)
      %sub3A_160 = arith.subi %while3A_149, %sub3A : i32
      %rem3A = arith.constant 16 : i32
      %rem3A_161 = arith.remsi %sub3A_160, %rem3A : i32
      %mul3A_162 = arith.constant 128 : i32
      %mul3A_163 = arith.muli %while3A_149, %mul3A_162 : i32
      %dma_start3A_164 = arith.constant 0 : i32
      %dma_start3A_165 = arith.constant 0 : i32
      %dma_start3A_166 = tpu.memref_slice %arg12[%rem3A_161, %dma_start3A_164, %dma_start3A_165] : memref<16x128x16xf32, #tpu.memory_space<vmem>> -> memref<1x128x16xf32, #tpu.memory_space<vmem>>
      %dma_start3A_167 = tpu.memref_squeeze %dma_start3A_166 : memref<1x128x16xf32, #tpu.memory_space<vmem>> -> memref<128x16xf32, #tpu.memory_space<vmem>>
      %dma_start3A_168 = tpu.memref_slice %arg11[%mul3A_163] : memref<10112xi32, #tpu.memory_space<vmem>> -> memref<128xi32, #tpu.memory_space<vmem>>
      %dma_start3A_169 = arith.constant 0 : i32
      %dma_start3A_170 = arith.constant 0 : i32
      %dma_start3A_171 = tpu.memref_slice %arg8[%dma_start3A_169, %dma_start3A_170] : memref<10240x16xf32, #tpu.memory_space<vmem_shared>> -> memref<10240x16xf32, #tpu.memory_space<vmem_shared>>
      tpu.enqueue_indirect_dma source(%dma_start3A_167 : memref<128x16xf32, #tpu.memory_space<vmem>>) target(%dma_start3A_171 : memref<10240x16xf32, #tpu.memory_space<vmem_shared>>) offsets(%dma_start3A_168 : memref<128xi32, #tpu.memory_space<vmem>>) semaphore(%arg22 : memref<!tpu.dma_semaphore, #tpu.memory_space<semaphore_mem>>) {add = true}
      %dma_wait3A_172 = arith.constant 0 : i32
      %dma_wait3A_173 = arith.constant 0 : i32
      %dma_wait3A_174 = arith.constant 0 : i32
      %dma_wait3A_175 = tpu.memref_slice %arg12[%dma_wait3A_172, %dma_wait3A_173, %dma_wait3A_174] : memref<16x128x16xf32, #tpu.memory_space<vmem>> -> memref<1x128x16xf32, #tpu.memory_space<vmem>>
      %dma_wait3A_176 = tpu.memref_squeeze %dma_wait3A_175 : memref<1x128x16xf32, #tpu.memory_space<vmem>> -> memref<128x16xf32, #tpu.memory_space<vmem>>
      %dma_wait3A_177 = arith.constant 0 : i32
      %dma_wait3A_178 = tpu.memref_slice %arg11[%dma_wait3A_177] : memref<10112xi32, #tpu.memory_space<vmem>> -> memref<128xi32, #tpu.memory_space<vmem>>
      %dma_wait3A_179 = arith.constant 0 : i32
      %dma_wait3A_180 = arith.constant 0 : i32
      %dma_wait3A_181 = tpu.memref_slice %arg8[%dma_wait3A_179, %dma_wait3A_180] : memref<10240x16xf32, #tpu.memory_space<vmem_shared>> -> memref<10240x16xf32, #tpu.memory_space<vmem_shared>>
      tpu.wait_indirect_dma semaphore(%arg22 : memref<!tpu.dma_semaphore, #tpu.memory_space<semaphore_mem>>) src(%dma_wait3A_176 : memref<128x16xf32, #tpu.memory_space<vmem>>) dst(%dma_wait3A_181 : memref<10240x16xf32, #tpu.memory_space<vmem_shared>>)
      %add3A_182 = arith.constant 8 : i32
      %add3A_183 = arith.addi %while3A_149, %add3A_182 : i32
      %mul3A_184 = arith.constant 128 : i32
      %mul3A_185 = arith.muli %add3A_183, %mul3A_184 : i32
      %sub3A_186 = arith.subi %add3A_183, %sub3A : i32
      %rem3A_187 = arith.constant 16 : i32
      %rem3A_188 = arith.remsi %sub3A_186, %rem3A_187 : i32
      %dma_start3A_189 = arith.constant 0 : i32
      %dma_start3A_190 = arith.constant 0 : i32
      %dma_start3A_191 = tpu.memref_slice %arg12[%rem3A_188, %dma_start3A_189, %dma_start3A_190] : memref<16x128x16xf32, #tpu.memory_space<vmem>> -> memref<1x128x16xf32, #tpu.memory_space<vmem>>
      %dma_start3A_192 = tpu.memref_squeeze %dma_start3A_191 : memref<1x128x16xf32, #tpu.memory_space<vmem>> -> memref<128x16xf32, #tpu.memory_space<vmem>>
      %dma_start3A_193 = tpu.memref_slice %arg10[%mul3A_185] : memref<10112xi32, #tpu.memory_space<vmem>> -> memref<128xi32, #tpu.memory_space<vmem>>
      %dma_start3A_194 = arith.constant 0 : i32
      %dma_start3A_195 = arith.constant 0 : i32
      %dma_start3A_196 = tpu.memref_slice %arg9[%dma_start3A_194, %dma_start3A_195] : memref<10240x16xf32, #tpu.memory_space<vmem_shared>> -> memref<10240x16xf32, #tpu.memory_space<vmem_shared>>
      tpu.enqueue_indirect_dma source(%dma_start3A_196 : memref<10240x16xf32, #tpu.memory_space<vmem_shared>>) target(%dma_start3A_192 : memref<128x16xf32, #tpu.memory_space<vmem>>) offsets(%dma_start3A_193 : memref<128xi32, #tpu.memory_space<vmem>>) semaphore(%arg21 : memref<!tpu.dma_semaphore, #tpu.memory_space<semaphore_mem>>)
    }
    %while3A_130 = arith.constant 1 : i32
    scf.for %while3A_149 = %while3A_128 to %while3A_124 step %while3A_130  : i32 {
      %dma_wait3A_150 = arith.constant 0 : i32
      %dma_wait3A_151 = arith.constant 0 : i32
      %dma_wait3A_152 = arith.constant 0 : i32
      %dma_wait3A_153 = tpu.memref_slice %arg12[%dma_wait3A_150, %dma_wait3A_151, %dma_wait3A_152] : memref<16x128x16xf32, #tpu.memory_space<vmem>> -> memref<1x128x16xf32, #tpu.memory_space<vmem>>
      %dma_wait3A_154 = tpu.memref_squeeze %dma_wait3A_153 : memref<1x128x16xf32, #tpu.memory_space<vmem>> -> memref<128x16xf32, #tpu.memory_space<vmem>>
      %dma_wait3A_155 = arith.constant 0 : i32
      %dma_wait3A_156 = tpu.memref_slice %arg10[%dma_wait3A_155] : memref<10112xi32, #tpu.memory_space<vmem>> -> memref<128xi32, #tpu.memory_space<vmem>>
      %dma_wait3A_157 = arith.constant 0 : i32
      %dma_wait3A_158 = arith.constant 0 : i32
      %dma_wait3A_159 = tpu.memref_slice %arg9[%dma_wait3A_157, %dma_wait3A_158] : memref<10240x16xf32, #tpu.memory_space<vmem_shared>> -> memref<10240x16xf32, #tpu.memory_space<vmem_shared>>
      tpu.wait_indirect_dma semaphore(%arg21 : memref<!tpu.dma_semaphore, #tpu.memory_space<semaphore_mem>>) src(%dma_wait3A_159 : memref<10240x16xf32, #tpu.memory_space<vmem_shared>>) dst(%dma_wait3A_154 : memref<128x16xf32, #tpu.memory_space<vmem>>)
      %sub3A_160 = arith.subi %while3A_149, %sub3A : i32
      %rem3A = arith.constant 16 : i32
      %rem3A_161 = arith.remsi %sub3A_160, %rem3A : i32
      %mul3A_162 = arith.constant 128 : i32
      %mul3A_163 = arith.muli %while3A_149, %mul3A_162 : i32
      %dma_start3A_164 = arith.constant 0 : i32
      %dma_start3A_165 = arith.constant 0 : i32
      %dma_start3A_166 = tpu.memref_slice %arg12[%rem3A_161, %dma_start3A_164, %dma_start3A_165] : memref<16x128x16xf32, #tpu.memory_space<vmem>> -> memref<1x128x16xf32, #tpu.memory_space<vmem>>
      %dma_start3A_167 = tpu.memref_squeeze %dma_start3A_166 : memref<1x128x16xf32, #tpu.memory_space<vmem>> -> memref<128x16xf32, #tpu.memory_space<vmem>>
      %dma_start3A_168 = tpu.memref_slice %arg11[%mul3A_163] : memref<10112xi32, #tpu.memory_space<vmem>> -> memref<128xi32, #tpu.memory_space<vmem>>
      %dma_start3A_169 = arith.constant 0 : i32
      %dma_start3A_170 = arith.constant 0 : i32
      %dma_start3A_171 = tpu.memref_slice %arg8[%dma_start3A_169, %dma_start3A_170] : memref<10240x16xf32, #tpu.memory_space<vmem_shared>> -> memref<10240x16xf32, #tpu.memory_space<vmem_shared>>
      tpu.enqueue_indirect_dma source(%dma_start3A_167 : memref<128x16xf32, #tpu.memory_space<vmem>>) target(%dma_start3A_171 : memref<10240x16xf32, #tpu.memory_space<vmem_shared>>) offsets(%dma_start3A_168 : memref<128xi32, #tpu.memory_space<vmem>>) semaphore(%arg22 : memref<!tpu.dma_semaphore, #tpu.memory_space<semaphore_mem>>) {add = true}
      %dma_wait3A_172 = arith.constant 0 : i32
      %dma_wait3A_173 = arith.constant 0 : i32
      %dma_wait3A_174 = arith.constant 0 : i32
      %dma_wait3A_175 = tpu.memref_slice %arg12[%dma_wait3A_172, %dma_wait3A_173, %dma_wait3A_174] : memref<16x128x16xf32, #tpu.memory_space<vmem>> -> memref<1x128x16xf32, #tpu.memory_space<vmem>>
      %dma_wait3A_176 = tpu.memref_squeeze %dma_wait3A_175 : memref<1x128x16xf32, #tpu.memory_space<vmem>> -> memref<128x16xf32, #tpu.memory_space<vmem>>
      %dma_wait3A_177 = arith.constant 0 : i32
      %dma_wait3A_178 = tpu.memref_slice %arg11[%dma_wait3A_177] : memref<10112xi32, #tpu.memory_space<vmem>> -> memref<128xi32, #tpu.memory_space<vmem>>
      %dma_wait3A_179 = arith.constant 0 : i32
      %dma_wait3A_180 = arith.constant 0 : i32
      %dma_wait3A_181 = tpu.memref_slice %arg8[%dma_wait3A_179, %dma_wait3A_180] : memref<10240x16xf32, #tpu.memory_space<vmem_shared>> -> memref<10240x16xf32, #tpu.memory_space<vmem_shared>>
      tpu.wait_indirect_dma semaphore(%arg22 : memref<!tpu.dma_semaphore, #tpu.memory_space<semaphore_mem>>) src(%dma_wait3A_176 : memref<128x16xf32, #tpu.memory_space<vmem>>) dst(%dma_wait3A_181 : memref<10240x16xf32, #tpu.memory_space<vmem_shared>>)
      %add3A_182 = arith.constant 8 : i32
      %add3A_183 = arith.addi %while3A_149, %add3A_182 : i32
      %mul3A_184 = arith.constant 128 : i32
      %mul3A_185 = arith.muli %add3A_183, %mul3A_184 : i32
      %sub3A_186 = arith.subi %add3A_183, %sub3A : i32
      %rem3A_187 = arith.constant 16 : i32
      %rem3A_188 = arith.remsi %sub3A_186, %rem3A_187 : i32
      %dma_start3A_189 = arith.constant 0 : i32
      %dma_start3A_190 = arith.constant 0 : i32
      %dma_start3A_191 = tpu.memref_slice %arg12[%rem3A_188, %dma_start3A_189, %dma_start3A_190] : memref<16x128x16xf32, #tpu.memory_space<vmem>> -> memref<1x128x16xf32, #tpu.memory_space<vmem>>
      %dma_start3A_192 = tpu.memref_squeeze %dma_start3A_191 : memref<1x128x16xf32, #tpu.memory_space<vmem>> -> memref<128x16xf32, #tpu.memory_space<vmem>>
      %dma_start3A_193 = tpu.memref_slice %arg10[%mul3A_185] : memref<10112xi32, #tpu.memory_space<vmem>> -> memref<128xi32, #tpu.memory_space<vmem>>
      %dma_start3A_194 = arith.constant 0 : i32
      %dma_start3A_195 = arith.constant 0 : i32
      %dma_start3A_196 = tpu.memref_slice %arg9[%dma_start3A_194, %dma_start3A_195] : memref<10240x16xf32, #tpu.memory_space<vmem_shared>> -> memref<10240x16xf32, #tpu.memory_space<vmem_shared>>
      tpu.enqueue_indirect_dma source(%dma_start3A_196 : memref<10240x16xf32, #tpu.memory_space<vmem_shared>>) target(%dma_start3A_192 : memref<128x16xf32, #tpu.memory_space<vmem>>) offsets(%dma_start3A_193 : memref<128xi32, #tpu.memory_space<vmem>>) semaphore(%arg21 : memref<!tpu.dma_semaphore, #tpu.memory_space<semaphore_mem>>)
    }
    %scan3A_131 = arith.constant 0 : i32
    %scan3A_132 = arith.constant 71 : i32
    %scan3A_133 = arith.constant 8 : i32
    %scan3A_134 = arith.addi %scan3A_132, %scan3A_133 : i32
    %scan3A_135 = arith.constant 1 : i32
    scf.for %scan3A_149 = %scan3A_132 to %scan3A_134 step %scan3A_135  : i32 {
      %dma_wait3A_150 = arith.constant 0 : i32
      %dma_wait3A_151 = arith.constant 0 : i32
      %dma_wait3A_152 = arith.constant 0 : i32
      %dma_wait3A_153 = tpu.memref_slice %arg12[%dma_wait3A_150, %dma_wait3A_151, %dma_wait3A_152] : memref<16x128x16xf32, #tpu.memory_space<vmem>> -> memref<1x128x16xf32, #tpu.memory_space<vmem>>
      %dma_wait3A_154 = tpu.memref_squeeze %dma_wait3A_153 : memref<1x128x16xf32, #tpu.memory_space<vmem>> -> memref<128x16xf32, #tpu.memory_space<vmem>>
      %dma_wait3A_155 = arith.constant 0 : i32
      %dma_wait3A_156 = tpu.memref_slice %arg10[%dma_wait3A_155] : memref<10112xi32, #tpu.memory_space<vmem>> -> memref<128xi32, #tpu.memory_space<vmem>>
      %dma_wait3A_157 = arith.constant 0 : i32
      %dma_wait3A_158 = arith.constant 0 : i32
      %dma_wait3A_159 = tpu.memref_slice %arg9[%dma_wait3A_157, %dma_wait3A_158] : memref<10240x16xf32, #tpu.memory_space<vmem_shared>> -> memref<10240x16xf32, #tpu.memory_space<vmem_shared>>
      tpu.wait_indirect_dma semaphore(%arg21 : memref<!tpu.dma_semaphore, #tpu.memory_space<semaphore_mem>>) src(%dma_wait3A_159 : memref<10240x16xf32, #tpu.memory_space<vmem_shared>>) dst(%dma_wait3A_154 : memref<128x16xf32, #tpu.memory_space<vmem>>)
      %sub3A_160 = arith.subi %scan3A_149, %sub3A : i32
      %rem3A = arith.constant 16 : i32
      %rem3A_161 = arith.remsi %sub3A_160, %rem3A : i32
      %mul3A_162 = arith.constant 128 : i32
      %mul3A_163 = arith.muli %scan3A_149, %mul3A_162 : i32
      %dma_start3A_164 = arith.constant 0 : i32
      %dma_start3A_165 = arith.constant 0 : i32
      %dma_start3A_166 = tpu.memref_slice %arg12[%rem3A_161, %dma_start3A_164, %dma_start3A_165] : memref<16x128x16xf32, #tpu.memory_space<vmem>> -> memref<1x128x16xf32, #tpu.memory_space<vmem>>
      %dma_start3A_167 = tpu.memref_squeeze %dma_start3A_166 : memref<1x128x16xf32, #tpu.memory_space<vmem>> -> memref<128x16xf32, #tpu.memory_space<vmem>>
      %dma_start3A_168 = tpu.memref_slice %arg11[%mul3A_163] : memref<10112xi32, #tpu.memory_space<vmem>> -> memref<128xi32, #tpu.memory_space<vmem>>
      %dma_start3A_169 = arith.constant 0 : i32
      %dma_start3A_170 = arith.constant 0 : i32
      %dma_start3A_171 = tpu.memref_slice %arg8[%dma_start3A_169, %dma_start3A_170] : memref<10240x16xf32, #tpu.memory_space<vmem_shared>> -> memref<10240x16xf32, #tpu.memory_space<vmem_shared>>
      tpu.enqueue_indirect_dma source(%dma_start3A_167 : memref<128x16xf32, #tpu.memory_space<vmem>>) target(%dma_start3A_171 : memref<10240x16xf32, #tpu.memory_space<vmem_shared>>) offsets(%dma_start3A_168 : memref<128xi32, #tpu.memory_space<vmem>>) semaphore(%arg22 : memref<!tpu.dma_semaphore, #tpu.memory_space<semaphore_mem>>) {add = true}
      %dma_wait3A_172 = arith.constant 0 : i32
      %dma_wait3A_173 = arith.constant 0 : i32
      %dma_wait3A_174 = arith.constant 0 : i32
      %dma_wait3A_175 = tpu.memref_slice %arg12[%dma_wait3A_172, %dma_wait3A_173, %dma_wait3A_174] : memref<16x128x16xf32, #tpu.memory_space<vmem>> -> memref<1x128x16xf32, #tpu.memory_space<vmem>>
      %dma_wait3A_176 = tpu.memref_squeeze %dma_wait3A_175 : memref<1x128x16xf32, #tpu.memory_space<vmem>> -> memref<128x16xf32, #tpu.memory_space<vmem>>
      %dma_wait3A_177 = arith.constant 0 : i32
      %dma_wait3A_178 = tpu.memref_slice %arg11[%dma_wait3A_177] : memref<10112xi32, #tpu.memory_space<vmem>> -> memref<128xi32, #tpu.memory_space<vmem>>
      %dma_wait3A_179 = arith.constant 0 : i32
      %dma_wait3A_180 = arith.constant 0 : i32
      %dma_wait3A_181 = tpu.memref_slice %arg8[%dma_wait3A_179, %dma_wait3A_180] : memref<10240x16xf32, #tpu.memory_space<vmem_shared>> -> memref<10240x16xf32, #tpu.memory_space<vmem_shared>>
      tpu.wait_indirect_dma semaphore(%arg22 : memref<!tpu.dma_semaphore, #tpu.memory_space<semaphore_mem>>) src(%dma_wait3A_176 : memref<128x16xf32, #tpu.memory_space<vmem>>) dst(%dma_wait3A_181 : memref<10240x16xf32, #tpu.memory_space<vmem_shared>>)
    }
    %scan3A_136 = arith.constant 8 : i32
    %scan3A_137 = arith.constant 0 : i32
    %scan3A_138 = arith.constant 0 : i32
    %scan3A_139 = arith.constant 8 : i32
    %scan3A_140 = arith.addi %scan3A_138, %scan3A_139 : i32
    %scan3A_141 = arith.constant 1 : i32
    scf.for %scan3A_149 = %scan3A_138 to %scan3A_140 step %scan3A_141  : i32 {
      %dma_wait3A_150 = arith.constant 0 : i32
      %dma_wait3A_151 = arith.constant 0 : i32
      %dma_wait3A_152 = arith.constant 0 : i32
      %dma_wait3A_153 = tpu.memref_slice %arg12[%dma_wait3A_150, %dma_wait3A_151, %dma_wait3A_152] : memref<16x128x16xf32, #tpu.memory_space<vmem>> -> memref<1x128x16xf32, #tpu.memory_space<vmem>>
      %dma_wait3A_154 = tpu.memref_squeeze %dma_wait3A_153 : memref<1x128x16xf32, #tpu.memory_space<vmem>> -> memref<128x16xf32, #tpu.memory_space<vmem>>
      %dma_wait3A_155 = arith.constant 0 : i32
      %dma_wait3A_156 = tpu.memref_slice %arg11[%dma_wait3A_155] : memref<10112xi32, #tpu.memory_space<vmem>> -> memref<128xi32, #tpu.memory_space<vmem>>
      %dma_wait3A_157 = arith.constant 0 : i32
      %dma_wait3A_158 = arith.constant 0 : i32
      %dma_wait3A_159 = tpu.memref_slice %arg8[%dma_wait3A_157, %dma_wait3A_158] : memref<10240x16xf32, #tpu.memory_space<vmem_shared>> -> memref<10240x16xf32, #tpu.memory_space<vmem_shared>>
      tpu.wait_indirect_dma semaphore(%arg22 : memref<!tpu.dma_semaphore, #tpu.memory_space<semaphore_mem>>) src(%dma_wait3A_154 : memref<128x16xf32, #tpu.memory_space<vmem>>) dst(%dma_wait3A_159 : memref<10240x16xf32, #tpu.memory_space<vmem_shared>>)
    }
    %scan3A_142 = arith.constant 8 : i32
    %eq3A_143 = arith.constant 0 : i32
    %eq3A_144 = arith.cmpi eq, %arg0, %eq3A_143 : i32
    %convert_element_type3A_145 = arith.extui %eq3A_144 : i1 to i32
    %cond3A_146 = arith.constant 0 : i32
    %cond3A_147 = arith.cmpi ne, %convert_element_type3A_145, %cond3A_146 : i32
    scf.if %cond3A_147 {
      %dma_wait3A_149 = arith.constant 0 : i32
      %dma_wait3A_150 = tpu.memref_slice %arg7[%mul3A_7, %dma_wait3A_149] : memref<10240x16xf32, #tpu.memory_space<hbm>> -> memref<640x16xf32, #tpu.memory_space<hbm>>
      %dma_wait3A_151 = arith.constant 0 : i32
      %dma_wait3A_152 = tpu.memref_slice %arg7[%mul3A_7, %dma_wait3A_151] : memref<10240x16xf32, #tpu.memory_space<hbm>> -> memref<640x16xf32, #tpu.memory_space<hbm>>
      tpu.wait_dma2 semaphore(%arg19 : memref<!tpu.dma_semaphore, #tpu.memory_space<semaphore_mem>>) src(%arg17 : memref<640x16xf32, #tpu.memory_space<vmem>>) dst(%dma_wait3A_152 : memref<640x16xf32, #tpu.memory_space<hbm>>)
    } else {
    }
    %barrier3A_148 = arith.constant 0 : index
    tpu.barrier barrier_id(%barrier3A_148)
    "tpu.region"() ({
      %run_scoped3A = tpu.sem_alloc : memref<!tpu.dma_semaphore, #tpu.memory_space<semaphore_mem>>
      %dma_start3A_149 = arith.constant 0 : i32
      %dma_start3A_150 = tpu.memref_slice %arg8[%mul3A_7, %dma_start3A_149] : memref<10240x16xf32, #tpu.memory_space<vmem_shared>> -> memref<640x16xf32, #tpu.memory_space<vmem_shared>>
      %dma_start3A_151 = arith.constant 0 : i32
      %dma_start3A_152 = tpu.memref_slice %arg8[%mul3A_7, %dma_start3A_151] : memref<10240x16xf32, #tpu.memory_space<vmem_shared>> -> memref<640x16xf32, #tpu.memory_space<vmem_shared>>
      tpu.enqueue_dma source(%dma_start3A_152 : memref<640x16xf32, #tpu.memory_space<vmem_shared>>) target(%arg17 : memref<640x16xf32, #tpu.memory_space<vmem>>) target_semaphore(%run_scoped3A : memref<!tpu.dma_semaphore, #tpu.memory_space<semaphore_mem>>)
      %dma_wait3A_153 = arith.constant 0 : i32
      %dma_wait3A_154 = tpu.memref_slice %arg8[%mul3A_7, %dma_wait3A_153] : memref<10240x16xf32, #tpu.memory_space<vmem_shared>> -> memref<640x16xf32, #tpu.memory_space<vmem_shared>>
      %dma_wait3A_155 = arith.constant 0 : i32
      %dma_wait3A_156 = tpu.memref_slice %arg8[%mul3A_7, %dma_wait3A_155] : memref<10240x16xf32, #tpu.memory_space<vmem_shared>> -> memref<640x16xf32, #tpu.memory_space<vmem_shared>>
      tpu.wait_dma2 semaphore(%run_scoped3A : memref<!tpu.dma_semaphore, #tpu.memory_space<semaphore_mem>>) src(%dma_wait3A_156 : memref<640x16xf32, #tpu.memory_space<vmem_shared>>) dst(%arg17 : memref<640x16xf32, #tpu.memory_space<vmem>>)
      tpu.yield
    }) : () -> ()
    "tpu.region"() ({
      %run_scoped3A = tpu.sem_alloc : memref<!tpu.dma_semaphore, #tpu.memory_space<semaphore_mem>>
      %dma_start3A_149 = arith.constant 0 : i32
      %dma_start3A_150 = tpu.memref_slice %arg6[%arg0, %mul3A_7, %dma_start3A_149] : memref<2x10240x16xf32, #tpu.memory_space<hbm>> -> memref<1x640x16xf32, #tpu.memory_space<hbm>>
      %dma_start3A_151 = tpu.memref_squeeze %dma_start3A_150 : memref<1x640x16xf32, #tpu.memory_space<hbm>> -> memref<640x16xf32, #tpu.memory_space<hbm>>
      %dma_start3A_152 = arith.constant 0 : i32
      %dma_start3A_153 = tpu.memref_slice %arg6[%arg0, %mul3A_7, %dma_start3A_152] : memref<2x10240x16xf32, #tpu.memory_space<hbm>> -> memref<1x640x16xf32, #tpu.memory_space<hbm>>
      %dma_start3A_154 = tpu.memref_squeeze %dma_start3A_153 : memref<1x640x16xf32, #tpu.memory_space<hbm>> -> memref<640x16xf32, #tpu.memory_space<hbm>>
      tpu.enqueue_dma source(%arg17 : memref<640x16xf32, #tpu.memory_space<vmem>>) target(%dma_start3A_154 : memref<640x16xf32, #tpu.memory_space<hbm>>) target_semaphore(%run_scoped3A : memref<!tpu.dma_semaphore, #tpu.memory_space<semaphore_mem>>)
      %dma_wait3A_155 = arith.constant 0 : i32
      %dma_wait3A_156 = tpu.memref_slice %arg6[%arg0, %mul3A_7, %dma_wait3A_155] : memref<2x10240x16xf32, #tpu.memory_space<hbm>> -> memref<1x640x16xf32, #tpu.memory_space<hbm>>
      %dma_wait3A_157 = tpu.memref_squeeze %dma_wait3A_156 : memref<1x640x16xf32, #tpu.memory_space<hbm>> -> memref<640x16xf32, #tpu.memory_space<hbm>>
      %dma_wait3A_158 = arith.constant 0 : i32
      %dma_wait3A_159 = tpu.memref_slice %arg6[%arg0, %mul3A_7, %dma_wait3A_158] : memref<2x10240x16xf32, #tpu.memory_space<hbm>> -> memref<1x640x16xf32, #tpu.memory_space<hbm>>
      %dma_wait3A_160 = tpu.memref_squeeze %dma_wait3A_159 : memref<1x640x16xf32, #tpu.memory_space<hbm>> -> memref<640x16xf32, #tpu.memory_space<hbm>>
      tpu.wait_dma2 semaphore(%run_scoped3A : memref<!tpu.dma_semaphore, #tpu.memory_space<semaphore_mem>>) src(%arg17 : memref<640x16xf32, #tpu.memory_space<vmem>>) dst(%dma_wait3A_160 : memref<640x16xf32, #tpu.memory_space<hbm>>)
      tpu.yield
    }) : () -> ()
    return
  }
}

#map = affine_map<(d0, d1) -> (0, 0)>
module attributes {stable_mosaic.version = 14 : i64} {
  func.func @_deg_body(%arg0: i32, %arg1: i32, %arg2: memref<2x320000xi32, #tpu.memory_space<hbm>>, %arg3: memref<2x10240xf32, #tpu.memory_space<hbm>>, %arg4: memref<10240xf32, #tpu.memory_space<vmem_shared>>, %arg5: memref<10112xi32, #tpu.memory_space<vmem>>, %arg6: memref<128xf32, #tpu.memory_space<vmem>>, %arg7: memref<640xf32, #tpu.memory_space<vmem>>, %arg8: memref<!tpu.dma_semaphore, #tpu.memory_space<semaphore_mem>>, %arg9: memref<!tpu.dma_semaphore, #tpu.memory_space<semaphore_mem>>) attributes {dimension_semantics = [#tpu.dimension_semantics<core_parallel>, #tpu.dimension_semantics<subcore_parallel>], iteration_bounds = array<i64: 2, 16>, scalar_prefetch = 0 : i64, scratch_operands = 6 : i64, tpu.core_type = #tpu.core_type<sc_vector_subcore>, window_params = [{transform_indices = #map}, {transform_indices = #map}]} {
    %mul3A = arith.constant 2 : i32
    %mul3A_0 = arith.muli %arg1, %mul3A : i32
    %add3A = arith.addi %mul3A_0, %arg0 : i32
    %mul3A_1 = arith.constant 79 : i32
    %mul3A_2 = arith.muli %add3A, %mul3A_1 : i32
    %min3A = arith.constant 2421 : i32
    %min3A_3 = arith.minsi %mul3A_2, %min3A : i32
    %mul3A_4 = arith.constant 79 : i32
    %mul3A_5 = arith.muli %add3A, %mul3A_4 : i32
    %sub3A = arith.subi %mul3A_5, %min3A_3 : i32
    %mul3A_6 = arith.constant 640 : i32
    %mul3A_7 = arith.muli %arg1, %mul3A_6 : i32
    %mul3A_8 = arith.constant 128 : i32
    %mul3A_9 = arith.muli %min3A_3, %mul3A_8 : i32
    %dma_start3A = arith.constant 1 : i32
    %dma_start3A_10 = tpu.memref_slice %arg2[%dma_start3A, %mul3A_9] : memref<2x320000xi32, #tpu.memory_space<hbm>> -> memref<1x10112xi32, #tpu.memory_space<hbm>>
    %dma_start3A_11 = tpu.memref_squeeze %dma_start3A_10 : memref<1x10112xi32, #tpu.memory_space<hbm>> -> memref<10112xi32, #tpu.memory_space<hbm>>
    %dma_start3A_12 = tpu.memref_slice %arg2[%dma_start3A, %mul3A_9] : memref<2x320000xi32, #tpu.memory_space<hbm>> -> memref<1x10112xi32, #tpu.memory_space<hbm>>
    %dma_start3A_13 = tpu.memref_squeeze %dma_start3A_12 : memref<1x10112xi32, #tpu.memory_space<hbm>> -> memref<10112xi32, #tpu.memory_space<hbm>>
    tpu.enqueue_dma source(%dma_start3A_13 : memref<10112xi32, #tpu.memory_space<hbm>>) target(%arg5 : memref<10112xi32, #tpu.memory_space<vmem>>) target_semaphore(%arg9 : memref<!tpu.dma_semaphore, #tpu.memory_space<semaphore_mem>>)
    %scan3A = arith.constant 0 : i32
    %scan3A_14 = arith.constant 0 : i32
    %scan3A_15 = arith.constant 40 : i32
    %scan3A_16 = arith.addi %scan3A_14, %scan3A_15 : i32
    %scan3A_17 = arith.constant 1 : i32
    scf.for %scan3A_55 = %scan3A_14 to %scan3A_16 step %scan3A_17  : i32 {
      %broadcast_in_dim3A = arith.constant 0.000000e+00 : f32
      %broadcast_in_dim3A_56 = vector.broadcast %broadcast_in_dim3A : f32 to vector<16xf32>
      %mul3A_57 = arith.constant 16 : i32
      %mul3A_58 = arith.muli %scan3A_55, %mul3A_57 : i32
      %swap3A = arith.index_cast %mul3A_58 : i32 to index
      %swap3A_59 = tpu.vector_load %arg7[%swap3A] {strides = array<i32>} : memref<640xf32, #tpu.memory_space<vmem>>, vector<16xf32>,
      %swap3A_60 = vector.shape_cast %swap3A_59 : vector<16xf32> to vector<16xf32>
      %swap3A_61 = vector.shape_cast %broadcast_in_dim3A_56 : vector<16xf32> to vector<16xf32>
      tpu.vector_store %arg7[%swap3A], %swap3A_61 {strides = array<i32>} : memref<640xf32, #tpu.memory_space<vmem>>, vector<16xf32>,
    }
    %scan3A_18 = arith.constant 40 : i32
    %scan3A_19 = arith.constant 0 : i32
    %scan3A_20 = arith.constant 0 : i32
    %scan3A_21 = arith.constant 8 : i32
    %scan3A_22 = arith.addi %scan3A_20, %scan3A_21 : i32
    %scan3A_23 = arith.constant 1 : i32
    scf.for %scan3A_55 = %scan3A_20 to %scan3A_22 step %scan3A_23  : i32 {
      %broadcast_in_dim3A = arith.constant 1.000000e+00 : f32
      %broadcast_in_dim3A_56 = vector.broadcast %broadcast_in_dim3A : f32 to vector<16xf32>
      %mul3A_57 = arith.constant 16 : i32
      %mul3A_58 = arith.muli %scan3A_55, %mul3A_57 : i32
      %swap3A = arith.index_cast %mul3A_58 : i32 to index
      %swap3A_59 = tpu.vector_load %arg6[%swap3A] {strides = array<i32>} : memref<128xf32, #tpu.memory_space<vmem>>, vector<16xf32>,
      %swap3A_60 = vector.shape_cast %swap3A_59 : vector<16xf32> to vector<16xf32>
      %swap3A_61 = vector.shape_cast %broadcast_in_dim3A_56 : vector<16xf32> to vector<16xf32>
      tpu.vector_store %arg6[%swap3A], %swap3A_61 {strides = array<i32>} : memref<128xf32, #tpu.memory_space<vmem>>, vector<16xf32>,
    }
    %scan3A_24 = arith.constant 8 : i32
    "tpu.region"() ({
      %run_scoped3A = tpu.sem_alloc : memref<!tpu.dma_semaphore, #tpu.memory_space<semaphore_mem>>
      %dma_start3A_55 = tpu.memref_slice %arg4[%mul3A_7] : memref<10240xf32, #tpu.memory_space<vmem_shared>> -> memref<640xf32, #tpu.memory_space<vmem_shared>>
      %dma_start3A_56 = tpu.memref_slice %arg4[%mul3A_7] : memref<10240xf32, #tpu.memory_space<vmem_shared>> -> memref<640xf32, #tpu.memory_space<vmem_shared>>
      tpu.enqueue_dma source(%arg7 : memref<640xf32, #tpu.memory_space<vmem>>) target(%dma_start3A_56 : memref<640xf32, #tpu.memory_space<vmem_shared>>) target_semaphore(%run_scoped3A : memref<!tpu.dma_semaphore, #tpu.memory_space<semaphore_mem>>)
      %dma_wait3A_57 = tpu.memref_slice %arg4[%mul3A_7] : memref<10240xf32, #tpu.memory_space<vmem_shared>> -> memref<640xf32, #tpu.memory_space<vmem_shared>>
      %dma_wait3A_58 = tpu.memref_slice %arg4[%mul3A_7] : memref<10240xf32, #tpu.memory_space<vmem_shared>> -> memref<640xf32, #tpu.memory_space<vmem_shared>>
      tpu.wait_dma2 semaphore(%run_scoped3A : memref<!tpu.dma_semaphore, #tpu.memory_space<semaphore_mem>>) src(%arg7 : memref<640xf32, #tpu.memory_space<vmem>>) dst(%dma_wait3A_58 : memref<640xf32, #tpu.memory_space<vmem_shared>>)
      tpu.yield
    }) : () -> ()
    %dma_wait3A = arith.constant 1 : i32
    %dma_wait3A_25 = arith.constant 0 : i32
    %dma_wait3A_26 = tpu.memref_slice %arg2[%dma_wait3A, %dma_wait3A_25] : memref<2x320000xi32, #tpu.memory_space<hbm>> -> memref<1x10112xi32, #tpu.memory_space<hbm>>
    %dma_wait3A_27 = tpu.memref_squeeze %dma_wait3A_26 : memref<1x10112xi32, #tpu.memory_space<hbm>> -> memref<10112xi32, #tpu.memory_space<hbm>>
    %dma_wait3A_28 = arith.constant 0 : i32
    %dma_wait3A_29 = tpu.memref_slice %arg2[%dma_wait3A, %dma_wait3A_28] : memref<2x320000xi32, #tpu.memory_space<hbm>> -> memref<1x10112xi32, #tpu.memory_space<hbm>>
    %dma_wait3A_30 = tpu.memref_squeeze %dma_wait3A_29 : memref<1x10112xi32, #tpu.memory_space<hbm>> -> memref<10112xi32, #tpu.memory_space<hbm>>
    tpu.wait_dma2 semaphore(%arg9 : memref<!tpu.dma_semaphore, #tpu.memory_space<semaphore_mem>>) src(%dma_wait3A_30 : memref<10112xi32, #tpu.memory_space<hbm>>) dst(%arg5 : memref<10112xi32, #tpu.memory_space<vmem>>)
    %barrier3A = arith.constant 0 : index
    tpu.barrier barrier_id(%barrier3A)
    %scan3A_31 = arith.constant 0 : i32
    %scan3A_32 = arith.constant 0 : i32
    %scan3A_33 = arith.constant 4 : i32
    %scan3A_34 = arith.addi %scan3A_32, %scan3A_33 : i32
    %scan3A_35 = arith.constant 1 : i32
    scf.for %scan3A_55 = %scan3A_32 to %scan3A_34 step %scan3A_35  : i32 {
      %add3A_56 = arith.addi %sub3A, %scan3A_55 : i32
      %mul3A_57 = arith.constant 128 : i32
      %mul3A_58 = arith.muli %add3A_56, %mul3A_57 : i32
      %dma_start3A_59 = tpu.memref_slice %arg5[%mul3A_58] : memref<10112xi32, #tpu.memory_space<vmem>> -> memref<128xi32, #tpu.memory_space<vmem>>
      %dma_start3A_60 = arith.constant 0 : i32
      %dma_start3A_61 = tpu.memref_slice %arg4[%dma_start3A_60] : memref<10240xf32, #tpu.memory_space<vmem_shared>> -> memref<10240xf32, #tpu.memory_space<vmem_shared>>
      tpu.enqueue_indirect_dma source(%arg6 : memref<128xf32, #tpu.memory_space<vmem>>) target(%dma_start3A_61 : memref<10240xf32, #tpu.memory_space<vmem_shared>>) offsets(%dma_start3A_59 : memref<128xi32, #tpu.memory_space<vmem>>) semaphore(%arg8 : memref<!tpu.dma_semaphore, #tpu.memory_space<semaphore_mem>>) {add = true}
    }
    %scan3A_36 = arith.constant 4 : i32
    %add3A_37 = arith.constant 4 : i32
    %add3A_38 = arith.addi %sub3A, %add3A_37 : i32
    %while3A = arith.constant 0 : i32
    %while3A_39 = arith.constant 79 : i32
    %while3A_40 = arith.subi %while3A_39, %add3A_38 : i32
    %while3A_41 = arith.addi %add3A_38, %while3A_40 : i32
    %while3A_42 = arith.constant 1 : i32
    %while3A_43 = arith.divsi %while3A_40, %while3A_42 : i32
    %while3A_44 = arith.muli %while3A_43, %while3A_42 : i32
    %while3A_45 = arith.addi %add3A_38, %while3A_44 : i32
    %while3A_46 = arith.constant 1 : i32
    scf.for %while3A_55 = %add3A_38 to %while3A_45 step %while3A_46  : i32 {
      %dma_wait3A_56 = arith.constant 0 : i32
      %dma_wait3A_57 = tpu.memref_slice %arg5[%dma_wait3A_56] : memref<10112xi32, #tpu.memory_space<vmem>> -> memref<128xi32, #tpu.memory_space<vmem>>
      %dma_wait3A_58 = arith.constant 0 : i32
      %dma_wait3A_59 = tpu.memref_slice %arg4[%dma_wait3A_58] : memref<10240xf32, #tpu.memory_space<vmem_shared>> -> memref<10240xf32, #tpu.memory_space<vmem_shared>>
      tpu.wait_indirect_dma semaphore(%arg8 : memref<!tpu.dma_semaphore, #tpu.memory_space<semaphore_mem>>) src(%arg6 : memref<128xf32, #tpu.memory_space<vmem>>) dst(%dma_wait3A_59 : memref<10240xf32, #tpu.memory_space<vmem_shared>>)
      %mul3A_60 = arith.constant 128 : i32
      %mul3A_61 = arith.muli %while3A_55, %mul3A_60 : i32
      %dma_start3A_62 = tpu.memref_slice %arg5[%mul3A_61] : memref<10112xi32, #tpu.memory_space<vmem>> -> memref<128xi32, #tpu.memory_space<vmem>>
      %dma_start3A_63 = arith.constant 0 : i32
      %dma_start3A_64 = tpu.memref_slice %arg4[%dma_start3A_63] : memref<10240xf32, #tpu.memory_space<vmem_shared>> -> memref<10240xf32, #tpu.memory_space<vmem_shared>>
      tpu.enqueue_indirect_dma source(%arg6 : memref<128xf32, #tpu.memory_space<vmem>>) target(%dma_start3A_64 : memref<10240xf32, #tpu.memory_space<vmem_shared>>) offsets(%dma_start3A_62 : memref<128xi32, #tpu.memory_space<vmem>>) semaphore(%arg8 : memref<!tpu.dma_semaphore, #tpu.memory_space<semaphore_mem>>) {add = true}
    }
    %while3A_47 = arith.constant 1 : i32
    scf.for %while3A_55 = %while3A_45 to %while3A_41 step %while3A_47  : i32 {
      %dma_wait3A_56 = arith.constant 0 : i32
      %dma_wait3A_57 = tpu.memref_slice %arg5[%dma_wait3A_56] : memref<10112xi32, #tpu.memory_space<vmem>> -> memref<128xi32, #tpu.memory_space<vmem>>
      %dma_wait3A_58 = arith.constant 0 : i32
      %dma_wait3A_59 = tpu.memref_slice %arg4[%dma_wait3A_58] : memref<10240xf32, #tpu.memory_space<vmem_shared>> -> memref<10240xf32, #tpu.memory_space<vmem_shared>>
      tpu.wait_indirect_dma semaphore(%arg8 : memref<!tpu.dma_semaphore, #tpu.memory_space<semaphore_mem>>) src(%arg6 : memref<128xf32, #tpu.memory_space<vmem>>) dst(%dma_wait3A_59 : memref<10240xf32, #tpu.memory_space<vmem_shared>>)
      %mul3A_60 = arith.constant 128 : i32
      %mul3A_61 = arith.muli %while3A_55, %mul3A_60 : i32
      %dma_start3A_62 = tpu.memref_slice %arg5[%mul3A_61] : memref<10112xi32, #tpu.memory_space<vmem>> -> memref<128xi32, #tpu.memory_space<vmem>>
      %dma_start3A_63 = arith.constant 0 : i32
      %dma_start3A_64 = tpu.memref_slice %arg4[%dma_start3A_63] : memref<10240xf32, #tpu.memory_space<vmem_shared>> -> memref<10240xf32, #tpu.memory_space<vmem_shared>>
      tpu.enqueue_indirect_dma source(%arg6 : memref<128xf32, #tpu.memory_space<vmem>>) target(%dma_start3A_64 : memref<10240xf32, #tpu.memory_space<vmem_shared>>) offsets(%dma_start3A_62 : memref<128xi32, #tpu.memory_space<vmem>>) semaphore(%arg8 : memref<!tpu.dma_semaphore, #tpu.memory_space<semaphore_mem>>) {add = true}
    }
    %scan3A_48 = arith.constant 0 : i32
    %scan3A_49 = arith.constant 0 : i32
    %scan3A_50 = arith.constant 4 : i32
    %scan3A_51 = arith.addi %scan3A_49, %scan3A_50 : i32
    %scan3A_52 = arith.constant 1 : i32
    scf.for %scan3A_55 = %scan3A_49 to %scan3A_51 step %scan3A_52  : i32 {
      %dma_wait3A_56 = arith.constant 0 : i32
      %dma_wait3A_57 = tpu.memref_slice %arg5[%dma_wait3A_56] : memref<10112xi32, #tpu.memory_space<vmem>> -> memref<128xi32, #tpu.memory_space<vmem>>
      %dma_wait3A_58 = arith.constant 0 : i32
      %dma_wait3A_59 = tpu.memref_slice %arg4[%dma_wait3A_58] : memref<10240xf32, #tpu.memory_space<vmem_shared>> -> memref<10240xf32, #tpu.memory_space<vmem_shared>>
      tpu.wait_indirect_dma semaphore(%arg8 : memref<!tpu.dma_semaphore, #tpu.memory_space<semaphore_mem>>) src(%arg6 : memref<128xf32, #tpu.memory_space<vmem>>) dst(%dma_wait3A_59 : memref<10240xf32, #tpu.memory_space<vmem_shared>>)
    }
    %scan3A_53 = arith.constant 4 : i32
    %barrier3A_54 = arith.constant 0 : index
    tpu.barrier barrier_id(%barrier3A_54)
    "tpu.region"() ({
      %run_scoped3A = tpu.sem_alloc : memref<!tpu.dma_semaphore, #tpu.memory_space<semaphore_mem>>
      %dma_start3A_55 = tpu.memref_slice %arg4[%mul3A_7] : memref<10240xf32, #tpu.memory_space<vmem_shared>> -> memref<640xf32, #tpu.memory_space<vmem_shared>>
      %dma_start3A_56 = tpu.memref_slice %arg4[%mul3A_7] : memref<10240xf32, #tpu.memory_space<vmem_shared>> -> memref<640xf32, #tpu.memory_space<vmem_shared>>
      tpu.enqueue_dma source(%dma_start3A_56 : memref<640xf32, #tpu.memory_space<vmem_shared>>) target(%arg7 : memref<640xf32, #tpu.memory_space<vmem>>) target_semaphore(%run_scoped3A : memref<!tpu.dma_semaphore, #tpu.memory_space<semaphore_mem>>)
      %dma_wait3A_57 = tpu.memref_slice %arg4[%mul3A_7] : memref<10240xf32, #tpu.memory_space<vmem_shared>> -> memref<640xf32, #tpu.memory_space<vmem_shared>>
      %dma_wait3A_58 = tpu.memref_slice %arg4[%mul3A_7] : memref<10240xf32, #tpu.memory_space<vmem_shared>> -> memref<640xf32, #tpu.memory_space<vmem_shared>>
      tpu.wait_dma2 semaphore(%run_scoped3A : memref<!tpu.dma_semaphore, #tpu.memory_space<semaphore_mem>>) src(%dma_wait3A_58 : memref<640xf32, #tpu.memory_space<vmem_shared>>) dst(%arg7 : memref<640xf32, #tpu.memory_space<vmem>>)
      tpu.yield
    }) : () -> ()
    "tpu.region"() ({
      %run_scoped3A = tpu.sem_alloc : memref<!tpu.dma_semaphore, #tpu.memory_space<semaphore_mem>>
      %dma_start3A_55 = tpu.memref_slice %arg3[%arg0, %mul3A_7] : memref<2x10240xf32, #tpu.memory_space<hbm>> -> memref<1x640xf32, #tpu.memory_space<hbm>>
      %dma_start3A_56 = tpu.memref_squeeze %dma_start3A_55 : memref<1x640xf32, #tpu.memory_space<hbm>> -> memref<640xf32, #tpu.memory_space<hbm>>
      %dma_start3A_57 = tpu.memref_slice %arg3[%arg0, %mul3A_7] : memref<2x10240xf32, #tpu.memory_space<hbm>> -> memref<1x640xf32, #tpu.memory_space<hbm>>
      %dma_start3A_58 = tpu.memref_squeeze %dma_start3A_57 : memref<1x640xf32, #tpu.memory_space<hbm>> -> memref<640xf32, #tpu.memory_space<hbm>>
      tpu.enqueue_dma source(%arg7 : memref<640xf32, #tpu.memory_space<vmem>>) target(%dma_start3A_58 : memref<640xf32, #tpu.memory_space<hbm>>) target_semaphore(%run_scoped3A : memref<!tpu.dma_semaphore, #tpu.memory_space<semaphore_mem>>)
      %dma_wait3A_59 = tpu.memref_slice %arg3[%arg0, %mul3A_7] : memref<2x10240xf32, #tpu.memory_space<hbm>> -> memref<1x640xf32, #tpu.memory_space<hbm>>
      %dma_wait3A_60 = tpu.memref_squeeze %dma_wait3A_59 : memref<1x640xf32, #tpu.memory_space<hbm>> -> memref<640xf32, #tpu.memory_space<hbm>>
      %dma_wait3A_61 = tpu.memref_slice %arg3[%arg0, %mul3A_7] : memref<2x10240xf32, #tpu.memory_space<hbm>> -> memref<1x640xf32, #tpu.memory_space<hbm>>
      %dma_wait3A_62 = tpu.memref_squeeze %dma_wait3A_61 : memref<1x640xf32, #tpu.memory_space<hbm>> -> memref<640xf32, #tpu.memory_space<hbm>>
      tpu.wait_dma2 semaphore(%run_scoped3A : memref<!tpu.dma_semaphore, #tpu.memory_space<semaphore_mem>>) src(%arg7 : memref<640xf32, #tpu.memory_space<vmem>>) dst(%dma_wait3A_62 : memref<640xf32, #tpu.memory_space<hbm>>)
      tpu.yield
    }) : () -> ()
    return
  }
}

module attributes {stable_mosaic.version = 14 : i64} {
  func.func @_mm_body(%arg0: memref<10000x128xf32, #tpu.memory_space<vmem>>, %arg1: memref<128x16xf32, #tpu.memory_space<vmem>>, %arg2: memref<10000x16xf32, #tpu.memory_space<vmem>>) attributes {dimension_semantics = [], scalar_prefetch = 0 : i64, scratch_operands = 0 : i64, tpu.core_type = #tpu.core_type<tc>} {
    %get3A = arith.constant 0 : index
    %get3A_0 = arith.constant 0 : index
    %get3A_1 = vector.load %arg0[%get3A, %get3A_0] : memref<10000x128xf32, #tpu.memory_space<vmem>>, vector<10000x128xf32>
    %get3A_2 = arith.constant 0 : index
    %get3A_3 = arith.constant 0 : index
    %get3A_4 = vector.load %arg1[%get3A_2, %get3A_3] : memref<128x16xf32, #tpu.memory_space<vmem>>, vector<128x16xf32>
    %dot_general3A = arith.constant dense<0.000000e+00> : vector<10000x16xf32>
    %dot_general3A_5 = tpu.matmul %get3A_1, %get3A_4, %dot_general3A {dimension_numbers = #tpu.dot_dimension_numbers<[1], [0], [0], [1], [0, 0, 1, 1], [], []>, transpose_lhs_hint = false} : vector<10000x128xf32>, vector<128x16xf32>, vector<10000x16xf32> -> vector<10000x16xf32>
    %swap3A = arith.constant 0 : index
    %swap3A_6 = arith.constant 0 : index
    %swap3A_7 = vector.load %arg2[%swap3A, %swap3A_6] : memref<10000x16xf32, #tpu.memory_space<vmem>>, vector<10000x16xf32>
    tpu.vector_store %arg2[%swap3A, %swap3A_6], %dot_general3A_5 {strides = array<i32>} : memref<10000x16xf32, #tpu.memory_space<vmem>>, vector<10000x16xf32>,
    return
  }
}

module attributes {stable_mosaic.version = 14 : i64} {
  func.func @_scale_body(%arg0: memref<10000x16xf32, #tpu.memory_space<vmem>>, %arg1: memref<2x10240xf32, #tpu.memory_space<vmem>>, %arg2: memref<10240x128xf32, #tpu.memory_space<vmem>>, %arg3: memref<10240xf32, #tpu.memory_space<vmem>>) attributes {dimension_semantics = [], scalar_prefetch = 0 : i64, scratch_operands = 0 : i64, tpu.core_type = #tpu.core_type<tc>} {
    %get3A = arith.constant 0 : index
    %get3A_0 = arith.constant 0 : index
    %get3A_1 = vector.load %arg1[%get3A, %get3A_0] : memref<2x10240xf32, #tpu.memory_space<vmem>>, vector<2x10240xf32>
    %slice3A = vector.extract_strided_slice %get3A_1 {offsets = [0, 0], sizes = [1, 10240], strides = [1, 1]} : vector<2x10240xf32> to vector<1x10240xf32>
    %squeeze3A = vector.shape_cast %slice3A : vector<1x10240xf32> to vector<10240xf32>
    %slice3A_2 = vector.extract_strided_slice %get3A_1 {offsets = [1, 0], sizes = [1, 10240], strides = [1, 1]} : vector<2x10240xf32> to vector<1x10240xf32>
    %squeeze3A_3 = vector.shape_cast %slice3A_2 : vector<1x10240xf32> to vector<10240xf32>
    %add3A = arith.addf %squeeze3A, %squeeze3A_3 : vector<10240xf32>
    %add3A_4 = arith.constant 1.000000e+00 : f32
    %add3A_5 = vector.broadcast %add3A_4 : f32 to vector<10240xf32>
    %add3A_6 = arith.addf %add3A, %add3A_5 : vector<10240xf32>
    %rsqrt3A = math.rsqrt %add3A_6 : vector<10240xf32>
    %swap3A = arith.constant 0 : index
    %swap3A_7 = vector.load %arg3[%swap3A] : memref<10240xf32, #tpu.memory_space<vmem>>, vector<10240xf32>
    tpu.vector_store %arg3[%swap3A], %rsqrt3A {strides = array<i32>} : memref<10240xf32, #tpu.memory_space<vmem>>, vector<10240xf32>,
    %get3A_8 = arith.constant 0 : index
    %get3A_9 = arith.constant 0 : index
    %get3A_10 = vector.load %arg0[%get3A_8, %get3A_9] : memref<10000x16xf32, #tpu.memory_space<vmem>>, vector<10000x16xf32>
    %slice3A_11 = vector.extract_strided_slice %rsqrt3A {offsets = [0], sizes = [10000], strides = [1]} : vector<10240xf32> to vector<10000xf32>
    %broadcast_in_dim3A = vector.shape_cast %slice3A_11 : vector<10000xf32> to vector<10000x1xf32>
    %mul3A = vector.broadcast %broadcast_in_dim3A : vector<10000x1xf32> to vector<10000x16xf32>
    %mul3A_12 = arith.mulf %get3A_10, %mul3A : vector<10000x16xf32>
    %swap3A_13 = arith.constant 0 : index
    %swap3A_14 = arith.constant 0 : index
    %swap3A_15 = vector.load %arg2[%swap3A_13, %swap3A_14] : memref<10240x128xf32, #tpu.memory_space<vmem>>, vector<10000x16xf32>
    tpu.vector_store %arg2[%swap3A_13, %swap3A_14], %mul3A_12 {strides = array<i32>} : memref<10240x128xf32, #tpu.memory_space<vmem>>, vector<10000x16xf32>,
    return
  }
}

module attributes {stable_mosaic.version = 14 : i64} {
  func.func @_fin_body(%arg0: memref<2x10240x16xf32, #tpu.memory_space<vmem>>, %arg1: memref<10240x16xf32, #tpu.memory_space<vmem>>, %arg2: memref<10240xf32, #tpu.memory_space<vmem>>, %arg3: memref<16x128xf32, #tpu.memory_space<vmem>>, %arg4: memref<10000x128xf32, #tpu.memory_space<vmem>>) attributes {dimension_semantics = [], scalar_prefetch = 0 : i64, scratch_operands = 0 : i64, tpu.core_type = #tpu.core_type<tc>} {
    %get3A = arith.constant 0 : index
    %get3A_0 = arith.constant 0 : index
    %get3A_1 = arith.constant 0 : index
    %get3A_2 = vector.load %arg0[%get3A, %get3A_0, %get3A_1] : memref<2x10240x16xf32, #tpu.memory_space<vmem>>, vector<2x10240x16xf32>
    %get3A_3 = arith.constant 0 : index
    %get3A_4 = vector.load %arg2[%get3A_3] : memref<10240xf32, #tpu.memory_space<vmem>>, vector<10240xf32>
    %slice3A = vector.extract_strided_slice %get3A_2 {offsets = [0, 0, 0], sizes = [1, 10000, 16], strides = [1, 1, 1]} : vector<2x10240x16xf32> to vector<1x10000x16xf32>
    %squeeze3A = vector.shape_cast %slice3A : vector<1x10000x16xf32> to vector<10000x16xf32>
    %slice3A_5 = vector.extract_strided_slice %get3A_2 {offsets = [1, 0, 0], sizes = [1, 10000, 16], strides = [1, 1, 1]} : vector<2x10240x16xf32> to vector<1x10000x16xf32>
    %squeeze3A_6 = vector.shape_cast %slice3A_5 : vector<1x10000x16xf32> to vector<10000x16xf32>
    %add3A = arith.addf %squeeze3A, %squeeze3A_6 : vector<10000x16xf32>
    %get3A_7 = arith.constant 0 : index
    %get3A_8 = arith.constant 0 : index
    %get3A_9 = vector.load %arg1[%get3A_7, %get3A_8] : memref<10240x16xf32, #tpu.memory_space<vmem>>, vector<10000x16xf32>
    %add3A_10 = arith.addf %add3A, %get3A_9 : vector<10000x16xf32>
    %slice3A_11 = vector.extract_strided_slice %get3A_4 {offsets = [0], sizes = [10000], strides = [1]} : vector<10240xf32> to vector<10000xf32>
    %broadcast_in_dim3A = vector.shape_cast %slice3A_11 : vector<10000xf32> to vector<10000x1xf32>
    %mul3A = vector.broadcast %broadcast_in_dim3A : vector<10000x1xf32> to vector<10000x16xf32>
    %mul3A_12 = arith.mulf %add3A_10, %mul3A : vector<10000x16xf32>
    %get3A_13 = arith.constant 0 : index
    %get3A_14 = arith.constant 0 : index
    %get3A_15 = vector.load %arg3[%get3A_13, %get3A_14] : memref<16x128xf32, #tpu.memory_space<vmem>>, vector<16x128xf32>
    %dot_general3A = arith.constant dense<0.000000e+00> : vector<10000x128xf32>
    %dot_general3A_16 = tpu.matmul %mul3A_12, %get3A_15, %dot_general3A {dimension_numbers = #tpu.dot_dimension_numbers<[1], [0], [0], [1], [0, 0, 1, 1], [], []>, transpose_lhs_hint = false} : vector<10000x16xf32>, vector<16x128xf32>, vector<10000x128xf32> -> vector<10000x128xf32>
    %swap3A = arith.constant 0 : index
    %swap3A_17 = arith.constant 0 : index
    %swap3A_18 = vector.load %arg4[%swap3A, %swap3A_17] : memref<10000x128xf32, #tpu.memory_space<vmem>>, vector<10000x128xf32>
    tpu.vector_store %arg4[%swap3A, %swap3A_17], %dot_general3A_16 {strides = array<i32>} : memref<10000x128xf32, #tpu.memory_space<vmem>>, vector<10000x128xf32>,
    return
  }
}

</mosaic_0001>

<sc_bundles>
// kernel: kernel.11.cloned.1.call-start
scs
__scs_entry_jumppad:
0x0: {  	(pc) =	sbr.rel $0x88, $3  }
0x1: {  	(tag) =	ssettag $0x0;
	lr =	simm.s32 $0x1  }
0x2: {  	[smem:$0x3F9D] =	sst lr;
	_ =	strace $0xD0000000  }
0x3: {  	_ = 	snop  }
0x4: {  	_ = 	snop  }
0x5: {  	_ = 	snop  }
0x6: {  	_ = 	snop  }
0x7: {  	_ = 	snop  }
__scs_overlays_trampoline_lowered:
0x8: {  	[smem:$0x3FAC] =	sst s0  }
0x9: {  	[smem:$0x3FAD] =	sst s1  }
0xa: {  	[smem:$0x3FAE] =	sst s2  }
0xb: {  	[smem:$0x3FAF] =	sst s3  }
0xc: {  	[smem:$0x3FB0] =	sst s4  }
0xd: {  	[smem:$0x3FB1] =	sst s5  }
0xe: {  	[smem:$0x3FB2] =	sst s6  }
0xf: {  	[smem:$0x3FB3] =	sst s7  }
0x10: {  	[smem:$0x3FB4] =	sst s8  }
0x11: {  	[smem:$0x3FB5] =	sst s9;
	s0 =	simm.s32 @!p0 $0x0  }
0x12: {  	s1 =	sld [smem:$0x3F9B];
	s0 =	simm.s32 @p0 $0x1  }
0x13: {  	[smem:$0x3FB6] =	sst s0;
	s0 =	simm.s32 @!p1 $0x0  }
0x14: {  	s2 =	sld [smem:$0x3F9A];
	s0 =	simm.s32 @p1 $0x1  }
0x15: {  	[smem:$0x3FB7] =	sst s0;
	s0 =	simm.s32 @!p2 $0x0  }
0x16: {  	s3 =	sld [smem:$0x3FDB];
	s0 =	simm.s32 @p2 $0x1  }
0x17: {  	s4 =	simm.s32 $0x1BF5;
	[smem:$0x3FB9] =	sst s0  }
0x18: {  	s0 =	sld [smem:$0x3F9C];
	_ =	swait.ge [sflag:s4], $0x0  }
0x19: {  	s7 =	sld [smem:$0x3F9D]  }
0x1a: {  	s8 =	sadd.s32 $0xFFFFE003, lr  }
0x1b: {  	s9 =	sadd.s32 $0xFFFFFEF7, lr;
	s5 =	simm.s32 $0xFFFFFFFF;
	p2 =	slt.u32 s8, $0xFFFFF086  }
0x1c: {  	p1 =	slt.u32 s9, $0xF7A;
	s5 =	simm.s32 @!p2 $0x0  }
0x1d: {  	s5 =	simm.s32 @p1 $0x1;
	p0 =	seq.s32 s7, s2  }
0x1e: {  	s7 =	smul.u32 @!p0 $0xF7A, s2;
	p2 =	seq.s32 @!p0 s5, $0x0  }
0x1f: {  	s9 =	smul.u32 $0xF7A, s1;
	s8 =	simm.s32 @!p0 $0x1BF5;
	p2 =	por !p2, p0  }
0x20: {  	[sflag:s8] =	ssyncset.s32 @!p0 $0xFFFFF086;
	s6 =	sadd.s32 @!p0 s3, s7;
	s7 =	simm.s32 @!p0 $0x108  }
0x21: {  	s3 =	sadd.s32 s3, s9;
	s6 =	sadd.s32 @!p0 $0x88, s6;
	s7 =	simm.s32 @p2 $0x1082  }
0x22: {  	[simem:s7], [sflag:s8] =	dma.local @!p0 [hbm:s6], $0xF7A  }
0x23: {  	s9 =	sor.u32 $0xD0000000, s2;
	s6 =	simm.s32 $0x108;
	_ =	swait.ge @!p0 [sflag:s8], $0x0  }
0x24: {  	s3 =	sadd.s32 $0x88, s3;
	s6 =	simm.s32 @!p1 $0x1082;
	[sflag:s4] =	ssyncset.s32 $0xFFFFF086  }
0x25: {  	[simem:s6], [sflag:s4] =	dma.local [hbm:s3], $0xF7A  }
0x26: {  	[smem:$0x3F9D] =	sst s1;
	(tag) =	ssettag s2;
	_ =	strace s9  }
0x27: {  	s1 =	sld [smem:$0x3FAD]  }
0x28: {  	s2 =	sld [smem:$0x3FAE]  }
0x29: {  	s4 =	sld [smem:$0x3FB0]  }
0x2a: {  	p0 =	seq.s32 s5, $0x0;
	s5 =	sld [smem:$0x3FB1]  }
0x2b: {  	s6 =	sld [smem:$0x3FB2]  }
0x2c: {  	s7 =	sld [smem:$0x3FB3]  }
0x2d: {  	s3 =	simm.s32 $0x108;
	s8 =	sld [smem:$0x3FB4]  }
0x2e: {  	s3 =	simm.s32 @!p0 $0x1082;
	s9 =	sld [smem:$0x3FB5]  }
0x2f: {  	lr =	sadd.s32 s0, s3;
	s0 =	sld [smem:$0x3FAC]  }
0x30: {  	s3 =	sld [smem:$0x3FAF]  }
0x31: {  	[smem:$0x3FB8] =	sst s10  }
0x32: {  	s10 =	sld [smem:$0x3FB6];
	_ =	sdelay $0x3  }
0x33: {  	p0 =	seq.s32 s10, $0x1;
	s10 =	sld [smem:$0x3FB8];
	_ =	sdelay $0x3  }
0x34: {  	[smem:$0x3FB8] =	sst s10  }
0x35: {  	s10 =	sld [smem:$0x3FB7];
	_ =	sdelay $0x3  }
0x36: {  	p1 =	seq.s32 s10, $0x1;
	s10 =	sld [smem:$0x3FB8];
	_ =	sdelay $0x3  }
0x37: {  	[smem:$0x3FB8] =	sst s10  }
0x38: {  	s10 =	sld [smem:$0x3FB9]  }
0x39: {  	_ = 	snop;
	(pc) =	sbr.ind lr, $3  }
0x3a: {  	_ = 	snop  }
0x3b: {  	_ = 	snop  }
0x3c: {  	p2 =	seq.s32 s10, $0x1;
	s10 =	sld [smem:$0x3FB8]  }
0x3d: {  	_ =	shalt  }
0x3e: {  	_ =	shalt  }
0x3f: {  	_ =	shalt  }
0x40: {  	_ =	shalt  }
0x41: {  	_ =	shalt  }
0x42: {  	_ =	shalt  }
0x43: {  	_ =	shalt  }
0x44: {  	_ =	shalt  }
0x45: {  	_ =	shalt  }
0x46: {  	_ =	shalt  }
0x47: {  	_ =	shalt  }
0x48: {  	_ =	shalt  }
0x49: {  	_ =	shalt  }
0x4a: {  	_ =	shalt  }
0x4b: {  	_ =	shalt  }
0x4c: {  	_ =	shalt  }
0x4d: {  	_ =	shalt  }
0x4e: {  	_ =	shalt  }
0x4f: {  	_ =	shalt  }
0x50: {  	_ =	shalt  }
0x51: {  	_ =	shalt  }
0x52: {  	_ =	shalt  }
0x53: {  	_ =	shalt  }
0x54: {  	_ =	shalt  }
0x55: {  	_ =	shalt  }
0x56: {  	_ =	shalt  }
0x57: {  	_ =	shalt  }
0x58: {  	_ =	shalt  }
0x59: {  	_ =	shalt  }
0x5a: {  	_ =	shalt  }
0x5b: {  	_ =	shalt  }
0x5c: {  	_ =	shalt  }
0x5d: {  	_ =	shalt  }
0x5e: {  	_ =	shalt  }
0x5f: {  	_ =	shalt  }
0x60: {  	_ =	shalt  }
0x61: {  	_ =	shalt  }
0x62: {  	_ =	shalt  }
0x63: {  	_ =	shalt  }
0x64: {  	_ =	shalt  }
0x65: {  	_ =	shalt  }
0x66: {  	_ =	shalt  }
0x67: {  	_ =	shalt  }
0x68: {  	_ =	shalt  }
0x69: {  	_ =	shalt  }
0x6a: {  	_ =	shalt  }
0x6b: {  	_ =	shalt  }
0x6c: {  	_ =	shalt  }
0x6d: {  	_ =	shalt  }
0x6e: {  	_ =	shalt  }
0x6f: {  	_ =	shalt  }
0x70: {  	_ =	shalt  }
0x71: {  	_ =	shalt  }
0x72: {  	_ =	shalt  }
0x73: {  	_ =	shalt  }
0x74: {  	_ =	shalt  }
0x75: {  	_ =	shalt  }
0x76: {  	_ =	shalt  }
0x77: {  	_ =	shalt  }
0x78: {  	_ =	shalt  }
0x79: {  	_ =	shalt  }
0x7a: {  	_ =	shalt  }
0x7b: {  	_ =	shalt  }
0x7c: {  	_ =	shalt  }
0x7d: {  	_ =	shalt  }
0x7e: {  	_ =	shalt  }
0x7f: {  	_ =	shalt  }
0x80: {  	_ =	shalt  }
0x81: {  	_ =	shalt  }
0x82: {  	_ =	shalt  }
0x83: {  	_ =	shalt  }
0x84: {  	_ =	shalt  }
0x85: {  	_ =	shalt  }
0x86: {  	_ =	shalt  }
0x87: {  	_ =	shalt  }
.Lfunc_end0:
.L_simem_size_0:
called_computation.1_lowered:
.L_overlay_start_0:
0x88: {  	s2 =	sld [smem:$0x3FD9]  }
0x89: {  	s3 =	sld [smem:$0x3FFE];
	_ =	sdelay $0x1  }
0x8a: {  	s1 =	srdreg.scid  }
0x8b: {  	s0 =	sand.u32 $0x1, s1  }
0x8c: {  	s17 =	sshll.u32 s0, $0xA;
	s2 =	sadd.s32 s3, s2  }
0x8d: {  	s2 =	sadd.s32 s2, s17  }
0x8e: {  	[smem:$0x3FC4] =	sst s2  }
0x8f: {  	_ = 	snop  }
0x90: {  	s2 =	sld [smem:$0x3FD0];
	(tm) =	ssettm $0x1  }
0x91: {  	s18 =	sld [smem:$0x3FFB];
	_ =	sdelay $0x3  }
0x92: {  	_ =	strace s18  }
0x93: {  	s3 =	sld [smem:$0x3FFC];
	_ =	sdelay $0x3  }
0x94: {  	_ =	strace s3  }
0x95: {  	s3 =	sld [smem:$0x3FFD];
	_ =	sdelay $0x3  }
0x96: {  	_ =	strace s3  }
0x97: {  	_ =	strace $0x8FFFFFFF  }
0x98: {  	s19 =	sld [smem:$0x3FDB];
	_ =	sdelay $0x1  }
0x99: {  	s4 =	simm.s32 $_scs_section_size  }
0x9a: {  	s5 =	simm.s32 $_size__tile_overlayer_lowered;
	s6 =	simm.s32 $_tile_overlayer_lowered  }
0x9b: {  	s22 =	simm.s32 $0x1BFF;
	s21 =	sshll.u32 s6, $0x1;
	s3 =	sadd.s32 s4, s19  }
0x9c: {  	s7 =	simm.s32 $0x0;
	s20 =	sshll.u32 s5, $0x1;
	s5 =	sadd.s32 s21, s3  }
0x9d: {  	[timem:s7], [sflag:s22] =	dma.local [hbm:s5], s20  }
0x9e: {  	_ =	swait.ge [sflag:s22], s20  }
0x9f: {  	s4 =	ssub.s32 $0x0, s20;
	[sflag:s22] =	ssyncset.done $0x0  }
0xa0: {  	[sflag:s22] =	ssyncadd.s32 s4;
	_ =	sdelay $0x1  }
0xa1: {  	s23 =	simm.s32 $0x1B8B  }
0xa2: {  	_ =	swait.ge [sflag:s23], $0x1  }
0xa3: {  	[sflag:s23] =	ssyncset.done $0x0  }
0xa4: {  	s25 =	simm.s32 $0x1B8E;
	s24 =	sld [smem:$0x3FFE];
	[sflag:s23] =	ssyncadd.s32 $0xFFFFFFFF  }
0xa5: {  	s26 =	simm.s32 $execute0_lowered;
	[smem:$0x3FD2] =	sst s25  }
0xa6: {  	s5 =	sshll.u32 s26, $0x1;
	_ =	strace $0x80000049;
	[dreg:$0x1] =	wrdreg $0xFFFFFFFF  }
0xa7: {  	s28 =	simm.s32 $_size_execute0_lowered;
	s3 =	sadd.s32 s3, s5;
	[dreg:$0x0] =	wrdreg $0x0  }
0xa8: {  	s5 =	sshll.u32 s28, $0x1;
	[dreg:$0x2] =	wrdreg s3  }
0xa9: {  	[dreg:$0x3] =	wrdreg s5  }
0xaa: {  	[dreg:$0x4] =	wrdreg $0xC0  }
0xab: {  	_ =	task [dreg:s7], $0x5FFFF  }
0xac: {  	[dreg:$0x1] =	wrdreg $0xFFFFFFFF  }
0xad: {  	[dreg:$0x0] =	wrdreg $0x60  }
0xae: {  	[dreg:$0x2] =	wrdreg s24  }
0xaf: {  	[dreg:$0x3] =	wrdreg s2  }
0xb0: {  	[dreg:$0x4] =	wrdreg $0x28000  }
0xb1: {  	[dreg:$0x5] =	wrdreg $0x0  }
0xb2: {  	[dreg:$0x6] =	wrdreg $0x9  }
0xb3: {  	_ =	task.clear_ibuf [dreg:s7], $0x7FFFF;
	_ =	strace $0x90000049  }
0xb4: {  	s29 =	simm.s32 $0x9;
	_ =	strace $0x8000004B  }
0xb5: {  	_ =	swait.ge [sflag:s29], $0x1  }
0xb6: {  	[sflag:s29] =	ssyncadd.s32 $0xFFFFFFFF  }
0xb7: {  	_ =	strace $0x9000004B  }
0xb8: {  	_ =	sfence  }
0xb9: {  	s30 =	sld [smem:$0x0];
	_ =	sdelay $0x2  }
0xba: {  	s31 =	sshll.u32 s1, $0xD;
	s1 =	sshrl.u32 s1, $0x2  }
0xbb: {  	s3 =	sand.u32 $0x4000, s31;
	s1 =	sadd.s32 s1, s30  }
0xbc: {  	s0 =	sor.u32 s3, s0;
	s1 =	sshll.u32 s1, $0x11  }
0xbd: {  	s0 =	sor.u32 s1, s0  }
0xbe: {  	s0 =	sadd.s32 $0x8F2B, s0  }
0xbf: {  	[sflag:s0] =	ssyncadd.remote.s32 $0x1  }
0xc0: {  	_ =	sfence.sel $0xFFFF  }
0xc1: {  	[dreg:$0x0] =	wrdreg $0xFFFFFFFF;
	(pc) =	sbr.abs _section_cstart, $3  }
0xc2: {  	[dreg:$0x1] =	wrdreg $0xFFFFFFFF  }
0xc3: {  	_ =	task.clear_ibuf [dreg:s7], $0x2FFFF;
	_ =	strace $0x9FFFFFFF  }
0xc4: {  	(tm) =	ssettm $0x7FFFFFFF  }
0xc5: {  	_ =	shalt  }
tec
execute0_lowered:
.L_overlay_start_1:
0x0: {  	(tag) =	ssettag $0x1  }
0x1: {  	s0 =	rddreg [dreg:$0x0]  }
0x2: {  	s1 =	rddreg [dreg:$0x1]  }
0x3: {  	s2 =	rddreg [dreg:$0x2];
	s14 =	stileid.u32  }
0x4: {  	s3 =	rddreg [dreg:$0x3];
	s6 =	smul.u32 $0x2800, s14  }
0x5: {  	s5 =	srdreg.scid;
	s30 =	smul.u32 $0x9E, s14  }
0x6: {  	s4 =	simm.s32 $0x0;
	s5 =	sand.u32 $0x1, s5;
	s16 =	smul.u32 $0x13C00, s14  }
0x7: {  	s28 =	simm.s32 $0x4;
	s29 =	simm.s32 $0x0;
	s8 =	smul.u32 $0x28000, s5  }
0x8: {  	s7 =	sshll.u32 s14, $0x1;
	[smem:$0x7FF] =	sst s4;
	s31 =	smul.u32 $0x4F, s5  }
0x9: {  	s7 =	sor.u32 s5, s7;
	s10 =	ssub.s32 $0x2, s5;
	s5 =	smul.u32 $0x9E00, s5  }
0xa: {  	s24 =	sshll.u32 s14, $0x6;
	_ =	strace $0x8000004A;
	s7 =	smul.u32 $0x4F, s7  }
0xb: {  	s9 =	sadd.s32 s6, s0;
	s11 =	sshrl.u32 s10, $0x1;
	s13 =	sadd.s32 s6, s2  }
0xc: {  	s8 =	sadd.s32 s6, s8;
	s10 =	ssub.s32 s10, s11;
	s9 =	sadd.s32 $0x2600, s9  }
0xd: {  	s8 =	sshrl.u32 s8, $0x3;
	s12 =	smin.u32 s7, $0x975;
	[dreg:$0x5] =	wrdreg s9  }
0xe: {  	s10 =	smax.u32 s10, $0x1;
	s0 =	sadd.s32 s8, s0;
	s7 =	ssub.s32 s7, s12  }
0xf: {  	[dreg:$0x8] =	wrdreg s10;
	s26 =	sshll.u32 s7, $0x9;
	s0 =	sadd.s32 $0x2AC00, s0  }
0x10: {  	s8 =	sor.u32 $0x1C01, s24;
	[dreg:$0x7] =	wrdreg s0;
	s0 =	sshra.s32 s26, $0x2  }
0x11: {  	s25 =	sshll.u32 s12, $0x4;
	[dreg:$0x6] =	wrdreg s8;
	s12 =	sadd.s32 $0x5000, s0  }
0x12: {  	s18 =	sadd.s32 s31, s30;
	s17 =	sadd.s32 $0x5080, s0;
	[dreg:$0x9] =	wrdreg s12  }
0x13: {  	s5 =	sadd.s32 s5, s16;
	s19 =	sadd.s32 $0x5100, s0;
	[dreg:$0xa] =	wrdreg s17  }
0x14: {  	s21 =	smin.u32 s18, $0x975;
	s20 =	sadd.s32 $0x5180, s0;
	[dreg:$0xb] =	wrdreg s19  }
0x15: {  	s23 =	sshll.u32 s21, $0x9;
	s22 =	sadd.s32 $0x5200, s0;
	[dreg:$0xc] =	wrdreg s20  }
0x16: {  	s9 =	ssub.s32 s21, s31;
	s24 =	sadd.s32 $0x5280, s0;
	[dreg:$0xd] =	wrdreg s22  }
0x17: {  	s15 =	sadd.s32 s1, s25;
	s25 =	sadd.s32 $0x5300, s0;
	[dreg:$0xe] =	wrdreg s24  }
0x18: {  	s1 =	sadd.s32 $0x1000, s26;
	s26 =	sadd.s32 $0x5380, s0;
	[dreg:$0xf] =	wrdreg s25  }
0x19: {  	s8 =	sadd.s32 s6, s3;
	s31 =	sadd.s32 $0x7780, s0;
	[dreg:$0x10] =	wrdreg s26  }
0x1a: {  	s6 =	ssub.s32 s9, s30;
	s9 =	sadd.s32 $0x7800, s0;
	[dreg:$0x12] =	wrdreg s31  }
0x1b: {  	s10 =	ssub.s32 s18, s21;
	s11 =	sadd.s32 $0x5480, s0;
	[dreg:$0x13] =	wrdreg s9  }
0x1c: {  	s5 =	ssub.s32 s5, s23;
	s14 =	sadd.s32 $0x5500, s0;
	[dreg:$0x14] =	wrdreg s11  }
0x1d: {  	p0 =	sgt.u32 s7, $0x3E;
	s16 =	sadd.s32 $0x7900, s0;
	[dreg:$0x16] =	wrdreg s14  }
0x1e: {  	s30 =	sadd.s32 $0x2000, s5;
	s18 =	sadd.s32 $0x7980, s0;
	[dreg:$0x17] =	wrdreg s16  }
0x1f: {  	s5 =	sadd.s32 $0x1000, s5;
	s21 =	sadd.s32 $0x5680, s0;
	[dreg:$0x19] =	wrdreg s18  }
0x20: {  	s1 =	sshra.s32 s1, $0x2;
	s23 =	sadd.s32 $0x5700, s0;
	[dreg:$0x1c] =	wrdreg s21  }
0x21: {  	s7 =	sadd.s32 $0x9C40, s15;
	s1 =	sadd.s32 $0x5000, s1;
	[dreg:$0x1e] =	wrdreg s23  }
0x22: {  	s12 =	sadd.s32 $0x7880, s0;
	s17 =	sadd.s32 $0x5580, s0;
	[dreg:$0x11] =	wrdreg s1  }
0x23: {  	s19 =	sadd.s32 $0x5600, s0;
	s20 =	sadd.s32 $0x7A00, s0;
	[dreg:$0x15] =	wrdreg s12  }
0x24: {  	s22 =	sadd.s32 $0x7A80, s0;
	s24 =	sadd.s32 $0x7B00, s0;
	[dreg:$0x18] =	wrdreg s17  }
0x25: {  	s0 =	sadd.s32 $0x5780, s0;
	s25 =	sshra.s32 s30, $0x2;
	[dreg:$0x1a] =	wrdreg s19  }
0x26: {  	s26 =	sshra.s32 s5, $0x2;
	s30 =	sadd.s32 $0x7, s10;
	[dreg:$0x1b] =	wrdreg s20  }
0x27: {  	s11 =	sadd.s32 $0x47, s6;
	s10 =	smov.u32 s15;
	[dreg:$0x1d] =	wrdreg s22  }
0x28: {  	s14 =	simm.s32 $0x2;
	s15 =	simm.s32 $0x11F00;
	[dreg:$0x1f] =	wrdreg s24  }
0x29: {  	s16 =	simm.s32 $0x5;
	s18 =	simm.s32 $0x9F00;
	[smem:$0x7FB] =	sst s0  }
0x2a: {  	s21 =	simm.s32 $0xB700;
	s23 =	simm.s32 $0xC700;
	[smem:$0x7FC] =	sst s30  }
0x2b: {  	s5 =	sadd.s32 $0x5000, s25;
	s31 =	sadd.s32 $0x7780, s26;
	s12 =	sshrl.u32 s13, $0x3  }
0x2c: {  	s13 =	simm.s32 $0x1;
	s17 =	simm.s32 $0x80;
	s19 =	simm.s32 $0xA700  }
0x2d: {  	s20 =	simm.s32 $0xAF00;
	s22 =	simm.s32 $0xBF00;
	s24 =	simm.s32 $0xCF00  }
0x2e: {  	v0 =	vimm.f32 $0.0e+00;
	s25 =	simm.s32 $0xD700;
	s26 =	simm.s32 $0x3;
	[smem:$0x7FD] =	sst s31  }
.LBB2_1:
0x2f: {  	s0 =	rddreg [dreg:$0x5]  }
0x30: {  	s1 =	rddreg [dreg:$0x6];
	s6 =	simm.s32 $0x10;
	s30 =	simm.s32 $0x5000  }
0x31: {  	[spmem:s12@s14], [sflag:s1] =	dma.strided [hbm:s0@s6], $0x500, s13, $0x2   }
0x32: {  	[tilespmem:s30], [sflag:$0x2] =	stream.linear.gather [hbm4b:s10+s4], $0x2780, $0x38;
	[tilespmem:$0x14700] =	vst v63  }
0x33: {  	s31 =	simm.s32 $0x7780;
	s0 =	simm.s32 $0x40;
	s1 =	simm.s32 $0x0  }
0x34: {  	[tilespmem:s31], [sflag:$0x2] =	stream.linear.gather [hbm4b:s7+s4], $0x2780, $0x38;
	[tilespmem:$0x14700] =	vst v63  }
.LBB2_2:
0x35: {  	p1 =	sne.s32 s0, $0x9FC0;
	[tilespmem:s1+$0x11F00] =	vst v0;
	s1 =	smov.u32 s0;
	s0 =	sadd.s32 $0x40, s0  }
.Ltmp0:
0x36: {  	(pc) =	sbr.rel @p1 .LBB2_2-.Ltmp0, $2  }
0x37: {  	_ =	sdelay $0x2  }
0x38: {  	s1 =	sshra.s32 s1, $0x2  }
0x39: {  	[tilespmem:s1+$0x11F00] =	vst v0  }
0x3a: {  	[spmem:s8] =	stream.linear.scatter [tilespmem:s15], [sflag:$0x5], $0x2800, $0x38;
	[tilespmem:$0x14700] =	vst v63  }
0x3b: {  	_ =	swait.ge [sflag:s16], $0x2800  }
0x3c: {  	[sflag:s16] =	ssyncset.done $0x0  }
0x3d: {  	[sflag:s16] =	ssyncadd.s32 $0xFFFFD800  }
0x3e: {  	_ =	swait.ge [sflag:s13], $0x500  }
0x3f: {  	[sflag:s13] =	ssyncset.done $0x0  }
0x40: {  	[sflag:s13] =	ssyncadd.s32 $0xFFFFFB00  }
0x41: {  	_ =	swait.ge [sflag:s14], $0x2780  }
0x42: {  	[sflag:s14] =	ssyncset.done $0x0  }
0x43: {  	[sflag:s14] =	ssyncadd.s32 $0xFFFFD880  }
0x44: {  	_ =	swait.ge [sflag:s14], $0x2780  }
0x45: {  	[sflag:s14] =	ssyncset.done $0x0  }
0x46: {  	[sflag:s14] =	ssyncadd.s32 $0xFFFFD880  }
0x47: {  	[bflag:$0x0] =	sbarrier.arrive $0xFFFF  }
0x48: {  	s0 =	rddreg [dreg:$0x9]  }
0x49: {  	[tilespmem:s18], [sflag:$0x3] =	stream.indirect.gather [spmem:s2], $0x10, s0, s17, $0xb8;
	[tilespmem:$0x14700] =	vst v63  }
0x4a: {  	s9 =	rddreg [dreg:$0xa]  }
0x4b: {  	[tilespmem:s19], [sflag:$0x3] =	stream.indirect.gather [spmem:s2], $0x10, s9, s17, $0xb8;
	[tilespmem:$0x14700] =	vst v63  }
0x4c: {  	s30 =	rddreg [dreg:$0xb]  }
0x4d: {  	[tilespmem:s20], [sflag:$0x3] =	stream.indirect.gather [spmem:s2], $0x10, s30, s17, $0xb8;
	[tilespmem:$0x14700] =	vst v63  }
0x4e: {  	s31 =	rddreg [dreg:$0xc]  }
0x4f: {  	[tilespmem:s21], [sflag:$0x3] =	stream.indirect.gather [spmem:s2], $0x10, s31, s17, $0xb8;
	[tilespmem:$0x14700] =	vst v63  }
0x50: {  	s1 =	rddreg [dreg:$0xd]  }
0x51: {  	[tilespmem:s22], [sflag:$0x3] =	stream.indirect.gather [spmem:s2], $0x10, s1, s17, $0xb8;
	[tilespmem:$0x14700] =	vst v63  }
0x52: {  	s6 =	rddreg [dreg:$0xe]  }
0x53: {  	[tilespmem:s23], [sflag:$0x3] =	stream.indirect.gather [spmem:s2], $0x10, s6, s17, $0xb8;
	[tilespmem:$0x14700] =	vst v63  }
0x54: {  	s9 =	rddreg [dreg:$0xf]  }
0x55: {  	[tilespmem:s24], [sflag:$0x3] =	stream.indirect.gather [spmem:s2], $0x10, s9, s17, $0xb8;
	[tilespmem:$0x14700] =	vst v63  }
0x56: {  	s30 =	rddreg [dreg:$0x10]  }
0x57: {  	[tilespmem:s25], [sflag:$0x3] =	stream.indirect.gather [spmem:s2], $0x10, s30, s17, $0xb8;
	[tilespmem:$0x14700] =	vst v63  }
0x58: {  	_ =	swait.ge [sflag:s26], $0x800  }
0x59: {  	[sflag:s26] =	ssyncset.done $0x0  }
0x5a: {  	s31 =	rddreg [dreg:$0x12];
	[sflag:s26] =	ssyncadd.s32 $0xFFFFF800  }
0x5b: {  	[spmem:s3] =	stream.indirect.scatter.add.f32 [tilespmem:s18], [sflag:$0x4], $0x10, s31, s17, $0xb8;
	[tilespmem:$0x14700] =	vst v63  }
0x5c: {  	s6 =	simm.s32 $0xDF00;
	s1 =	rddreg [dreg:$0x11]  }
0x5d: {  	[tilespmem:s6], [sflag:$0x3] =	stream.indirect.gather [spmem:s2], $0x10, s1, s17, $0xb8;
	[tilespmem:$0x14700] =	vst v63  }
0x5e: {  	_ =	swait.ge [sflag:s26], $0x800  }
0x5f: {  	[sflag:s26] =	ssyncset.done $0x0  }
0x60: {  	s9 =	rddreg [dreg:$0x13];
	[sflag:s26] =	ssyncadd.s32 $0xFFFFF800  }
0x61: {  	[spmem:s3] =	stream.indirect.scatter.add.f32 [tilespmem:s19], [sflag:$0x4], $0x10, s9, s17, $0xb8;
	[tilespmem:$0x14700] =	vst v63  }
0x62: {  	s31 =	simm.s32 $0xE700;
	s30 =	rddreg [dreg:$0x14]  }
0x63: {  	[tilespmem:s31], [sflag:$0x3] =	stream.indirect.gather [spmem:s2], $0x10, s30, s17, $0xb8;
	[tilespmem:$0x14700] =	vst v63  }
0x64: {  	_ =	swait.ge [sflag:s26], $0x800  }
0x65: {  	[sflag:s26] =	ssyncset.done $0x0  }
0x66: {  	s6 =	rddreg [dreg:$0x15];
	[sflag:s26] =	ssyncadd.s32 $0xFFFFF800  }
0x67: {  	[spmem:s3] =	stream.indirect.scatter.add.f32 [tilespmem:s20], [sflag:$0x4], $0x10, s6, s17, $0xb8;
	[tilespmem:$0x14700] =	vst v63  }
0x68: {  	s30 =	simm.s32 $0xEF00;
	s9 =	rddreg [dreg:$0x16]  }
0x69: {  	[tilespmem:s30], [sflag:$0x3] =	stream.indirect.gather [spmem:s2], $0x10, s9, s17, $0xb8;
	[tilespmem:$0x14700] =	vst v63  }
0x6a: {  	_ =	swait.ge [sflag:s26], $0x800  }
0x6b: {  	[sflag:s26] =	ssyncset.done $0x0  }
0x6c: {  	s31 =	rddreg [dreg:$0x17];
	[sflag:s26] =	ssyncadd.s32 $0xFFFFF800  }
0x6d: {  	[spmem:s3] =	stream.indirect.scatter.add.f32 [tilespmem:s21], [sflag:$0x4], $0x10, s31, s17, $0xb8;
	[tilespmem:$0x14700] =	vst v63  }
0x6e: {  	s6 =	simm.s32 $0xF700;
	s1 =	rddreg [dreg:$0x18]  }
0x6f: {  	[tilespmem:s6], [sflag:$0x3] =	stream.indirect.gather [spmem:s2], $0x10, s1, s17, $0xb8;
	[tilespmem:$0x14700] =	vst v63  }
0x70: {  	_ =	swait.ge [sflag:s26], $0x800  }
0x71: {  	[sflag:s26] =	ssyncset.done $0x0  }
0x72: {  	s9 =	rddreg [dreg:$0x19];
	[sflag:s26] =	ssyncadd.s32 $0xFFFFF800  }
0x73: {  	[spmem:s3] =	stream.indirect.scatter.add.f32 [tilespmem:s22], [sflag:$0x4], $0x10, s9, s17, $0xb8;
	[tilespmem:$0x14700] =	vst v63  }
0x74: {  	s31 =	simm.s32 $0xFF00;
	s30 =	rddreg [dreg:$0x1a]  }
0x75: {  	[tilespmem:s31], [sflag:$0x3] =	stream.indirect.gather [spmem:s2], $0x10, s30, s17, $0xb8;
	[tilespmem:$0x14700] =	vst v63  }
0x76: {  	_ =	swait.ge [sflag:s26], $0x800  }
0x77: {  	[sflag:s26] =	ssyncset.done $0x0  }
0x78: {  	s6 =	rddreg [dreg:$0x1b];
	[sflag:s26] =	ssyncadd.s32 $0xFFFFF800  }
0x79: {  	[spmem:s3] =	stream.indirect.scatter.add.f32 [tilespmem:s23], [sflag:$0x4], $0x10, s6, s17, $0xb8;
	[tilespmem:$0x14700] =	vst v63  }
0x7a: {  	s30 =	simm.s32 $0x10700;
	s9 =	rddreg [dreg:$0x1c]  }
0x7b: {  	[tilespmem:s30], [sflag:$0x3] =	stream.indirect.gather [spmem:s2], $0x10, s9, s17, $0xb8;
	[tilespmem:$0x14700] =	vst v63  }
0x7c: {  	_ =	swait.ge [sflag:s26], $0x800  }
0x7d: {  	[sflag:s26] =	ssyncset.done $0x0  }
0x7e: {  	s31 =	rddreg [dreg:$0x1d];
	[sflag:s26] =	ssyncadd.s32 $0xFFFFF800  }
0x7f: {  	[spmem:s3] =	stream.indirect.scatter.add.f32 [tilespmem:s24], [sflag:$0x4], $0x10, s31, s17, $0xb8;
	[tilespmem:$0x14700] =	vst v63  }
0x80: {  	s6 =	simm.s32 $0x10F00;
	s1 =	rddreg [dreg:$0x1e]  }
0x81: {  	[tilespmem:s6], [sflag:$0x3] =	stream.indirect.gather [spmem:s2], $0x10, s1, s17, $0xb8;
	[tilespmem:$0x14700] =	vst v63  }
0x82: {  	_ =	swait.ge [sflag:s26], $0x800  }
.Ltmp1:
0x83: {  	[sflag:s26] =	ssyncset.done $0x0;
	s9 =	rddreg [dreg:$0x1f];
	(pc) =	sbr.rel @p0 .LBB2_7-.Ltmp1, $4  }
0x84: {  	s30 =	sld [smem:$0x7FB];
	[sflag:s26] =	ssyncadd.s32 $0xFFFFF800  }
0x85: {  	[spmem:s3] =	stream.indirect.scatter.add.f32 [tilespmem:s25], [sflag:$0x4], $0x10, s9, s17, $0xb8;
	[tilespmem:$0x14700] =	vst v63  }
0x86: {  	s0 =	simm.s32 $0x20000;
	s31 =	simm.s32 $0x11700  }
0x87: {  	[tilespmem:s31], [sflag:$0x3] =	stream.indirect.gather [spmem:s2], $0x10, s30, s17, $0xb8;
	[tilespmem:$0x14700] =	vst v63  }
0x88: {  	_ =	swait.ge [sflag:s26], $0x800  }
0x89: {  	s6 =	sld [smem:$0x7FC];
	_ =	sdelay $0x1  }
0x8a: {  	s1 =	simm.s32 $0x10000;
	s0 =	sand.u32 $0x1E000, s0  }
0x8b: {  	s1 =	sand.u32 $0x1E000, s1;
	s9 =	sld [smem:$0x7FD];
	s30 =	sadd.s32 $0x1, s6  }
0x8c: {  	[sflag:s26] =	ssyncset.done $0x0;
	s1 =	sshrl.u32 s1, $0x2;
	p1 =	slt.u32 s30, $0x46  }
.Ltmp2:
0x8d: {  	[sflag:s26] =	ssyncadd.s32 $0xFFFFF800;
	s1 =	sadd.s32 $0x9F00, s1;
	(pc) =	sbr.rel @!p1 .LBB2_6-.Ltmp2, $4  }
0x8e: {  	[spmem:s3] =	stream.indirect.scatter.add.f32 [tilespmem:s1], [sflag:$0x4], $0x10, s9, s17, $0xb8;
	[tilespmem:$0x14700] =	vst v63  }
0x8f: {  	s31 =	sadd.s32 $0x80, s9;
	s9 =	sshrl.u32 s0, $0x2;
	_ =	swait.ge [sflag:s28], $0x800  }
0x90: {  	s0 =	simm.s32 $0x22000;
	s1 =	sadd.s32 $0x80, s5;
	[sflag:s28] =	ssyncset.done $0x0  }
0x91: {  	s6 =	sadd.s32 $0x9F00, s9;
	s9 =	smov.u32 s5;
	[sflag:s28] =	ssyncadd.s32 $0xFFFFF800  }
.LBB2_5:
0x92: {  	[tilespmem:s6], [sflag:$0x3] =	stream.indirect.gather [spmem:s2], $0x10, s9, s17, $0xb8;
	[tilespmem:$0x14700] =	vst v63  }
0x93: {  	s6 =	sadd.s32 $0xFFFF0000, s0;
	s30 =	sadd.s32 $0x1, s30;
	s9 =	smov.u32 s1  }
0x94: {  	s6 =	sand.u32 $0x1E000, s6;
	p1 =	slt.u32 s30, $0x46;
	_ =	swait.ge [sflag:s26], $0x800  }
0x95: {  	s6 =	sshrl.u32 s6, $0x2;
	[sflag:s26] =	ssyncset.done $0x0  }
.Ltmp3:
0x96: {  	s6 =	sadd.s32 $0x9F00, s6;
	[sflag:s26] =	ssyncadd.s32 $0xFFFFF800;
	(pc) =	sbr.rel @p1 .LBB2_5-.Ltmp3, $4  }
0x97: {  	[spmem:s3] =	stream.indirect.scatter.add.f32 [tilespmem:s6], [sflag:$0x4], $0x10, s31, s17, $0xb8;
	[tilespmem:$0x14700] =	vst v63  }
0x98: {  	s6 =	sand.u32 $0x1E000, s0;
	s31 =	sadd.s32 $0x80, s31;
	_ =	swait.ge [sflag:s28], $0x800  }
0x99: {  	s0 =	sadd.s32 $0x2000, s0;
	s6 =	sshrl.u32 s6, $0x2;
	[sflag:s28] =	ssyncset.done $0x0  }
0x9a: {  	s1 =	sadd.s32 $0x80, s1;
	s6 =	sadd.s32 $0x9F00, s6;
	[sflag:s28] =	ssyncadd.s32 $0xFFFFF800  }
.LBB2_6:
0x9b: {  	[tilespmem:s6], [sflag:$0x3] =	stream.indirect.gather [spmem:s2], $0x10, s9, s17, $0xb8;
	[tilespmem:$0x14700] =	vst v63  }
.LBB2_7:
0x9c: {  	s0 =	sadd.s32 $0x0, s11  }
0x9d: {  	s1 =	sshra.s32 s0, $0x1F  }
0x9e: {  	s1 =	sshrl.u32 s1, $0x1C  }
0x9f: {  	s1 =	sadd.s32 s1, s0  }
0xa0: {  	s1 =	sand.u32 $0x7FFF0, s1  }
0xa1: {  	s0 =	ssub.s32 s0, s1  }
0xa2: {  	_ =	swait.ge [sflag:s26], $0x800;
	s0 =	sshll.u32 s0, $0xD  }
0xa3: {  	s9 =	simm.s32 $0x9B00;
	[sflag:s26] =	ssyncset.done $0x0;
	s6 =	sshra.s32 s0, $0x2  }
0xa4: {  	[sflag:s26] =	ssyncadd.s32 $0xFFFFF800;
	s0 =	sadd.s32 $0x1, s11;
	s6 =	sadd.s32 $0x9F00, s6  }
0xa5: {  	[spmem:s3] =	stream.indirect.scatter.add.f32 [tilespmem:s6], [sflag:$0x4], $0x10, s9, s17, $0xb8;
	[tilespmem:$0x14700] =	vst v63  }
0xa6: {  	s30 =	simm.s32 $0x9B80;
	s31 =	sshra.s32 s0, $0x1F;
	_ =	swait.ge [sflag:s28], $0x800  }
0xa7: {  	s1 =	simm.s32 $0x2;
	s6 =	sshrl.u32 s31, $0x1C;
	[sflag:s28] =	ssyncset.done $0x0  }
.LBB2_8:
0xa8: {  	s6 =	sadd.s32 s6, s0  }
0xa9: {  	[sflag:s28] =	ssyncadd.s32 $0xFFFFF800;
	s9 =	smov.u32 s1;
	s31 =	sadd.s32 $0x1, s1  }
0xaa: {  	p1 =	sne.s32 s1, $0x7;
	s1 =	sand.u32 $0x7FFF0, s6  }
0xab: {  	s0 =	ssub.s32 s0, s1  }
0xac: {  	_ =	swait.ge [sflag:s26], $0x800;
	s0 =	sshll.u32 s0, $0xD  }
.Ltmp4:
0xad: {  	[sflag:s26] =	ssyncset.done $0x0;
	s1 =	sshra.s32 s0, $0x2;
	(pc) =	sbr.rel @p1 .LBB2_8-.Ltmp4, $4  }
0xae: {  	s0 =	sadd.s32 s9, s11;
	[sflag:s26] =	ssyncadd.s32 $0xFFFFF800;
	s1 =	sadd.s32 $0x9F00, s1  }
0xaf: {  	[spmem:s3] =	stream.indirect.scatter.add.f32 [tilespmem:s1], [sflag:$0x4], $0x10, s30, s17, $0xb8;
	[tilespmem:$0x14700] =	vst v63  }
0xb0: {  	s1 =	sshra.s32 s0, $0x1F;
	s30 =	sadd.s32 $0x80, s30;
	_ =	swait.ge [sflag:s28], $0x800  }
0xb1: {  	s6 =	sshrl.u32 s1, $0x1C;
	s1 =	smov.u32 s31;
	[sflag:s28] =	ssyncset.done $0x0  }
0xb2: {  	s1 =	sadd.s32 s6, s0  }
0xb3: {  	s1 =	sand.u32 $0x7FFF0, s1  }
0xb4: {  	[sflag:s28] =	ssyncadd.s32 $0xFFFFF800;
	s9 =	ssub.s32 s0, s1  }
0xb5: {  	_ =	swait.ge [sflag:s26], $0x800;
	s0 =	sshll.u32 s9, $0xD  }
0xb6: {  	[sflag:s26] =	ssyncset.done $0x0;
	s0 =	sshra.s32 s0, $0x2  }
0xb7: {  	[sflag:s26] =	ssyncadd.s32 $0xFFFFF800;
	s0 =	sadd.s32 $0x9F00, s0  }
0xb8: {  	[spmem:s3] =	stream.indirect.scatter.add.f32 [tilespmem:s0], [sflag:$0x4], $0x10, s30, s17, $0xb8;
	[tilespmem:$0x14700] =	vst v63  }
0xb9: {  	_ =	swait.ge [sflag:s28], $0x800  }
0xba: {  	[sflag:s28] =	ssyncset.done $0x0  }
0xbb: {  	[sflag:s28] =	ssyncadd.s32 $0xFFFFF800  }
0xbc: {  	_ =	swait.ge [sflag:s28], $0x800  }
0xbd: {  	[sflag:s28] =	ssyncset.done $0x0  }
0xbe: {  	[sflag:s28] =	ssyncadd.s32 $0xFFFFF800  }
0xbf: {  	_ =	swait.ge [sflag:s28], $0x800  }
0xc0: {  	[sflag:s28] =	ssyncset.done $0x0  }
0xc1: {  	[sflag:s28] =	ssyncadd.s32 $0xFFFFF800  }
0xc2: {  	_ =	swait.ge [sflag:s28], $0x800  }
0xc3: {  	[sflag:s28] =	ssyncset.done $0x0  }
0xc4: {  	[sflag:s28] =	ssyncadd.s32 $0xFFFFF800  }
0xc5: {  	_ =	swait.ge [sflag:s28], $0x800  }
0xc6: {  	[sflag:s28] =	ssyncset.done $0x0  }
0xc7: {  	[sflag:s28] =	ssyncadd.s32 $0xFFFFF800  }
0xc8: {  	_ =	swait.ge [sflag:s28], $0x800  }
0xc9: {  	[sflag:s28] =	ssyncset.done $0x0  }
0xca: {  	[sflag:s28] =	ssyncadd.s32 $0xFFFFF800  }
0xcb: {  	_ =	swait.ge [sflag:s28], $0x800  }
0xcc: {  	[sflag:s28] =	ssyncset.done $0x0  }
0xcd: {  	[sflag:s28] =	ssyncadd.s32 $0xFFFFF800  }
0xce: {  	_ =	swait.ge [sflag:s28], $0x800  }
0xcf: {  	[sflag:s28] =	ssyncset.done $0x0  }
0xd0: {  	[sflag:s28] =	ssyncadd.s32 $0xFFFFF800  }
0xd1: {  	_ =	swait.ge [sflag:s28], $0x800  }
0xd2: {  	[sflag:s28] =	ssyncset.done $0x0  }
0xd3: {  	[sflag:s28] =	ssyncadd.s32 $0xFFFFF800  }
0xd4: {  	[bflag:$0x0] =	sbarrier.arrive $0xFFFF  }
0xd5: {  	[tilespmem:s15], [sflag:$0x5] =	stream.linear.gather [spmem:s8], $0x2800, $0x38;
	[tilespmem:$0x14700] =	vst v63  }
0xd6: {  	_ =	swait.ge [sflag:s16], $0x2800  }
0xd7: {  	[sflag:s16] =	ssyncset.done $0x0  }
0xd8: {  	s30 =	rddreg [dreg:$0x7];
	[sflag:s16] =	ssyncadd.s32 $0xFFFFD800  }
0xd9: {  	[hbm4b:s30+s4] =	stream.linear.scatter [tilespmem:s15], [sflag:$0x5], $0x2800, $0x38;
	[tilespmem:$0x14700] =	vst v63  }
0xda: {  	_ =	swait.ge [sflag:s16], $0x2800  }
0xdb: {  	s29 =	sadd.s32 $0x1, s29;
	s31 =	rddreg [dreg:$0x8]  }
0xdc: {  	p1 =	sne.s32 s29, s31  }
.Ltmp5:
0xdd: {  	_ = 	snop;
	(pc) =	sbr.rel @p1 .LBB2_1-.Ltmp5, $3  }
0xde: {  	_ =	sdelay $0x1  }
0xdf: {  	[sflag:s16] =	ssyncset.done $0x0  }
0xe0: {  	[sflag:s16] =	ssyncadd.s32 $0xFFFFD800  }
0xe1: {  	_ =	sfence.sel $0x180000  }
0xe2: {  	[bflag:$0x0] =	sbarrier.arrive $0xFFFF  }
0xe3: {  	_ =	strace $0x9000004A  }
0xe4: {  	s0 =	stileid.u32;
	[bflag:$0x2] =	sbarrier.arrive $0xFFFF  }
0xe5: {  	p0 =	sne.s32 s0, $0x0;
	s0 =	rddreg [dreg:$0x4]  }
0xe6: {  	s0 =	sadd.s32 @!p0 $0x100000, s0  }
0xe7: {  	[sflag:s0] =	ssyncadd.tile.s32 @!p0 $0x1;
	_ =	shalt  }
.Lfunc_end2:
_tile_overlayer_lowered:
.L_overlay_start_2:
0xe8: {  	(tag) =	ssettag $0x2  }
0xe9: {  	s0 =	rddreg [dreg:$0x0];
	s2 =	stileid.u32  }
0xea: {  	s1 =	rddreg [dreg:$0x1];
	p0 =	sne.s32 s2, $0x0  }
0xeb: {  	s3 =	rddreg [dreg:$0x2];
	[bflag:$0x3] =	sbarrier.arrive $0xFFFF;
	s2 =	simm.s32 @!p0 $0x1C05  }
0xec: {  	[timem:s3], [sflag:s2] =	dma.local @!p0 [hbm:s0], s1  }
0xed: {  	s0 =	simm.s32 @!p0 $0x5  }
0xee: {  	_ =	swait.ge @!p0 [sflag:s0], s1  }
0xef: {  	s1 =	ssub.s32 @!p0 $0x0, s1;
	[sflag:s0] =	ssyncset.done @!p0 $0x0  }
0xf0: {  	[sflag:s0] =	ssyncadd.s32 @!p0 s1  }
0xf1: {  	[bflag:$0x3] =	sbarrier.arrive $0xFFFF  }
0xf2: {  	_ =	shalt  }

// kernel: kernel.14.cloned.1.call-start
scs
__scs_entry_jumppad:
0x0: {  	(pc) =	sbr.rel $0x88, $3  }
0x1: {  	(tag) =	ssettag $0x0;
	lr =	simm.s32 $0x1  }
0x2: {  	[smem:$0x3F9D] =	sst lr;
	_ =	strace $0xD0000000  }
0x3: {  	_ = 	snop  }
0x4: {  	_ = 	snop  }
0x5: {  	_ = 	snop  }
0x6: {  	_ = 	snop  }
0x7: {  	_ = 	snop  }
__scs_overlays_trampoline_lowered:
0x8: {  	[smem:$0x3FAC] =	sst s0  }
0x9: {  	[smem:$0x3FAD] =	sst s1  }
0xa: {  	[smem:$0x3FAE] =	sst s2  }
0xb: {  	[smem:$0x3FAF] =	sst s3  }
0xc: {  	[smem:$0x3FB0] =	sst s4  }
0xd: {  	[smem:$0x3FB1] =	sst s5  }
0xe: {  	[smem:$0x3FB2] =	sst s6  }
0xf: {  	[smem:$0x3FB3] =	sst s7  }
0x10: {  	[smem:$0x3FB4] =	sst s8  }
0x11: {  	[smem:$0x3FB5] =	sst s9;
	s0 =	simm.s32 @!p0 $0x0  }
0x12: {  	s1 =	sld [smem:$0x3F9B];
	s0 =	simm.s32 @p0 $0x1  }
0x13: {  	[smem:$0x3FB6] =	sst s0;
	s0 =	simm.s32 @!p1 $0x0  }
0x14: {  	s2 =	sld [smem:$0x3F9A];
	s0 =	simm.s32 @p1 $0x1  }
0x15: {  	[smem:$0x3FB7] =	sst s0;
	s0 =	simm.s32 @!p2 $0x0  }
0x16: {  	s3 =	sld [smem:$0x3FDB];
	s0 =	simm.s32 @p2 $0x1  }
0x17: {  	s4 =	simm.s32 $0x1BF5;
	[smem:$0x3FB9] =	sst s0  }
0x18: {  	s0 =	sld [smem:$0x3F9C];
	_ =	swait.ge [sflag:s4], $0x0  }
0x19: {  	s7 =	sld [smem:$0x3F9D]  }
0x1a: {  	s8 =	sadd.s32 $0xFFFFE003, lr  }
0x1b: {  	s9 =	sadd.s32 $0xFFFFFEF7, lr;
	s5 =	simm.s32 $0xFFFFFFFF;
	p2 =	slt.u32 s8, $0xFFFFF086  }
0x1c: {  	p1 =	slt.u32 s9, $0xF7A;
	s5 =	simm.s32 @!p2 $0x0  }
0x1d: {  	s5 =	simm.s32 @p1 $0x1;
	p0 =	seq.s32 s7, s2  }
0x1e: {  	s7 =	smul.u32 @!p0 $0xF7A, s2;
	p2 =	seq.s32 @!p0 s5, $0x0  }
0x1f: {  	s9 =	smul.u32 $0xF7A, s1;
	s8 =	simm.s32 @!p0 $0x1BF5;
	p2 =	por !p2, p0  }
0x20: {  	[sflag:s8] =	ssyncset.s32 @!p0 $0xFFFFF086;
	s6 =	sadd.s32 @!p0 s3, s7;
	s7 =	simm.s32 @!p0 $0x108  }
0x21: {  	s3 =	sadd.s32 s3, s9;
	s6 =	sadd.s32 @!p0 $0x88, s6;
	s7 =	simm.s32 @p2 $0x1082  }
0x22: {  	[simem:s7], [sflag:s8] =	dma.local @!p0 [hbm:s6], $0xF7A  }
0x23: {  	s9 =	sor.u32 $0xD0000000, s2;
	s6 =	simm.s32 $0x108;
	_ =	swait.ge @!p0 [sflag:s8], $0x0  }
0x24: {  	s3 =	sadd.s32 $0x88, s3;
	s6 =	simm.s32 @!p1 $0x1082;
	[sflag:s4] =	ssyncset.s32 $0xFFFFF086  }
0x25: {  	[simem:s6], [sflag:s4] =	dma.local [hbm:s3], $0xF7A  }
0x26: {  	[smem:$0x3F9D] =	sst s1;
	(tag) =	ssettag s2;
	_ =	strace s9  }
0x27: {  	s1 =	sld [smem:$0x3FAD]  }
0x28: {  	s2 =	sld [smem:$0x3FAE]  }
0x29: {  	s4 =	sld [smem:$0x3FB0]  }
0x2a: {  	p0 =	seq.s32 s5, $0x0;
	s5 =	sld [smem:$0x3FB1]  }
0x2b: {  	s6 =	sld [smem:$0x3FB2]  }
0x2c: {  	s7 =	sld [smem:$0x3FB3]  }
0x2d: {  	s3 =	simm.s32 $0x108;
	s8 =	sld [smem:$0x3FB4]  }
0x2e: {  	s3 =	simm.s32 @!p0 $0x1082;
	s9 =	sld [smem:$0x3FB5]  }
0x2f: {  	lr =	sadd.s32 s0, s3;
	s0 =	sld [smem:$0x3FAC]  }
0x30: {  	s3 =	sld [smem:$0x3FAF]  }
0x31: {  	[smem:$0x3FB8] =	sst s10  }
0x32: {  	s10 =	sld [smem:$0x3FB6];
	_ =	sdelay $0x3  }
0x33: {  	p0 =	seq.s32 s10, $0x1;
	s10 =	sld [smem:$0x3FB8];
	_ =	sdelay $0x3  }
0x34: {  	[smem:$0x3FB8] =	sst s10  }
0x35: {  	s10 =	sld [smem:$0x3FB7];
	_ =	sdelay $0x3  }
0x36: {  	p1 =	seq.s32 s10, $0x1;
	s10 =	sld [smem:$0x3FB8];
	_ =	sdelay $0x3  }
0x37: {  	[smem:$0x3FB8] =	sst s10  }
0x38: {  	s10 =	sld [smem:$0x3FB9]  }
0x39: {  	_ = 	snop;
	(pc) =	sbr.ind lr, $3  }
0x3a: {  	_ = 	snop  }
0x3b: {  	_ = 	snop  }
0x3c: {  	p2 =	seq.s32 s10, $0x1;
	s10 =	sld [smem:$0x3FB8]  }
0x3d: {  	_ =	shalt  }
0x3e: {  	_ =	shalt  }
0x3f: {  	_ =	shalt  }
0x40: {  	_ =	shalt  }
0x41: {  	_ =	shalt  }
0x42: {  	_ =	shalt  }
0x43: {  	_ =	shalt  }
0x44: {  	_ =	shalt  }
0x45: {  	_ =	shalt  }
0x46: {  	_ =	shalt  }
0x47: {  	_ =	shalt  }
0x48: {  	_ =	shalt  }
0x49: {  	_ =	shalt  }
0x4a: {  	_ =	shalt  }
0x4b: {  	_ =	shalt  }
0x4c: {  	_ =	shalt  }
0x4d: {  	_ =	shalt  }
0x4e: {  	_ =	shalt  }
0x4f: {  	_ =	shalt  }
0x50: {  	_ =	shalt  }
0x51: {  	_ =	shalt  }
0x52: {  	_ =	shalt  }
0x53: {  	_ =	shalt  }
0x54: {  	_ =	shalt  }
0x55: {  	_ =	shalt  }
0x56: {  	_ =	shalt  }
0x57: {  	_ =	shalt  }
0x58: {  	_ =	shalt  }
0x59: {  	_ =	shalt  }
0x5a: {  	_ =	shalt  }
0x5b: {  	_ =	shalt  }
0x5c: {  	_ =	shalt  }
0x5d: {  	_ =	shalt  }
0x5e: {  	_ =	shalt  }
0x5f: {  	_ =	shalt  }
0x60: {  	_ =	shalt  }
0x61: {  	_ =	shalt  }
0x62: {  	_ =	shalt  }
0x63: {  	_ =	shalt  }
0x64: {  	_ =	shalt  }
0x65: {  	_ =	shalt  }
0x66: {  	_ =	shalt  }
0x67: {  	_ =	shalt  }
0x68: {  	_ =	shalt  }
0x69: {  	_ =	shalt  }
0x6a: {  	_ =	shalt  }
0x6b: {  	_ =	shalt  }
0x6c: {  	_ =	shalt  }
0x6d: {  	_ =	shalt  }
0x6e: {  	_ =	shalt  }
0x6f: {  	_ =	shalt  }
0x70: {  	_ =	shalt  }
0x71: {  	_ =	shalt  }
0x72: {  	_ =	shalt  }
0x73: {  	_ =	shalt  }
0x74: {  	_ =	shalt  }
0x75: {  	_ =	shalt  }
0x76: {  	_ =	shalt  }
0x77: {  	_ =	shalt  }
0x78: {  	_ =	shalt  }
0x79: {  	_ =	shalt  }
0x7a: {  	_ =	shalt  }
0x7b: {  	_ =	shalt  }
0x7c: {  	_ =	shalt  }
0x7d: {  	_ =	shalt  }
0x7e: {  	_ =	shalt  }
0x7f: {  	_ =	shalt  }
0x80: {  	_ =	shalt  }
0x81: {  	_ =	shalt  }
0x82: {  	_ =	shalt  }
0x83: {  	_ =	shalt  }
0x84: {  	_ =	shalt  }
0x85: {  	_ =	shalt  }
0x86: {  	_ =	shalt  }
0x87: {  	_ =	shalt  }
.Lfunc_end0:
.L_simem_size_0:
called_computation.2_lowered:
.L_overlay_start_0:
0x88: {  	s2 =	sld [smem:$0x3FD9]  }
0x89: {  	s3 =	sld [smem:$0x3FFE];
	_ =	sdelay $0x1  }
0x8a: {  	s1 =	srdreg.scid  }
0x8b: {  	s0 =	sand.u32 $0x1, s1  }
0x8c: {  	s17 =	sshll.u32 s0, $0xA;
	s2 =	sadd.s32 s3, s2  }
0x8d: {  	s2 =	sadd.s32 s2, s17  }
0x8e: {  	[smem:$0x3FC4] =	sst s2  }
0x8f: {  	_ = 	snop  }
0x90: {  	s2 =	sld [smem:$0x3FD0];
	(tm) =	ssettm $0x1  }
0x91: {  	s18 =	sld [smem:$0x3FFB];
	_ =	sdelay $0x3  }
0x92: {  	_ =	strace s18  }
0x93: {  	s3 =	sld [smem:$0x3FFC];
	_ =	sdelay $0x3  }
0x94: {  	_ =	strace s3  }
0x95: {  	s3 =	sld [smem:$0x3FFD];
	_ =	sdelay $0x3  }
0x96: {  	_ =	strace s3  }
0x97: {  	_ =	strace $0x8FFFFFFF  }
0x98: {  	s19 =	sld [smem:$0x3FDB];
	_ =	sdelay $0x1  }
0x99: {  	s4 =	simm.s32 $_scs_section_size  }
0x9a: {  	s5 =	simm.s32 $_size__tile_overlayer_lowered;
	s6 =	simm.s32 $_tile_overlayer_lowered  }
0x9b: {  	s22 =	simm.s32 $0x1BFF;
	s21 =	sshll.u32 s6, $0x1;
	s3 =	sadd.s32 s4, s19  }
0x9c: {  	s7 =	simm.s32 $0x0;
	s20 =	sshll.u32 s5, $0x1;
	s5 =	sadd.s32 s21, s3  }
0x9d: {  	[timem:s7], [sflag:s22] =	dma.local [hbm:s5], s20  }
0x9e: {  	_ =	swait.ge [sflag:s22], s20  }
0x9f: {  	s4 =	ssub.s32 $0x0, s20;
	[sflag:s22] =	ssyncset.done $0x0  }
0xa0: {  	[sflag:s22] =	ssyncadd.s32 s4;
	_ =	sdelay $0x1  }
0xa1: {  	s23 =	simm.s32 $0x1B8B  }
0xa2: {  	_ =	swait.ge [sflag:s23], $0x1  }
0xa3: {  	[sflag:s23] =	ssyncset.done $0x0  }
0xa4: {  	s25 =	simm.s32 $0x1B8E;
	s24 =	sld [smem:$0x3FFE];
	[sflag:s23] =	ssyncadd.s32 $0xFFFFFFFF  }
0xa5: {  	s26 =	simm.s32 $execute0_lowered;
	[smem:$0x3FD2] =	sst s25  }
0xa6: {  	s5 =	sshll.u32 s26, $0x1;
	_ =	strace $0x8000004C;
	[dreg:$0x1] =	wrdreg $0xFFFFFFFF  }
0xa7: {  	s28 =	simm.s32 $_size_execute0_lowered;
	s3 =	sadd.s32 s3, s5;
	[dreg:$0x0] =	wrdreg $0x0  }
0xa8: {  	s5 =	sshll.u32 s28, $0x1;
	[dreg:$0x2] =	wrdreg s3  }
0xa9: {  	[dreg:$0x3] =	wrdreg s5  }
0xaa: {  	[dreg:$0x4] =	wrdreg $0xC0  }
0xab: {  	_ =	task [dreg:s7], $0x5FFFF  }
0xac: {  	[dreg:$0x1] =	wrdreg $0xFFFFFFFF  }
0xad: {  	[dreg:$0x0] =	wrdreg $0x60  }
0xae: {  	[dreg:$0x2] =	wrdreg s24  }
0xaf: {  	[dreg:$0x3] =	wrdreg s2  }
0xb0: {  	[dreg:$0x4] =	wrdreg $0x0  }
0xb1: {  	[dreg:$0x5] =	wrdreg $0x28000  }
0xb2: {  	[dreg:$0x6] =	wrdreg $0x9  }
0xb3: {  	_ =	task.clear_ibuf [dreg:s7], $0x7FFFF;
	_ =	strace $0x9000004C  }
0xb4: {  	s29 =	simm.s32 $0x9;
	_ =	strace $0x8000004E  }
0xb5: {  	_ =	swait.ge [sflag:s29], $0x1  }
0xb6: {  	[sflag:s29] =	ssyncadd.s32 $0xFFFFFFFF  }
0xb7: {  	_ =	strace $0x9000004E  }
0xb8: {  	_ =	sfence  }
0xb9: {  	s30 =	sld [smem:$0x0];
	_ =	sdelay $0x2  }
0xba: {  	s31 =	sshll.u32 s1, $0xD;
	s1 =	sshrl.u32 s1, $0x2  }
0xbb: {  	s3 =	sand.u32 $0x4000, s31;
	s1 =	sadd.s32 s1, s30  }
0xbc: {  	s0 =	sor.u32 s3, s0;
	s1 =	sshll.u32 s1, $0x11  }
0xbd: {  	s0 =	sor.u32 s1, s0  }
0xbe: {  	s0 =	sadd.s32 $0x8F2B, s0  }
0xbf: {  	[sflag:s0] =	ssyncadd.remote.s32 $0x1  }
0xc0: {  	_ =	sfence.sel $0xFFFF  }
0xc1: {  	[dreg:$0x0] =	wrdreg $0xFFFFFFFF;
	(pc) =	sbr.abs _section_cstart, $3  }
0xc2: {  	[dreg:$0x1] =	wrdreg $0xFFFFFFFF  }
0xc3: {  	_ =	task.clear_ibuf [dreg:s7], $0x2FFFF;
	_ =	strace $0x9FFFFFFF  }
0xc4: {  	(tm) =	ssettm $0x7FFFFFFF  }
0xc5: {  	_ =	shalt  }
tec
execute0_lowered:
.L_overlay_start_1:
0x0: {  	(tag) =	ssettag $0x1  }
0x1: {  	s0 =	rddreg [dreg:$0x0]  }
0x2: {  	s1 =	rddreg [dreg:$0x1]  }
0x3: {  	s2 =	rddreg [dreg:$0x2];
	s14 =	stileid.u32  }
0x4: {  	s3 =	rddreg [dreg:$0x3];
	s6 =	smul.u32 $0x2800, s14  }
0x5: {  	s5 =	srdreg.scid;
	s8 =	smul.u32 $0x50, s14  }
0x6: {  	s4 =	simm.s32 $0x0;
	s5 =	sand.u32 $0x1, s5;
	s24 =	smul.u32 $0x9E, s14  }
0x7: {  	s28 =	simm.s32 $0xC700;
	[smem:$0x7FF] =	sst s4;
	s7 =	smul.u32 $0x28000, s5  }
0x8: {  	s9 =	sshll.u32 s14, $0x1;
	_ =	strace $0x8000004D;
	s25 =	smul.u32 $0x4F, s5  }
0x9: {  	s9 =	sor.u32 s5, s9;
	s12 =	ssub.s32 $0x2, s5;
	s15 =	smul.u32 $0x9E00, s5  }
0xa: {  	s10 =	sadd.s32 s6, s0;
	s8 =	sadd.s32 s8, s0;
	s9 =	smul.u32 $0x4F, s9  }
0xb: {  	s11 =	sshrl.u32 s6, $0x3;
	s20 =	sshrl.u32 s12, $0x1;
	s10 =	sadd.s32 $0x2600, s10  }
0xc: {  	s7 =	sadd.s32 s6, s7;
	s8 =	sadd.s32 $0x2A600, s8;
	[dreg:$0x7] =	wrdreg s10  }
0xd: {  	s7 =	sshrl.u32 s7, $0x3;
	[dreg:$0x8] =	wrdreg s8;
	s10 =	sadd.s32 s6, s2  }
0xe: {  	s6 =	sadd.s32 s6, s3;
	s7 =	sadd.s32 s7, s0;
	s0 =	sadd.s32 s11, s0  }
0xf: {  	s13 =	smin.u32 s9, $0x975;
	[dreg:$0x9] =	wrdreg s6;
	s21 =	sadd.s32 $0x2AC00, s0  }
0x10: {  	s11 =	ssub.s32 s12, s20;
	s22 =	sadd.s32 $0x2FC00, s0;
	[dreg:$0x5] =	wrdreg s21  }
0x11: {  	s9 =	ssub.s32 s9, s13;
	s0 =	sadd.s32 $0x34C00, s0;
	[dreg:$0x6] =	wrdreg s22  }
0x12: {  	s26 =	sshll.u32 s9, $0x9;
	s7 =	sadd.s32 $0x39C00, s7;
	[dreg:$0xa] =	wrdreg s0  }
0x13: {  	s11 =	smax.u32 s11, $0x1;
	[dreg:$0xb] =	wrdreg s7;
	s7 =	sshra.s32 s26, $0x2  }
0x14: {  	p0 =	sne.s32 s5, $0x0;
	[dreg:$0xc] =	wrdreg s11;
	s16 =	sadd.s32 $0x5000, s7  }
0x15: {  	s17 =	sadd.s32 s25, s24;
	s18 =	sadd.s32 $0x5080, s7;
	[dreg:$0xd] =	wrdreg s16  }
0x16: {  	s19 =	smin.u32 s17, $0x975;
	s20 =	sadd.s32 $0x5100, s7;
	[dreg:$0xe] =	wrdreg s18  }
0x17: {  	s23 =	sshll.u32 s13, $0x4;
	s21 =	sadd.s32 $0x5180, s7;
	[dreg:$0xf] =	wrdreg s20  }
0x18: {  	s6 =	ssub.s32 s19, s25;
	s22 =	sadd.s32 $0x5200, s7;
	[dreg:$0x10] =	wrdreg s21  }
0x19: {  	s13 =	sadd.s32 s1, s23;
	s23 =	sadd.s32 $0x5280, s7;
	[dreg:$0x11] =	wrdreg s22  }
0x1a: {  	s1 =	ssub.s32 s6, s24;
	s24 =	sadd.s32 $0x5300, s7;
	[dreg:$0x12] =	wrdreg s23  }
0x1b: {  	s12 =	smul.u32 $0x13C00, s14;
	s25 =	sadd.s32 $0x5380, s7;
	[dreg:$0x14] =	wrdreg s24  }
0x1c: {  	s0 =	sadd.s32 $0x1000, s26;
	s26 =	sadd.s32 $0x7780, s7;
	[dreg:$0x15] =	wrdreg s25  }
0x1d: {  	p1 =	sgt.u32 s9, $0x3E;
	s5 =	sadd.s32 $0x7800, s7;
	[dreg:$0x16] =	wrdreg s26  }
0x1e: {  	s8 =	sadd.s32 s15, s12;
	s6 =	sadd.s32 $0x5480, s7;
	[dreg:$0x17] =	wrdreg s5  }
0x1f: {  	s12 =	sshll.u32 s19, $0x9;
	s9 =	sadd.s32 $0x7880, s7;
	[dreg:$0x18] =	wrdreg s6  }
0x20: {  	s8 =	ssub.s32 s8, s12;
	s12 =	sadd.s32 $0x5500, s7;
	[dreg:$0x19] =	wrdreg s9  }
0x21: {  	s29 =	simm.s32 $0xCF00;
	s14 =	sadd.s32 $0x7900, s7;
	[dreg:$0x1a] =	wrdreg s12  }
0x22: {  	s30 =	simm.s32 $0xD700;
	s15 =	sadd.s32 $0x5580, s7;
	[dreg:$0x1b] =	wrdreg s14  }
0x23: {  	s11 =	ssub.s32 s17, s19;
	s17 =	sadd.s32 $0x5600, s7;
	[dreg:$0x1c] =	wrdreg s15  }
0x24: {  	s0 =	sshra.s32 s0, $0x2;
	s19 =	sadd.s32 $0x5680, s7;
	[dreg:$0x1e] =	wrdreg s17  }
0x25: {  	s31 =	simm.s32 $0x4;
	s0 =	sadd.s32 $0x5000, s0;
	[smem:$0x7F8] =	sst s19  }
0x26: {  	s16 =	sadd.s32 $0x7980, s7;
	s18 =	sadd.s32 $0x7A00, s7;
	[dreg:$0x13] =	wrdreg s0  }
0x27: {  	s20 =	sadd.s32 $0x7A80, s7;
	s21 =	sadd.s32 $0x5700, s7;
	[dreg:$0x1d] =	wrdreg s16  }
0x28: {  	s22 =	sadd.s32 $0x7B00, s7;
	s23 =	sadd.s32 $0x5780, s7;
	[dreg:$0x1f] =	wrdreg s18  }
0x29: {  	s24 =	sadd.s32 $0x2000, s8;
	s25 =	sadd.s32 $0x1000, s8;
	[smem:$0x7F9] =	sst s20  }
0x2a: {  	s26 =	sadd.s32 $0x7, s11;
	s15 =	sadd.s32 $0x47, s1;
	[smem:$0x7FA] =	sst s21  }
0x2b: {  	s12 =	smov.u32 s13;
	s9 =	sadd.s32 $0x9C40, s13;
	[smem:$0x7FB] =	sst s22  }
0x2c: {  	s17 =	simm.s32 $0x5;
	s19 =	simm.s32 $0x19990;
	[smem:$0x7FC] =	sst s23  }
0x2d: {  	[smem:$0x7FD] =	sst s26;
	s0 =	sshra.s32 s24, $0x2;
	s5 =	sshra.s32 s25, $0x2  }
0x2e: {  	s16 =	simm.s32 $0x80;
	s18 =	simm.s32 $0x1;
	s20 =	simm.s32 $0x2  }
0x2f: {  	s21 =	simm.s32 $0x3;
	s22 =	simm.s32 $0x9F00;
	s23 =	simm.s32 $0xA700  }
0x30: {  	s24 =	simm.s32 $0xAF00;
	s25 =	simm.s32 $0xB700;
	s26 =	simm.s32 $0xBF00  }
0x31: {  	v0 =	vimm.f32 $0.0e+00;
	s8 =	sadd.s32 $0x5000, s0;
	s14 =	sadd.s32 $0x7780, s5;
	s0 =	simm.s32 $0x0  }
.LBB2_1:
0x32: {  	s1 =	rddreg [dreg:$0x5];
	s5 =	simm.s32 $0x11F00  }
0x33: {  	[tilespmem:s5], [sflag:$0x1] =	stream.linear.gather [hbm4b:s1+s4], $0x2800, $0x38;
	[tilespmem:$0x1E990] =	vst v63  }
0x34: {  	s6 =	rddreg [dreg:$0x6];
	s7 =	simm.s32 $0x14700  }
0x35: {  	[tilespmem:s7], [sflag:$0x1] =	stream.linear.gather [hbm4b:s6+s4], $0x2800, $0x38;
	[tilespmem:$0x1E990] =	vst v63  }
0x36: {  	s11 =	rddreg [dreg:$0x7];
	s13 =	simm.s32 $0x10;
	s6 =	simm.s32 $0x16F00  }
0x37: {  	[tilespmem:s6], [sflag:$0x1] =	stream.strided.gather [hbm4b:s11+s13], $0x2800, s16, s13, $0x38;
	[tilespmem:$0x1E990] =	vst v63  }
0x38: {  	s7 =	simm.s32 $0x19700;
	s6 =	rddreg [dreg:$0x8]  }
0x39: {  	[tilespmem:s7], [sflag:$0x1] =	stream.linear.gather [hbm4b:s6+s4], $0x280, $0x38;
	[tilespmem:$0x1E990] =	vst v63  }
0x3a: {  	s11 =	simm.s32 $0x5000  }
0x3b: {  	[tilespmem:s11], [sflag:$0x2] =	stream.linear.gather [hbm4b:s12+s4], $0x2780, $0x38;
	[tilespmem:$0x1E990] =	vst v63  }
0x3c: {  	s1 =	simm.s32 $0x40;
	s5 =	simm.s32 $0x0;
	s13 =	simm.s32 $0x7780  }
0x3d: {  	[tilespmem:s13], [sflag:$0x2] =	stream.linear.gather [hbm4b:s9+s4], $0x2780, $0x38;
	[tilespmem:$0x1E990] =	vst v63  }
.LBB2_2:
0x3e: {  	p2 =	sne.s32 s1, $0x9FC0;
	[tilespmem:s5+$0x1C190] =	vst v0;
	s5 =	smov.u32 s1;
	s1 =	sadd.s32 $0x40, s1  }
.Ltmp0:
0x3f: {  	(pc) =	sbr.rel @p2 .LBB2_2-.Ltmp0, $2  }
0x40: {  	_ =	sdelay $0x2  }
0x41: {  	s5 =	sshra.s32 s5, $0x2  }
0x42: {  	[tilespmem:s5+$0x1C190] =	vst v0;
	s1 =	simm.s32 $0x1C190  }
0x43: {  	[spmem:s10] =	stream.linear.scatter [tilespmem:s1], [sflag:$0x5], $0x2800, $0x38;
	[tilespmem:$0x1E990] =	vst v63  }
0x44: {  	_ =	swait.ge [sflag:s17], $0x2800  }
0x45: {  	[sflag:s17] =	ssyncset.done $0x0  }
0x46: {  	[sflag:s17] =	ssyncadd.s32 $0xFFFFD800  }
0x47: {  	_ =	swait.ge [sflag:s18], $0x2800  }
0x48: {  	[sflag:s18] =	ssyncset.done $0x0  }
0x49: {  	[sflag:s18] =	ssyncadd.s32 $0xFFFFD800  }
0x4a: {  	_ =	swait.ge [sflag:s18], $0x2800  }
0x4b: {  	[sflag:s18] =	ssyncset.done $0x0  }
0x4c: {  	[sflag:s18] =	ssyncadd.s32 $0xFFFFD800  }
0x4d: {  	_ =	swait.ge [sflag:s18], $0x2800  }
0x4e: {  	[sflag:s18] =	ssyncset.done $0x0  }
0x4f: {  	[sflag:s18] =	ssyncadd.s32 $0xFFFFD800  }
0x50: {  	_ =	swait.ge [sflag:s18], $0x280  }
0x51: {  	[sflag:s18] =	ssyncset.done $0x0  }
0x52: {  	s1 =	simm.s32 $0x0;
	[sflag:s18] =	ssyncadd.s32 $0xFFFFFD80  }
0x53: {  	v2 =	vld [tilespmem:s1+$0x11F00]  }
0x54: {  	v3 =	vld [tilespmem:s1+$0x14700];
	_ =	sdelay $0x1  }
0x55: {  	v4 =	vld [tilespmem:s1+$0x16F00]  }
0x56: {  	s5 =	simm.s32 $0x19700  }
0x57: {  	v1 =	vld.msk [tilespmem:s5+$0x0 ss:$0x0], $0xffff  }
0x58: {  	v2 =	vadd.f32 v3, v2;
	_ =	sdelay $0x1  }
0x59: {  	v2 =	vadd.f32 v4, v2;
	_ =	sdelay $0x1  }
0x5a: {  	v3 =	vmul.f32 v1, v2  }
0x5b: {  	s6 =	simm.s32 $0x10  }
0x5c: {  	s7 =	simm.s32 $0x80;
	v2 =	vld [tilespmem:s6+$0x11F00];
	v3 =	vmax.f32 v3, $0.0e+00  }
.LBB2_4:
0x5d: {  	p2 =	sne.s32 s7, $0x9FC0;
	v4 =	vld [tilespmem:s6+$0x14700];
	v1 =	vmul.f32 v3, v1;
	_ =	sdelay $0x1  }
0x5e: {  	s5 =	sadd.s32 $0x1, s5;
	v3 =	vld [tilespmem:s6+$0x16F00];
	[tilespmem:s1+$0x19990] =	vst v1;
	s1 =	smov.u32 s6  }
0x5f: {  	v1 =	vld.msk [tilespmem:s5+$0x0 ss:$0x0], $0xffff;
	_ =	sdelay $0x1  }
0x60: {  	v2 =	vadd.f32 v4, v2;
	_ =	sdelay $0x1  }
.Ltmp1:
0x61: {  	v2 =	vadd.f32 v3, v2;
	(pc) =	sbr.rel @p2 .LBB2_4-.Ltmp1, $4  }
0x62: {  	_ = 	snop  }
0x63: {  	v3 =	vmul.f32 v1, v2  }
0x64: {  	s6 =	sshra.s32 s7, $0x2  }
0x65: {  	s7 =	sadd.s32 $0x40, s7;
	v2 =	vld [tilespmem:s6+$0x11F00];
	v3 =	vmax.f32 v3, $0.0e+00  }
0x66: {  	v4 =	vld [tilespmem:s6+$0x14700]  }
0x67: {  	v1 =	vmul.f32 v3, v1  }
0x68: {  	v3 =	vld [tilespmem:s6+$0x16F00]  }
0x69: {  	s13 =	sadd.s32 $0x1, s5;
	[tilespmem:s1+$0x19990] =	vst v1  }
0x6a: {  	v1 =	vld.msk [tilespmem:s13+$0x0 ss:$0x0], $0xffff  }
0x6b: {  	v2 =	vadd.f32 v4, v2;
	_ =	sdelay $0x1  }
0x6c: {  	v2 =	vadd.f32 v3, v2;
	_ =	sdelay $0x1  }
0x6d: {  	v2 =	vmul.f32 v1, v2;
	_ =	sdelay $0x1  }
0x6e: {  	v2 =	vmax.f32 v2, $0.0e+00  }
0x6f: {  	v1 =	vmul.f32 v2, v1;
	_ =	sdelay $0x1  }
0x70: {  	s5 =	rddreg [dreg:$0x9];
	[tilespmem:s6+$0x19990] =	vst v1  }
0x71: {  	[spmem:s5] =	stream.linear.scatter [tilespmem:s19], [sflag:$0x3], $0x2800, $0x38;
	[tilespmem:$0x1E990] =	vst v63  }
0x72: {  	s1 =	simm.s32 @!p0 $0x0;
	s6 =	rddreg [dreg:$0xa];
	s5 =	simm.s32 @!p0 $0x19990  }
0x73: {  	[hbm4b:s6+s1] =	stream.linear.scatter @!p0 [tilespmem:s5], [sflag:$0x1], $0x2800, $0x38;
	[tilespmem:$0x1E990] =	vst v63  }
0x74: {  	_ =	swait.ge [sflag:s20], $0x2780  }
0x75: {  	[sflag:s20] =	ssyncset.done $0x0  }
0x76: {  	[sflag:s20] =	ssyncadd.s32 $0xFFFFD880  }
0x77: {  	_ =	swait.ge [sflag:s20], $0x2780  }
0x78: {  	[sflag:s20] =	ssyncset.done $0x0  }
0x79: {  	[sflag:s20] =	ssyncadd.s32 $0xFFFFD880  }
0x7a: {  	_ =	swait.ge [sflag:s21], $0x2800  }
0x7b: {  	[sflag:s21] =	ssyncset.done $0x0  }
0x7c: {  	[sflag:s21] =	ssyncadd.s32 $0xFFFFD800  }
0x7d: {  	[bflag:$0x0] =	sbarrier.arrive $0xFFFF  }
0x7e: {  	s6 =	rddreg [dreg:$0xd]  }
0x7f: {  	[tilespmem:s22], [sflag:$0x3] =	stream.indirect.gather [spmem:s3], $0x10, s6, s16, $0xb8;
	[tilespmem:$0x1E990] =	vst v63  }
0x80: {  	s7 =	rddreg [dreg:$0xe]  }
0x81: {  	[tilespmem:s23], [sflag:$0x3] =	stream.indirect.gather [spmem:s3], $0x10, s7, s16, $0xb8;
	[tilespmem:$0x1E990] =	vst v63  }
0x82: {  	s11 =	rddreg [dreg:$0xf]  }
0x83: {  	[tilespmem:s24], [sflag:$0x3] =	stream.indirect.gather [spmem:s3], $0x10, s11, s16, $0xb8;
	[tilespmem:$0x1E990] =	vst v63  }
0x84: {  	s13 =	rddreg [dreg:$0x10]  }
0x85: {  	[tilespmem:s25], [sflag:$0x3] =	stream.indirect.gather [spmem:s3], $0x10, s13, s16, $0xb8;
	[tilespmem:$0x1E990] =	vst v63  }
0x86: {  	s5 =	rddreg [dreg:$0x11]  }
0x87: {  	[tilespmem:s26], [sflag:$0x3] =	stream.indirect.gather [spmem:s3], $0x10, s5, s16, $0xb8;
	[tilespmem:$0x1E990] =	vst v63  }
0x88: {  	s6 =	rddreg [dreg:$0x12]  }
0x89: {  	[tilespmem:s28], [sflag:$0x3] =	stream.indirect.gather [spmem:s3], $0x10, s6, s16, $0xb8;
	[tilespmem:$0x1E990] =	vst v63  }
0x8a: {  	s7 =	rddreg [dreg:$0x14]  }
0x8b: {  	[tilespmem:s29], [sflag:$0x3] =	stream.indirect.gather [spmem:s3], $0x10, s7, s16, $0xb8;
	[tilespmem:$0x1E990] =	vst v63  }
0x8c: {  	s11 =	rddreg [dreg:$0x15]  }
0x8d: {  	[tilespmem:s30], [sflag:$0x3] =	stream.indirect.gather [spmem:s3], $0x10, s11, s16, $0xb8;
	[tilespmem:$0x1E990] =	vst v63  }
0x8e: {  	_ =	swait.ge [sflag:s21], $0x800  }
0x8f: {  	[sflag:s21] =	ssyncset.done $0x0  }
0x90: {  	s13 =	rddreg [dreg:$0x16];
	[sflag:s21] =	ssyncadd.s32 $0xFFFFF800  }
0x91: {  	[spmem:s2] =	stream.indirect.scatter.add.f32 [tilespmem:s22], [sflag:$0x4], $0x10, s13, s16, $0xb8;
	[tilespmem:$0x1E990] =	vst v63  }
0x92: {  	s6 =	simm.s32 $0xDF00;
	s5 =	rddreg [dreg:$0x13]  }
0x93: {  	[tilespmem:s6], [sflag:$0x3] =	stream.indirect.gather [spmem:s3], $0x10, s5, s16, $0xb8;
	[tilespmem:$0x1E990] =	vst v63  }
0x94: {  	_ =	swait.ge [sflag:s21], $0x800  }
0x95: {  	[sflag:s21] =	ssyncset.done $0x0  }
0x96: {  	s7 =	rddreg [dreg:$0x17];
	[sflag:s21] =	ssyncadd.s32 $0xFFFFF800  }
0x97: {  	[spmem:s2] =	stream.indirect.scatter.add.f32 [tilespmem:s23], [sflag:$0x4], $0x10, s7, s16, $0xb8;
	[tilespmem:$0x1E990] =	vst v63  }
0x98: {  	s13 =	simm.s32 $0xE700;
	s11 =	rddreg [dreg:$0x18]  }
0x99: {  	[tilespmem:s13], [sflag:$0x3] =	stream.indirect.gather [spmem:s3], $0x10, s11, s16, $0xb8;
	[tilespmem:$0x1E990] =	vst v63  }
0x9a: {  	_ =	swait.ge [sflag:s21], $0x800  }
0x9b: {  	[sflag:s21] =	ssyncset.done $0x0  }
0x9c: {  	s6 =	rddreg [dreg:$0x19];
	[sflag:s21] =	ssyncadd.s32 $0xFFFFF800  }
0x9d: {  	[spmem:s2] =	stream.indirect.scatter.add.f32 [tilespmem:s24], [sflag:$0x4], $0x10, s6, s16, $0xb8;
	[tilespmem:$0x1E990] =	vst v63  }
0x9e: {  	s11 =	simm.s32 $0xEF00;
	s7 =	rddreg [dreg:$0x1a]  }
0x9f: {  	[tilespmem:s11], [sflag:$0x3] =	stream.indirect.gather [spmem:s3], $0x10, s7, s16, $0xb8;
	[tilespmem:$0x1E990] =	vst v63  }
0xa0: {  	_ =	swait.ge [sflag:s21], $0x800  }
0xa1: {  	[sflag:s21] =	ssyncset.done $0x0  }
0xa2: {  	s13 =	rddreg [dreg:$0x1b];
	[sflag:s21] =	ssyncadd.s32 $0xFFFFF800  }
0xa3: {  	[spmem:s2] =	stream.indirect.scatter.add.f32 [tilespmem:s25], [sflag:$0x4], $0x10, s13, s16, $0xb8;
	[tilespmem:$0x1E990] =	vst v63  }
0xa4: {  	s6 =	simm.s32 $0xF700;
	s5 =	rddreg [dreg:$0x1c]  }
0xa5: {  	[tilespmem:s6], [sflag:$0x3] =	stream.indirect.gather [spmem:s3], $0x10, s5, s16, $0xb8;
	[tilespmem:$0x1E990] =	vst v63  }
0xa6: {  	_ =	swait.ge [sflag:s21], $0x800  }
0xa7: {  	[sflag:s21] =	ssyncset.done $0x0  }
0xa8: {  	s7 =	rddreg [dreg:$0x1d];
	[sflag:s21] =	ssyncadd.s32 $0xFFFFF800  }
0xa9: {  	[spmem:s2] =	stream.indirect.scatter.add.f32 [tilespmem:s26], [sflag:$0x4], $0x10, s7, s16, $0xb8;
	[tilespmem:$0x1E990] =	vst v63  }
0xaa: {  	s13 =	simm.s32 $0xFF00;
	s11 =	rddreg [dreg:$0x1e]  }
0xab: {  	[tilespmem:s13], [sflag:$0x3] =	stream.indirect.gather [spmem:s3], $0x10, s11, s16, $0xb8;
	[tilespmem:$0x1E990] =	vst v63  }
0xac: {  	_ =	swait.ge [sflag:s21], $0x800  }
0xad: {  	[sflag:s21] =	ssyncset.done $0x0;
	s6 =	rddreg [dreg:$0x1f]  }
0xae: {  	s7 =	sld [smem:$0x7F8];
	[sflag:s21] =	ssyncadd.s32 $0xFFFFF800  }
0xaf: {  	[spmem:s2] =	stream.indirect.scatter.add.f32 [tilespmem:s28], [sflag:$0x4], $0x10, s6, s16, $0xb8;
	[tilespmem:$0x1E990] =	vst v63  }
0xb0: {  	s11 =	simm.s32 $0x10700  }
0xb1: {  	[tilespmem:s11], [sflag:$0x3] =	stream.indirect.gather [spmem:s3], $0x10, s7, s16, $0xb8;
	[tilespmem:$0x1E990] =	vst v63  }
0xb2: {  	_ =	swait.ge [sflag:s21], $0x800  }
0xb3: {  	s13 =	sld [smem:$0x7F9]  }
0xb4: {  	[sflag:s21] =	ssyncset.done $0x0  }
0xb5: {  	s5 =	sld [smem:$0x7FA];
	[sflag:s21] =	ssyncadd.s32 $0xFFFFF800  }
0xb6: {  	[spmem:s2] =	stream.indirect.scatter.add.f32 [tilespmem:s29], [sflag:$0x4], $0x10, s13, s16, $0xb8;
	[tilespmem:$0x1E990] =	vst v63  }
0xb7: {  	s6 =	simm.s32 $0x10F00  }
0xb8: {  	[tilespmem:s6], [sflag:$0x3] =	stream.indirect.gather [spmem:s3], $0x10, s5, s16, $0xb8;
	[tilespmem:$0x1E990] =	vst v63  }
0xb9: {  	_ =	swait.ge [sflag:s21], $0x800  }
0xba: {  	s7 =	sld [smem:$0x7FB]  }
.Ltmp2:
0xbb: {  	[sflag:s21] =	ssyncset.done $0x0;
	(pc) =	sbr.rel @p1 .LBB2_9-.Ltmp2, $4  }
0xbc: {  	s11 =	sld [smem:$0x7FC];
	[sflag:s21] =	ssyncadd.s32 $0xFFFFF800  }
0xbd: {  	[spmem:s2] =	stream.indirect.scatter.add.f32 [tilespmem:s30], [sflag:$0x4], $0x10, s7, s16, $0xb8;
	[tilespmem:$0x1E990] =	vst v63  }
0xbe: {  	s13 =	simm.s32 $0x11700;
	s5 =	simm.s32 $0x20000  }
0xbf: {  	[tilespmem:s13], [sflag:$0x3] =	stream.indirect.gather [spmem:s3], $0x10, s11, s16, $0xb8;
	[tilespmem:$0x1E990] =	vst v63  }
0xc0: {  	_ =	swait.ge [sflag:s21], $0x800  }
0xc1: {  	s11 =	sld [smem:$0x7FD];
	_ =	sdelay $0x1  }
0xc2: {  	s1 =	simm.s32 $0x10000  }
0xc3: {  	s13 =	sand.u32 $0x1E000, s5;
	s6 =	sand.u32 $0x1E000, s1;
	s1 =	sadd.s32 $0x1, s11  }
0xc4: {  	[sflag:s21] =	ssyncset.done $0x0;
	s6 =	sshrl.u32 s6, $0x2;
	p2 =	slt.u32 s1, $0x46  }
.Ltmp3:
0xc5: {  	[sflag:s21] =	ssyncadd.s32 $0xFFFFF800;
	s6 =	sadd.s32 $0x9F00, s6;
	(pc) =	sbr.rel @!p2 .LBB2_8-.Ltmp3, $4  }
0xc6: {  	[spmem:s2] =	stream.indirect.scatter.add.f32 [tilespmem:s6], [sflag:$0x4], $0x10, s14, s16, $0xb8;
	[tilespmem:$0x1E990] =	vst v63  }
0xc7: {  	s5 =	sadd.s32 $0x80, s14;
	s7 =	sshrl.u32 s13, $0x2;
	_ =	swait.ge [sflag:s31], $0x800  }
0xc8: {  	s13 =	smov.u32 s8;
	s6 =	simm.s32 $0x22000;
	[sflag:s31] =	ssyncset.done $0x0  }
0xc9: {  	s11 =	sadd.s32 $0x9F00, s7;
	s7 =	sadd.s32 $0x80, s8;
	[sflag:s31] =	ssyncadd.s32 $0xFFFFF800  }
.LBB2_7:
0xca: {  	[tilespmem:s11], [sflag:$0x3] =	stream.indirect.gather [spmem:s3], $0x10, s13, s16, $0xb8;
	[tilespmem:$0x1E990] =	vst v63  }
0xcb: {  	s11 =	sadd.s32 $0xFFFF0000, s6;
	s1 =	sadd.s32 $0x1, s1;
	s13 =	smov.u32 s7  }
0xcc: {  	s11 =	sand.u32 $0x1E000, s11;
	p2 =	slt.u32 s1, $0x46;
	_ =	swait.ge [sflag:s21], $0x800  }
0xcd: {  	s11 =	sshrl.u32 s11, $0x2;
	[sflag:s21] =	ssyncset.done $0x0  }
.Ltmp4:
0xce: {  	s11 =	sadd.s32 $0x9F00, s11;
	[sflag:s21] =	ssyncadd.s32 $0xFFFFF800;
	(pc) =	sbr.rel @p2 .LBB2_7-.Ltmp4, $4  }
0xcf: {  	[spmem:s2] =	stream.indirect.scatter.add.f32 [tilespmem:s11], [sflag:$0x4], $0x10, s5, s16, $0xb8;
	[tilespmem:$0x1E990] =	vst v63  }
0xd0: {  	s11 =	sand.u32 $0x1E000, s6;
	s5 =	sadd.s32 $0x80, s5;
	_ =	swait.ge [sflag:s31], $0x800  }
0xd1: {  	s6 =	sadd.s32 $0x2000, s6;
	s11 =	sshrl.u32 s11, $0x2;
	[sflag:s31] =	ssyncset.done $0x0  }
0xd2: {  	s7 =	sadd.s32 $0x80, s7;
	s11 =	sadd.s32 $0x9F00, s11;
	[sflag:s31] =	ssyncadd.s32 $0xFFFFF800  }
.LBB2_8:
0xd3: {  	[tilespmem:s11], [sflag:$0x3] =	stream.indirect.gather [spmem:s3], $0x10, s13, s16, $0xb8;
	[tilespmem:$0x1E990] =	vst v63  }
.LBB2_9:
0xd4: {  	s1 =	sadd.s32 $0x0, s15  }
0xd5: {  	s5 =	sshra.s32 s1, $0x1F  }
0xd6: {  	s5 =	sshrl.u32 s5, $0x1C  }
0xd7: {  	s5 =	sadd.s32 s5, s1  }
0xd8: {  	s5 =	sand.u32 $0x7FFF0, s5  }
0xd9: {  	s1 =	ssub.s32 s1, s5  }
0xda: {  	_ =	swait.ge [sflag:s21], $0x800;
	s6 =	simm.s32 $0x9B00;
	s1 =	sshll.u32 s1, $0xD  }
0xdb: {  	[sflag:s21] =	ssyncset.done $0x0;
	s5 =	sadd.s32 $0x1, s15;
	s1 =	sshra.s32 s1, $0x2  }
0xdc: {  	[sflag:s21] =	ssyncadd.s32 $0xFFFFF800;
	s13 =	sshra.s32 s5, $0x1F;
	s1 =	sadd.s32 $0x9F00, s1  }
0xdd: {  	[spmem:s2] =	stream.indirect.scatter.add.f32 [tilespmem:s1], [sflag:$0x4], $0x10, s6, s16, $0xb8;
	[tilespmem:$0x1E990] =	vst v63  }
0xde: {  	s7 =	sshrl.u32 s13, $0x1C;
	_ =	swait.ge [sflag:s31], $0x800  }
0xdf: {  	s6 =	simm.s32 $0x2;
	s1 =	simm.s32 $0x9B80;
	[sflag:s31] =	ssyncset.done $0x0  }
.LBB2_10:
0xe0: {  	s7 =	sadd.s32 s7, s5  }
0xe1: {  	[sflag:s31] =	ssyncadd.s32 $0xFFFFF800;
	s11 =	smov.u32 s6;
	s13 =	sadd.s32 $0x1, s6  }
0xe2: {  	p2 =	sne.s32 s6, $0x7;
	s6 =	sand.u32 $0x7FFF0, s7  }
0xe3: {  	s5 =	ssub.s32 s5, s6  }
0xe4: {  	_ =	swait.ge [sflag:s21], $0x800;
	s5 =	sshll.u32 s5, $0xD  }
.Ltmp5:
0xe5: {  	[sflag:s21] =	ssyncset.done $0x0;
	s6 =	sshra.s32 s5, $0x2;
	(pc) =	sbr.rel @p2 .LBB2_10-.Ltmp5, $4  }
0xe6: {  	s5 =	sadd.s32 s11, s15;
	[sflag:s21] =	ssyncadd.s32 $0xFFFFF800;
	s6 =	sadd.s32 $0x9F00, s6  }
0xe7: {  	[spmem:s2] =	stream.indirect.scatter.add.f32 [tilespmem:s6], [sflag:$0x4], $0x10, s1, s16, $0xb8;
	[tilespmem:$0x1E990] =	vst v63  }
0xe8: {  	s6 =	sshra.s32 s5, $0x1F;
	s1 =	sadd.s32 $0x80, s1;
	_ =	swait.ge [sflag:s31], $0x800  }
0xe9: {  	s7 =	sshrl.u32 s6, $0x1C;
	s6 =	smov.u32 s13;
	[sflag:s31] =	ssyncset.done $0x0  }
0xea: {  	s6 =	sadd.s32 s7, s5  }
0xeb: {  	s6 =	sand.u32 $0x7FFF0, s6  }
0xec: {  	[sflag:s31] =	ssyncadd.s32 $0xFFFFF800;
	s7 =	ssub.s32 s5, s6  }
0xed: {  	_ =	swait.ge [sflag:s21], $0x800;
	s5 =	sshll.u32 s7, $0xD  }
0xee: {  	[sflag:s21] =	ssyncset.done $0x0;
	s5 =	sshra.s32 s5, $0x2  }
0xef: {  	[sflag:s21] =	ssyncadd.s32 $0xFFFFF800;
	s5 =	sadd.s32 $0x9F00, s5  }
0xf0: {  	[spmem:s2] =	stream.indirect.scatter.add.f32 [tilespmem:s5], [sflag:$0x4], $0x10, s1, s16, $0xb8;
	[tilespmem:$0x1E990] =	vst v63  }
0xf1: {  	_ =	swait.ge [sflag:s31], $0x800  }
0xf2: {  	[sflag:s31] =	ssyncset.done $0x0  }
0xf3: {  	[sflag:s31] =	ssyncadd.s32 $0xFFFFF800  }
0xf4: {  	_ =	swait.ge [sflag:s31], $0x800  }
0xf5: {  	[sflag:s31] =	ssyncset.done $0x0  }
0xf6: {  	[sflag:s31] =	ssyncadd.s32 $0xFFFFF800  }
0xf7: {  	_ =	swait.ge [sflag:s31], $0x800  }
0xf8: {  	[sflag:s31] =	ssyncset.done $0x0  }
0xf9: {  	[sflag:s31] =	ssyncadd.s32 $0xFFFFF800  }
0xfa: {  	_ =	swait.ge [sflag:s31], $0x800  }
0xfb: {  	[sflag:s31] =	ssyncset.done $0x0  }
0xfc: {  	[sflag:s31] =	ssyncadd.s32 $0xFFFFF800  }
0xfd: {  	_ =	swait.ge [sflag:s31], $0x800  }
0xfe: {  	[sflag:s31] =	ssyncset.done $0x0  }
0xff: {  	[sflag:s31] =	ssyncadd.s32 $0xFFFFF800  }
0x100: {  	_ =	swait.ge [sflag:s31], $0x800  }
0x101: {  	[sflag:s31] =	ssyncset.done $0x0  }
0x102: {  	[sflag:s31] =	ssyncadd.s32 $0xFFFFF800  }
0x103: {  	_ =	swait.ge [sflag:s31], $0x800  }
0x104: {  	[sflag:s31] =	ssyncset.done $0x0  }
0x105: {  	[sflag:s31] =	ssyncadd.s32 $0xFFFFF800  }
0x106: {  	_ =	swait.ge [sflag:s31], $0x800  }
0x107: {  	[sflag:s31] =	ssyncset.done $0x0  }
0x108: {  	[sflag:s31] =	ssyncadd.s32 $0xFFFFF800  }
0x109: {  	_ =	swait.ge [sflag:s31], $0x800  }
0x10a: {  	[sflag:s31] =	ssyncset.done $0x0  }
0x10b: {  	s1 =	simm.s32 @!p0 $0x1;
	[sflag:s31] =	ssyncadd.s32 $0xFFFFF800  }
0x10c: {  	_ =	swait.ge @!p0 [sflag:s1], $0x2800  }
0x10d: {  	[sflag:s1] =	ssyncset.done @!p0 $0x0  }
0x10e: {  	[sflag:s1] =	ssyncadd.s32 @!p0 $0xFFFFD800  }
0x10f: {  	[bflag:$0x0] =	sbarrier.arrive $0xFFFF  }
0x110: {  	[tilespmem:s19], [sflag:$0x5] =	stream.linear.gather [spmem:s10], $0x2800, $0x38;
	[tilespmem:$0x1E990] =	vst v63  }
0x111: {  	_ =	swait.ge [sflag:s17], $0x2800  }
0x112: {  	[sflag:s17] =	ssyncset.done $0x0  }
0x113: {  	s11 =	rddreg [dreg:$0xb];
	[sflag:s17] =	ssyncadd.s32 $0xFFFFD800  }
0x114: {  	[hbm4b:s11+s4] =	stream.linear.scatter [tilespmem:s19], [sflag:$0x5], $0x2800, $0x38;
	[tilespmem:$0x1E990] =	vst v63  }
0x115: {  	_ =	swait.ge [sflag:s17], $0x2800  }
0x116: {  	s0 =	sadd.s32 $0x1, s0;
	s13 =	rddreg [dreg:$0xc]  }
0x117: {  	p2 =	sne.s32 s0, s13  }
.Ltmp6:
0x118: {  	_ = 	snop;
	(pc) =	sbr.rel @p2 .LBB2_1-.Ltmp6, $3  }
0x119: {  	_ =	sdelay $0x1  }
0x11a: {  	[sflag:s17] =	ssyncset.done $0x0  }
0x11b: {  	[sflag:s17] =	ssyncadd.s32 $0xFFFFD800  }
0x11c: {  	_ =	sfence.sel $0x180000  }
0x11d: {  	[bflag:$0x0] =	sbarrier.arrive $0xFFFF  }
0x11e: {  	_ =	strace $0x9000004D  }
0x11f: {  	s0 =	stileid.u32;
	[bflag:$0x2] =	sbarrier.arrive $0xFFFF  }
0x120: {  	p0 =	sne.s32 s0, $0x0;
	s0 =	rddreg [dreg:$0x4]  }
0x121: {  	s0 =	sadd.s32 @!p0 $0x100000, s0  }
0x122: {  	[sflag:s0] =	ssyncadd.tile.s32 @!p0 $0x1;
	_ =	shalt  }
.Lfunc_end2:
_tile_overlayer_lowered:
.L_overlay_start_2:
0x123: {  	(tag) =	ssettag $0x2  }
0x124: {  	s0 =	rddreg [dreg:$0x0];
	s2 =	stileid.u32  }
0x125: {  	s1 =	rddreg [dreg:$0x1];
	p0 =	sne.s32 s2, $0x0  }
0x126: {  	s3 =	rddreg [dreg:$0x2];
	[bflag:$0x3] =	sbarrier.arrive $0xFFFF;
	s2 =	simm.s32 @!p0 $0x1C05  }
0x127: {  	[timem:s3], [sflag:s2] =	dma.local @!p0 [hbm:s0], s1  }
0x128: {  	s0 =	simm.s32 @!p0 $0x5  }
0x129: {  	_ =	swait.ge @!p0 [sflag:s0], s1  }
0x12a: {  	s1 =	ssub.s32 @!p0 $0x0, s1;
	[sflag:s0] =	ssyncset.done @!p0 $0x0  }
0x12b: {  	[sflag:s0] =	ssyncadd.s32 @!p0 s1  }
0x12c: {  	[bflag:$0x3] =	sbarrier.arrive $0xFFFF  }
0x12d: {  	_ =	shalt  }

// kernel: kernel.8.cloned.1.call-start
scs
__scs_entry_jumppad:
0x0: {  	(pc) =	sbr.rel $0x88, $3  }
0x1: {  	(tag) =	ssettag $0x0;
	lr =	simm.s32 $0x1  }
0x2: {  	[smem:$0x3F9D] =	sst lr;
	_ =	strace $0xD0000000  }
0x3: {  	_ = 	snop  }
0x4: {  	_ = 	snop  }
0x5: {  	_ = 	snop  }
0x6: {  	_ = 	snop  }
0x7: {  	_ = 	snop  }
__scs_overlays_trampoline_lowered:
0x8: {  	[smem:$0x3FAC] =	sst s0  }
0x9: {  	[smem:$0x3FAD] =	sst s1  }
0xa: {  	[smem:$0x3FAE] =	sst s2  }
0xb: {  	[smem:$0x3FAF] =	sst s3  }
0xc: {  	[smem:$0x3FB0] =	sst s4  }
0xd: {  	[smem:$0x3FB1] =	sst s5  }
0xe: {  	[smem:$0x3FB2] =	sst s6  }
0xf: {  	[smem:$0x3FB3] =	sst s7  }
0x10: {  	[smem:$0x3FB4] =	sst s8  }
0x11: {  	[smem:$0x3FB5] =	sst s9;
	s0 =	simm.s32 @!p0 $0x0  }
0x12: {  	s1 =	sld [smem:$0x3F9B];
	s0 =	simm.s32 @p0 $0x1  }
0x13: {  	[smem:$0x3FB6] =	sst s0;
	s0 =	simm.s32 @!p1 $0x0  }
0x14: {  	s2 =	sld [smem:$0x3F9A];
	s0 =	simm.s32 @p1 $0x1  }
0x15: {  	[smem:$0x3FB7] =	sst s0;
	s0 =	simm.s32 @!p2 $0x0  }
0x16: {  	s3 =	sld [smem:$0x3FDB];
	s0 =	simm.s32 @p2 $0x1  }
0x17: {  	s4 =	simm.s32 $0x1BF5;
	[smem:$0x3FB9] =	sst s0  }
0x18: {  	s0 =	sld [smem:$0x3F9C];
	_ =	swait.ge [sflag:s4], $0x0  }
0x19: {  	s7 =	sld [smem:$0x3F9D]  }
0x1a: {  	s8 =	sadd.s32 $0xFFFFE003, lr  }
0x1b: {  	s9 =	sadd.s32 $0xFFFFFEF7, lr;
	s5 =	simm.s32 $0xFFFFFFFF;
	p2 =	slt.u32 s8, $0xFFFFF086  }
0x1c: {  	p1 =	slt.u32 s9, $0xF7A;
	s5 =	simm.s32 @!p2 $0x0  }
0x1d: {  	s5 =	simm.s32 @p1 $0x1;
	p0 =	seq.s32 s7, s2  }
0x1e: {  	s7 =	smul.u32 @!p0 $0xF7A, s2;
	p2 =	seq.s32 @!p0 s5, $0x0  }
0x1f: {  	s9 =	smul.u32 $0xF7A, s1;
	s8 =	simm.s32 @!p0 $0x1BF5;
	p2 =	por !p2, p0  }
0x20: {  	[sflag:s8] =	ssyncset.s32 @!p0 $0xFFFFF086;
	s6 =	sadd.s32 @!p0 s3, s7;
	s7 =	simm.s32 @!p0 $0x108  }
0x21: {  	s3 =	sadd.s32 s3, s9;
	s6 =	sadd.s32 @!p0 $0x88, s6;
	s7 =	simm.s32 @p2 $0x1082  }
0x22: {  	[simem:s7], [sflag:s8] =	dma.local @!p0 [hbm:s6], $0xF7A  }
0x23: {  	s9 =	sor.u32 $0xD0000000, s2;
	s6 =	simm.s32 $0x108;
	_ =	swait.ge @!p0 [sflag:s8], $0x0  }
0x24: {  	s3 =	sadd.s32 $0x88, s3;
	s6 =	simm.s32 @!p1 $0x1082;
	[sflag:s4] =	ssyncset.s32 $0xFFFFF086  }
0x25: {  	[simem:s6], [sflag:s4] =	dma.local [hbm:s3], $0xF7A  }
0x26: {  	[smem:$0x3F9D] =	sst s1;
	(tag) =	ssettag s2;
	_ =	strace s9  }
0x27: {  	s1 =	sld [smem:$0x3FAD]  }
0x28: {  	s2 =	sld [smem:$0x3FAE]  }
0x29: {  	s4 =	sld [smem:$0x3FB0]  }
0x2a: {  	p0 =	seq.s32 s5, $0x0;
	s5 =	sld [smem:$0x3FB1]  }
0x2b: {  	s6 =	sld [smem:$0x3FB2]  }
0x2c: {  	s7 =	sld [smem:$0x3FB3]  }
0x2d: {  	s3 =	simm.s32 $0x108;
	s8 =	sld [smem:$0x3FB4]  }
0x2e: {  	s3 =	simm.s32 @!p0 $0x1082;
	s9 =	sld [smem:$0x3FB5]  }
0x2f: {  	lr =	sadd.s32 s0, s3;
	s0 =	sld [smem:$0x3FAC]  }
0x30: {  	s3 =	sld [smem:$0x3FAF]  }
0x31: {  	[smem:$0x3FB8] =	sst s10  }
0x32: {  	s10 =	sld [smem:$0x3FB6];
	_ =	sdelay $0x3  }
0x33: {  	p0 =	seq.s32 s10, $0x1;
	s10 =	sld [smem:$0x3FB8];
	_ =	sdelay $0x3  }
0x34: {  	[smem:$0x3FB8] =	sst s10  }
0x35: {  	s10 =	sld [smem:$0x3FB7];
	_ =	sdelay $0x3  }
0x36: {  	p1 =	seq.s32 s10, $0x1;
	s10 =	sld [smem:$0x3FB8];
	_ =	sdelay $0x3  }
0x37: {  	[smem:$0x3FB8] =	sst s10  }
0x38: {  	s10 =	sld [smem:$0x3FB9]  }
0x39: {  	_ = 	snop;
	(pc) =	sbr.ind lr, $3  }
0x3a: {  	_ = 	snop  }
0x3b: {  	_ = 	snop  }
0x3c: {  	p2 =	seq.s32 s10, $0x1;
	s10 =	sld [smem:$0x3FB8]  }
0x3d: {  	_ =	shalt  }
0x3e: {  	_ =	shalt  }
0x3f: {  	_ =	shalt  }
0x40: {  	_ =	shalt  }
0x41: {  	_ =	shalt  }
0x42: {  	_ =	shalt  }
0x43: {  	_ =	shalt  }
0x44: {  	_ =	shalt  }
0x45: {  	_ =	shalt  }
0x46: {  	_ =	shalt  }
0x47: {  	_ =	shalt  }
0x48: {  	_ =	shalt  }
0x49: {  	_ =	shalt  }
0x4a: {  	_ =	shalt  }
0x4b: {  	_ =	shalt  }
0x4c: {  	_ =	shalt  }
0x4d: {  	_ =	shalt  }
0x4e: {  	_ =	shalt  }
0x4f: {  	_ =	shalt  }
0x50: {  	_ =	shalt  }
0x51: {  	_ =	shalt  }
0x52: {  	_ =	shalt  }
0x53: {  	_ =	shalt  }
0x54: {  	_ =	shalt  }
0x55: {  	_ =	shalt  }
0x56: {  	_ =	shalt  }
0x57: {  	_ =	shalt  }
0x58: {  	_ =	shalt  }
0x59: {  	_ =	shalt  }
0x5a: {  	_ =	shalt  }
0x5b: {  	_ =	shalt  }
0x5c: {  	_ =	shalt  }
0x5d: {  	_ =	shalt  }
0x5e: {  	_ =	shalt  }
0x5f: {  	_ =	shalt  }
0x60: {  	_ =	shalt  }
0x61: {  	_ =	shalt  }
0x62: {  	_ =	shalt  }
0x63: {  	_ =	shalt  }
0x64: {  	_ =	shalt  }
0x65: {  	_ =	shalt  }
0x66: {  	_ =	shalt  }
0x67: {  	_ =	shalt  }
0x68: {  	_ =	shalt  }
0x69: {  	_ =	shalt  }
0x6a: {  	_ =	shalt  }
0x6b: {  	_ =	shalt  }
0x6c: {  	_ =	shalt  }
0x6d: {  	_ =	shalt  }
0x6e: {  	_ =	shalt  }
0x6f: {  	_ =	shalt  }
0x70: {  	_ =	shalt  }
0x71: {  	_ =	shalt  }
0x72: {  	_ =	shalt  }
0x73: {  	_ =	shalt  }
0x74: {  	_ =	shalt  }
0x75: {  	_ =	shalt  }
0x76: {  	_ =	shalt  }
0x77: {  	_ =	shalt  }
0x78: {  	_ =	shalt  }
0x79: {  	_ =	shalt  }
0x7a: {  	_ =	shalt  }
0x7b: {  	_ =	shalt  }
0x7c: {  	_ =	shalt  }
0x7d: {  	_ =	shalt  }
0x7e: {  	_ =	shalt  }
0x7f: {  	_ =	shalt  }
0x80: {  	_ =	shalt  }
0x81: {  	_ =	shalt  }
0x82: {  	_ =	shalt  }
0x83: {  	_ =	shalt  }
0x84: {  	_ =	shalt  }
0x85: {  	_ =	shalt  }
0x86: {  	_ =	shalt  }
0x87: {  	_ =	shalt  }
.Lfunc_end0:
.L_simem_size_0:
called_computation_lowered:
.L_overlay_start_0:
0x88: {  	s2 =	sld [smem:$0x3FD9]  }
0x89: {  	s3 =	sld [smem:$0x3FFE];
	_ =	sdelay $0x1  }
0x8a: {  	s1 =	srdreg.scid  }
0x8b: {  	s0 =	sand.u32 $0x1, s1  }
0x8c: {  	s17 =	sshll.u32 s0, $0xA;
	s2 =	sadd.s32 s3, s2  }
0x8d: {  	s2 =	sadd.s32 s2, s17  }
0x8e: {  	[smem:$0x3FC4] =	sst s2  }
0x8f: {  	_ = 	snop  }
0x90: {  	s2 =	sld [smem:$0x3FD0];
	(tm) =	ssettm $0x1  }
0x91: {  	s18 =	sld [smem:$0x3FFB];
	_ =	sdelay $0x3  }
0x92: {  	_ =	strace s18  }
0x93: {  	s3 =	sld [smem:$0x3FFC];
	_ =	sdelay $0x3  }
0x94: {  	_ =	strace s3  }
0x95: {  	s3 =	sld [smem:$0x3FFD];
	_ =	sdelay $0x3  }
0x96: {  	_ =	strace s3  }
0x97: {  	_ =	strace $0x8FFFFFFF  }
0x98: {  	s19 =	sld [smem:$0x3FDB];
	_ =	sdelay $0x1  }
0x99: {  	s4 =	simm.s32 $_scs_section_size  }
0x9a: {  	s5 =	simm.s32 $_size__tile_overlayer_lowered;
	s6 =	simm.s32 $_tile_overlayer_lowered  }
0x9b: {  	s22 =	simm.s32 $0x1BFF;
	s21 =	sshll.u32 s6, $0x1;
	s3 =	sadd.s32 s4, s19  }
0x9c: {  	s7 =	simm.s32 $0x0;
	s20 =	sshll.u32 s5, $0x1;
	s5 =	sadd.s32 s21, s3  }
0x9d: {  	[timem:s7], [sflag:s22] =	dma.local [hbm:s5], s20  }
0x9e: {  	_ =	swait.ge [sflag:s22], s20  }
0x9f: {  	s4 =	ssub.s32 $0x0, s20;
	[sflag:s22] =	ssyncset.done $0x0  }
0xa0: {  	[sflag:s22] =	ssyncadd.s32 s4;
	_ =	sdelay $0x1  }
0xa1: {  	s23 =	simm.s32 $0x1B8B  }
0xa2: {  	_ =	swait.ge [sflag:s23], $0x1  }
0xa3: {  	[sflag:s23] =	ssyncset.done $0x0  }
0xa4: {  	s25 =	simm.s32 $0x1B8E;
	s24 =	sld [smem:$0x3FFE];
	[sflag:s23] =	ssyncadd.s32 $0xFFFFFFFF  }
0xa5: {  	s26 =	simm.s32 $execute0_lowered;
	[smem:$0x3FD2] =	sst s25  }
0xa6: {  	s5 =	sshll.u32 s26, $0x1;
	_ =	strace $0x80000046;
	[dreg:$0x1] =	wrdreg $0xFFFFFFFF  }
0xa7: {  	s28 =	simm.s32 $_size_execute0_lowered;
	s3 =	sadd.s32 s3, s5;
	[dreg:$0x0] =	wrdreg $0x0  }
0xa8: {  	s5 =	sshll.u32 s28, $0x1;
	[dreg:$0x2] =	wrdreg s3  }
0xa9: {  	[dreg:$0x3] =	wrdreg s5  }
0xaa: {  	[dreg:$0x4] =	wrdreg $0xC0  }
0xab: {  	_ =	task [dreg:s7], $0x5FFFF  }
0xac: {  	[dreg:$0x1] =	wrdreg $0xFFFFFFFF  }
0xad: {  	[dreg:$0x0] =	wrdreg $0x60  }
0xae: {  	[dreg:$0x2] =	wrdreg s2  }
0xaf: {  	[dreg:$0x3] =	wrdreg s24  }
0xb0: {  	[dreg:$0x4] =	wrdreg $0x0  }
0xb1: {  	[dreg:$0x5] =	wrdreg $0x9  }
0xb2: {  	_ =	task.clear_ibuf [dreg:s7], $0x6FFFF;
	_ =	strace $0x90000046  }
0xb3: {  	s29 =	simm.s32 $0x9;
	_ =	strace $0x80000048  }
0xb4: {  	_ =	swait.ge [sflag:s29], $0x1  }
0xb5: {  	[sflag:s29] =	ssyncadd.s32 $0xFFFFFFFF  }
0xb6: {  	_ =	strace $0x90000048  }
0xb7: {  	_ =	sfence  }
0xb8: {  	s30 =	sld [smem:$0x0];
	_ =	sdelay $0x2  }
0xb9: {  	s31 =	sshll.u32 s1, $0xD;
	s1 =	sshrl.u32 s1, $0x2  }
0xba: {  	s3 =	sand.u32 $0x4000, s31;
	s1 =	sadd.s32 s1, s30  }
0xbb: {  	s0 =	sor.u32 s3, s0;
	s1 =	sshll.u32 s1, $0x11  }
0xbc: {  	s0 =	sor.u32 s1, s0  }
0xbd: {  	s0 =	sadd.s32 $0x8F2B, s0  }
0xbe: {  	[sflag:s0] =	ssyncadd.remote.s32 $0x1  }
0xbf: {  	_ =	sfence.sel $0xFFFF  }
0xc0: {  	[dreg:$0x0] =	wrdreg $0xFFFFFFFF;
	(pc) =	sbr.abs _section_cstart, $3  }
0xc1: {  	[dreg:$0x1] =	wrdreg $0xFFFFFFFF  }
0xc2: {  	_ =	task.clear_ibuf [dreg:s7], $0x2FFFF;
	_ =	strace $0x9FFFFFFF  }
0xc3: {  	(tm) =	ssettm $0x7FFFFFFF  }
tec
execute0_lowered:
.L_overlay_start_1:
0x0: {  	(tag) =	ssettag $0x1  }
0x1: {  	s4 =	rddreg [dreg:$0x0]  }
0x2: {  	s1 =	srdreg.scid;
	s5 =	rddreg [dreg:$0x1]  }
0x3: {  	s0 =	stileid.u32;
	s2 =	rddreg [dreg:$0x2]  }
0x4: {  	s3 =	simm.s32 $0x0;
	s17 =	simm.s32 $0x2;
	s7 =	smul.u32 $0x280, s0  }
0x5: {  	s18 =	simm.s32 $0x80;
	s19 =	simm.s32 $0x2A00;
	s12 =	smul.u32 $0x9E, s0  }
0x6: {  	s20 =	simm.s32 $0x1;
	s6 =	sand.u32 $0x1, s1;
	s25 =	smul.u32 $0x13C00, s0  }
0x7: {  	s21 =	simm.s32 $0x0;
	s1 =	rddreg [dreg:$0x3];
	s8 =	smul.u32 $0x2800, s6  }
0x8: {  	s9 =	sshll.u32 s0, $0x1;
	[smem:$0x7FF] =	sst s3;
	s13 =	smul.u32 $0x4F, s6  }
0x9: {  	s9 =	sor.u32 s6, s9;
	s23 =	ssub.s32 $0x2, s6;
	s28 =	smul.u32 $0x9E00, s6  }
0xa: {  	_ =	strace $0x80000047;
	s9 =	smul.u32 $0x4F, s9;
	s10 =	sshrl.u32 s23, $0x1  }
0xb: {  	s8 =	sadd.s32 s7, s8;
	s10 =	ssub.s32 s23, s10;
	s26 =	sadd.s32 s13, s12  }
0xc: {  	s8 =	sshrl.u32 s8, $0x3;
	s11 =	smin.u32 s9, $0x975;
	s13 =	smin.u32 s26, $0x975  }
0xd: {  	s8 =	sadd.s32 s8, s5;
	s24 =	sshll.u32 s11, $0x4;
	s14 =	ssub.s32 s9, s11  }
0xe: {  	s5 =	sadd.s32 s7, s2;
	s9 =	sadd.s32 s28, s25;
	s30 =	sshll.u32 s13, $0x9  }
0xf: {  	s7 =	smax.u32 s10, $0x1;
	s13 =	ssub.s32 s26, s13;
	s4 =	sadd.s32 s24, s4  }
0x10: {  	s6 =	sadd.s32 $0x2600, s8;
	s29 =	sshll.u32 s14, $0x9;
	s31 =	ssub.s32 s9, s30  }
.Ltmp0:
0x11: {  	p0 =	slt.u32 s14, $0x4B;
	s14 =	simm.s32 $0x280;
	(pc) =	sbr.rel .LBB2_1-.Ltmp0, $4  }
0x12: {  	s4 =	sadd.s32 $0x9C40, s4;
	s15 =	sshra.s32 s29, $0x2;
	s12 =	sadd.s32 $0x800, s31  }
0x13: {  	s8 =	sadd.s32 $0x280, s15;
	s9 =	sadd.s32 $0x300, s15;
	s10 =	sadd.s32 $0x380, s15  }
0x14: {  	s16 =	sshra.s32 s12, $0x2;
	s11 =	sadd.s32 $0x400, s15;
	s12 =	sadd.s32 $0x3, s13  }
0x15: {  	v0 =	vimm.f32 $0.0e+00;
	v1 =	vimm.f32 $1.000000000e+00;
	s15 =	simm.s32 $0x2A80;
	s13 =	sadd.s32 $0x280, s16;
	s16 =	simm.s32 $0x3  }
.LBB2_6:
0x16: {  	[spmem:s2] =	stream.indirect.scatter.add.f32 [tilespmem:s19], [sflag:$0x1], $0x1, s24, s18, $0xb8;
	[tilespmem:$0x2D00] =	vst v63  }
.LBB2_2:
0x17: {  	_ =	swait.ge [sflag:s20], $0x80  }
0x18: {  	[sflag:s20] =	ssyncset.done $0x0  }
0x19: {  	[sflag:s20] =	ssyncadd.s32 $0xFFFFFF80  }
0x1a: {  	_ =	swait.ge [sflag:s20], $0x80  }
0x1b: {  	[sflag:s20] =	ssyncset.done $0x0  }
0x1c: {  	[sflag:s20] =	ssyncadd.s32 $0xFFFFFF80  }
0x1d: {  	_ =	swait.ge [sflag:s20], $0x80  }
0x1e: {  	[sflag:s20] =	ssyncset.done $0x0  }
0x1f: {  	[sflag:s20] =	ssyncadd.s32 $0xFFFFFF80  }
0x20: {  	_ =	swait.ge [sflag:s20], $0x80  }
0x21: {  	[sflag:s20] =	ssyncset.done $0x0  }
0x22: {  	[sflag:s20] =	ssyncadd.s32 $0xFFFFFF80  }
0x23: {  	[bflag:$0x0] =	sbarrier.arrive $0xFFFF  }
0x24: {  	[tilespmem:s15], [sflag:$0x3] =	stream.linear.gather [spmem:s5], $0x280, $0x38;
	[tilespmem:$0x2D00] =	vst v63  }
0x25: {  	s21 =	sadd.s32 $0x1, s21;
	_ =	swait.ge [sflag:s16], $0x280  }
0x26: {  	p1 =	seq.s32 s21, s7;
	[sflag:s16] =	ssyncset.done $0x0  }
.Ltmp1:
0x27: {  	[sflag:s16] =	ssyncadd.s32 $0xFFFFFD80;
	(pc) =	sbr.rel @p1 .LBB2_3-.Ltmp1, $4  }
0x28: {  	[hbm4b:s6+s3] =	stream.linear.scatter [tilespmem:s15], [sflag:$0x3], $0x280, $0x38;
	[tilespmem:$0x2D00] =	vst v63  }
0x29: {  	_ =	swait.ge [sflag:s16], $0x280  }
0x2a: {  	[sflag:s16] =	ssyncset.done $0x0  }
0x2b: {  	[sflag:s16] =	ssyncadd.s32 $0xFFFFFD80  }
.LBB2_1:
0x2c: {  	[tilespmem:s14], [sflag:$0x2] =	stream.linear.gather [hbm4b:s4+s3], $0x2780, $0x38;
	[tilespmem:$0x2D00] =	vst v63  }
0x2d: {  	[tilespmem:$0x2A80] =	vst v0  }
0x2e: {  	[tilespmem:$0x2A90] =	vst v0  }
0x2f: {  	[tilespmem:$0x2AA0] =	vst v0  }
0x30: {  	[tilespmem:$0x2AB0] =	vst v0  }
0x31: {  	[tilespmem:$0x2AC0] =	vst v0  }
0x32: {  	[tilespmem:$0x2AD0] =	vst v0  }
0x33: {  	[tilespmem:$0x2AE0] =	vst v0  }
0x34: {  	[tilespmem:$0x2AF0] =	vst v0  }
0x35: {  	[tilespmem:$0x2B00] =	vst v0  }
0x36: {  	[tilespmem:$0x2B10] =	vst v0  }
0x37: {  	[tilespmem:$0x2B20] =	vst v0  }
0x38: {  	[tilespmem:$0x2B30] =	vst v0  }
0x39: {  	[tilespmem:$0x2B40] =	vst v0  }
0x3a: {  	[tilespmem:$0x2B50] =	vst v0  }
0x3b: {  	[tilespmem:$0x2B60] =	vst v0  }
0x3c: {  	[tilespmem:$0x2B70] =	vst v0  }
0x3d: {  	[tilespmem:$0x2B80] =	vst v0  }
0x3e: {  	[tilespmem:$0x2B90] =	vst v0  }
0x3f: {  	[tilespmem:$0x2BA0] =	vst v0  }
0x40: {  	[tilespmem:$0x2BB0] =	vst v0  }
0x41: {  	[tilespmem:$0x2BC0] =	vst v0  }
0x42: {  	[tilespmem:$0x2BD0] =	vst v0  }
0x43: {  	[tilespmem:$0x2BE0] =	vst v0  }
0x44: {  	[tilespmem:$0x2BF0] =	vst v0  }
0x45: {  	[tilespmem:$0x2C00] =	vst v0  }
0x46: {  	[tilespmem:$0x2C10] =	vst v0  }
0x47: {  	[tilespmem:$0x2C20] =	vst v0  }
0x48: {  	[tilespmem:$0x2C30] =	vst v0  }
0x49: {  	[tilespmem:$0x2C40] =	vst v0  }
0x4a: {  	[tilespmem:$0x2C50] =	vst v0  }
0x4b: {  	[tilespmem:$0x2C60] =	vst v0  }
0x4c: {  	[tilespmem:$0x2C70] =	vst v0  }
0x4d: {  	[tilespmem:$0x2C80] =	vst v0  }
0x4e: {  	[tilespmem:$0x2C90] =	vst v0  }
0x4f: {  	[tilespmem:$0x2CA0] =	vst v0  }
0x50: {  	[tilespmem:$0x2CB0] =	vst v0  }
0x51: {  	[tilespmem:$0x2CC0] =	vst v0  }
0x52: {  	[tilespmem:$0x2CD0] =	vst v0  }
0x53: {  	[tilespmem:$0x2CE0] =	vst v0  }
0x54: {  	[tilespmem:$0x2CF0] =	vst v0  }
0x55: {  	[tilespmem:$0x2A00] =	vst v1  }
0x56: {  	[tilespmem:$0x2A10] =	vst v1  }
0x57: {  	[tilespmem:$0x2A20] =	vst v1  }
0x58: {  	[tilespmem:$0x2A30] =	vst v1  }
0x59: {  	[tilespmem:$0x2A40] =	vst v1  }
0x5a: {  	[tilespmem:$0x2A50] =	vst v1  }
0x5b: {  	[tilespmem:$0x2A60] =	vst v1  }
0x5c: {  	[tilespmem:$0x2A70] =	vst v1  }
0x5d: {  	[spmem:s5] =	stream.linear.scatter [tilespmem:s15], [sflag:$0x3], $0x280, $0x38;
	[tilespmem:$0x2D00] =	vst v63  }
0x5e: {  	_ =	swait.ge [sflag:s16], $0x280  }
0x5f: {  	[sflag:s16] =	ssyncset.done $0x0  }
0x60: {  	[sflag:s16] =	ssyncadd.s32 $0xFFFFFD80  }
0x61: {  	_ =	swait.ge [sflag:s17], $0x2780  }
0x62: {  	[sflag:s17] =	ssyncset.done $0x0  }
0x63: {  	[sflag:s17] =	ssyncadd.s32 $0xFFFFD880  }
0x64: {  	[bflag:$0x0] =	sbarrier.arrive $0xFFFF  }
0x65: {  	[spmem:s2] =	stream.indirect.scatter.add.f32 [tilespmem:s19], [sflag:$0x1], $0x1, s8, s18, $0xb8;
	[tilespmem:$0x2D00] =	vst v63  }
0x66: {  	_ = 	snop  }
0x67: {  	[spmem:s2] =	stream.indirect.scatter.add.f32 [tilespmem:s19], [sflag:$0x1], $0x1, s9, s18, $0xb8;
	[tilespmem:$0x2D00] =	vst v63  }
.Ltmp2:
0x68: {  	_ = 	snop;
	(pc) =	sbr.rel @!p0 .LBB2_2-.Ltmp2, $4  }
0x69: {  	_ = 	snop  }
0x6a: {  	[spmem:s2] =	stream.indirect.scatter.add.f32 [tilespmem:s19], [sflag:$0x1], $0x1, s10, s18, $0xb8;
	[tilespmem:$0x2D00] =	vst v63  }
0x6b: {  	_ = 	snop  }
0x6c: {  	[spmem:s2] =	stream.indirect.scatter.add.f32 [tilespmem:s19], [sflag:$0x1], $0x1, s11, s18, $0xb8;
	[tilespmem:$0x2D00] =	vst v63  }
0x6d: {  	s22 =	sadd.s32 $0x1, s12  }
0x6e: {  	p1 =	slt.u32 s22, $0x4E  }
.Ltmp3:
0x6f: {  	_ = 	snop;
	(pc) =	sbr.rel @!p1 .LBB2_6-.Ltmp3, $4  }
0x70: {  	_ = 	snop  }
0x71: {  	_ =	swait.ge [sflag:s20], $0x80  }
0x72: {  	[sflag:s20] =	ssyncset.done $0x0  }
0x73: {  	s23 =	sadd.s32 $0x80, s13;
	s24 =	smov.u32 s13;
	[sflag:s20] =	ssyncadd.s32 $0xFFFFFF80  }
.LBB2_5:
0x74: {  	[spmem:s2] =	stream.indirect.scatter.add.f32 [tilespmem:s19], [sflag:$0x1], $0x1, s24, s18, $0xb8;
	[tilespmem:$0x2D00] =	vst v63  }
0x75: {  	s22 =	sadd.s32 $0x1, s22  }
0x76: {  	p1 =	slt.u32 s22, $0x4E  }
.Ltmp4:
0x77: {  	s24 =	smov.u32 s23;
	(pc) =	sbr.rel @p1 .LBB2_5-.Ltmp4, $4  }
0x78: {  	_ = 	snop  }
0x79: {  	_ =	swait.ge [sflag:s20], $0x80  }
0x7a: {  	[sflag:s20] =	ssyncset.done $0x0  }
0x7b: {  	s23 =	sadd.s32 $0x80, s23;
	[sflag:s20] =	ssyncadd.s32 $0xFFFFFF80  }
.Ltmp5:
0x7c: {  	_ = 	snop;
	(pc) =	sbr.rel .LBB2_6-.Ltmp5, $1  }
0x7d: {  	_ =	sdelay $0x3  }
.LBB2_3:
0x7e: {  	_ =	sfence.sel $0x180000  }
0x7f: {  	[bflag:$0x0] =	sbarrier.arrive $0xFFFF  }
0x80: {  	p0 =	sne.s32 s0, $0x0;
	_ =	strace $0x90000047  }
0x81: {  	s0 =	sadd.s32 @!p0 $0x100000, s1;
	[bflag:$0x2] =	sbarrier.arrive $0xFFFF  }
0x82: {  	[sflag:s0] =	ssyncadd.tile.s32 @!p0 $0x1;
	_ =	shalt  }
.Lfunc_end2:
_tile_overlayer_lowered:
.L_overlay_start_2:
0x83: {  	(tag) =	ssettag $0x2  }
0x84: {  	s0 =	rddreg [dreg:$0x0];
	s2 =	stileid.u32  }
0x85: {  	s1 =	rddreg [dreg:$0x1];
	p0 =	sne.s32 s2, $0x0  }
0x86: {  	s3 =	rddreg [dreg:$0x2];
	[bflag:$0x3] =	sbarrier.arrive $0xFFFF;
	s2 =	simm.s32 @!p0 $0x1C03  }
0x87: {  	[timem:s3], [sflag:s2] =	dma.local @!p0 [hbm:s0], s1  }
0x88: {  	s0 =	simm.s32 @!p0 $0x3  }
0x89: {  	_ =	swait.ge @!p0 [sflag:s0], s1  }
0x8a: {  	s1 =	ssub.s32 @!p0 $0x0, s1;
	[sflag:s0] =	ssyncset.done @!p0 $0x0  }
0x8b: {  	[sflag:s0] =	ssyncadd.s32 @!p0 s1  }
0x8c: {  	[bflag:$0x3] =	sbarrier.arrive $0xFFFF  }
0x8d: {  	_ =	shalt  }

</sc_bundles>
